<compile_context>
chip_gen: v7x
topology: tpu7x:2x2x1
jax: 0.10.2.dev20260603
libtpu: 0.0.44.dev20260713+nightly
codegen_flags: <defaults>
</compile_context>

<pallas_src>
import functools

import jax
import jax.numpy as jnp
from jax import lax
from jax.experimental import pallas as pl
from jax.experimental.pallas import tpu as pltpu
from jax.experimental.pallas import tpu_sc as plsc

N = 16384
C = 64
H = 32
K = 16
NUM_B = 4
BR = 512
W = 2048
NBLK = N // BR
INT_MAX = 2147483647
F32_INF = float("inf")



def _phase_a_body(clo_ref, chi_ref, coordT_ref, batchT_ref, coord_ref,
                  batch_ref, feat_ref, w1_ref, b1_ref,
                  topkd_ref, topki_ref, h_ref, bn_ref):
    i = pl.program_id(0)
    r0 = i * BR

    rc = coord_ref[...]
    br = batch_ref[...]
    sqr = jnp.sum(rc * rc, axis=1, keepdims=True)
    ri = r0 + lax.broadcasted_iota(jnp.int32, (BR, 1), 0)

    h = jnp.dot(feat_ref[...], w1_ref[...],
                preferred_element_type=jnp.float32) + b1_ref[...]
    h_ref[...] = h
    bt_row = batchT_ref[:, pl.ds(r0, BR)]
    onehotT = (lax.broadcasted_iota(jnp.int32, (NUM_B, 1), 0)
               == bt_row).astype(jnp.float32)

    @pl.when(i == 0)
    def _():
        bn_ref[...] = jnp.zeros_like(bn_ref)

    bn_ref[0:NUM_B, 0:H] += jnp.dot(onehotT, h,
                                    preferred_element_type=jnp.float32)
    bn_ref[NUM_B:2 * NUM_B, 0:H] += jnp.dot(
        onehotT, h * h, preferred_element_type=jnp.float32)
    bn_ref[2 * NUM_B:3 * NUM_B, 0:1] += jnp.sum(onehotT, axis=1,
                                                keepdims=True)

    clo = clo_ref[i]
    chi = chi_ref[i]
    t0 = clo // W
    t1 = (chi + W - 1) // W

    lane16 = lax.broadcasted_iota(jnp.int32, (1, K), 1)

    def tile_body(t, carry):
        cur_d, cur_i = carry
        cs = pl.multiple_of(t * W, W)
        ct = coordT_ref[:, pl.ds(cs, W)]
        bc = batchT_ref[:, pl.ds(cs, W)]
        sqc = jnp.sum(ct * ct, axis=0, keepdims=True)
        d2 = sqr + sqc - 2.0 * jnp.dot(rc, ct,
                                       preferred_element_type=jnp.float32)
        cj = cs + lax.broadcasted_iota(jnp.int32, (1, W), 1)
        valid = (bc == br) & (cj != ri)
        d2 = jnp.where(valid, jnp.maximum(d2, 0.0), F32_INF)

        new_d = jnp.zeros((BR, K), jnp.float32)
        new_i = jnp.zeros((BR, K), jnp.int32)
        for k in range(K):
            m1 = jnp.min(cur_d, axis=1, keepdims=True)
            m2 = jnp.min(d2, axis=1, keepdims=True)
            m = jnp.minimum(m1, m2)
            i1 = jnp.min(jnp.where(cur_d == m, cur_i, INT_MAX),
                         axis=1, keepdims=True)
            i2 = jnp.min(jnp.where(d2 == m, cj, INT_MAX),
                         axis=1, keepdims=True)
            sel = jnp.minimum(i1, i2)
            new_d = jnp.where(lane16 == k, m, new_d)
            new_i = jnp.where(lane16 == k, sel, new_i)
            cur_d = jnp.where((cur_d == m) & (cur_i == sel), F32_INF, cur_d)
            d2 = jnp.where((d2 == m) & (cj == sel), F32_INF, d2)
        return new_d, new_i

    init = (jnp.full((BR, K), F32_INF, jnp.float32),
            jnp.zeros((BR, K), jnp.int32))
    fin_d, fin_i = lax.fori_loop(t0, t1, tile_body, init)
    topkd_ref[...] = jnp.sqrt(fin_d)
    topki_ref[...] = fin_i


def _phase_a(clo, chi, coordT, batchT, coord2d, batch2d, feat, W1, b1_2):
    return pl.pallas_call(
        _phase_a_body,
        grid=(NBLK,),
        in_specs=[
            pl.BlockSpec(memory_space=pltpu.SMEM),
            pl.BlockSpec(memory_space=pltpu.SMEM),
            pl.BlockSpec((3, N), lambda i: (0, 0)),
            pl.BlockSpec((1, N), lambda i: (0, 0)),
            pl.BlockSpec((BR, 3), lambda i: (i, 0)),
            pl.BlockSpec((BR, 1), lambda i: (i, 0)),
            pl.BlockSpec((BR, C), lambda i: (i, 0)),
            pl.BlockSpec((C, H), lambda i: (0, 0)),
            pl.BlockSpec((1, H), lambda i: (0, 0)),
        ],
        out_specs=[
            pl.BlockSpec((BR, K), lambda i: (i, 0)),
            pl.BlockSpec((BR, K), lambda i: (i, 0)),
            pl.BlockSpec((BR, H), lambda i: (i, 0)),
            pl.BlockSpec((16, 128), lambda i: (0, 0)),
        ],
        out_shape=[
            jax.ShapeDtypeStruct((N, K), jnp.float32),
            jax.ShapeDtypeStruct((N, K), jnp.int32),
            jax.ShapeDtypeStruct((N, H), jnp.float32),
            jax.ShapeDtypeStruct((16, 128), jnp.float32),
        ],
    )(clo, chi, coordT, batchT, coord2d, batch2d, feat, W1, b1_2)



def _sc_gather(idx_flat, x, y, z):
    info = plsc.get_sparse_core_info()
    nc, ns = info.num_cores, info.num_subcores
    nw = nc * ns
    b_per_w = (N * K) // nw
    mesh = plsc.VectorSubcoreMesh(core_axis_name="c", subcore_axis_name="s")

    @functools.partial(
        pl.kernel, mesh=mesh,
        out_type=[jax.ShapeDtypeStruct((N * K,), jnp.float32)] * 3,
        scratch_types=[
            pltpu.VMEM((b_per_w,), jnp.int32),
            pltpu.VMEM((b_per_w,), jnp.float32),
            pltpu.VMEM((b_per_w,), jnp.float32),
            pltpu.VMEM((b_per_w,), jnp.float32),
            pltpu.SemaphoreType.DMA,
            pltpu.SemaphoreType.DMA,
            pltpu.SemaphoreType.DMA,
        ],
    )
    def gather_k(idx_hbm, x_hbm, y_hbm, z_hbm, gx_hbm, gy_hbm, gz_hbm,
                 idx_v, gxv, gyv, gzv, sem_x, sem_y, sem_z):
        wid = lax.axis_index("s") * nc + lax.axis_index("c")
        base = wid * b_per_w
        pltpu.sync_copy(idx_hbm.at[pl.ds(base, b_per_w)], idx_v)
        cx = pltpu.async_copy(x_hbm.at[idx_v], gxv, sem_x)
        cy = pltpu.async_copy(y_hbm.at[idx_v], gyv, sem_y)
        cz = pltpu.async_copy(z_hbm.at[idx_v], gzv, sem_z)
        cx.wait()
        cy.wait()
        cz.wait()
        pltpu.sync_copy(gxv, gx_hbm.at[pl.ds(base, b_per_w)])
        pltpu.sync_copy(gyv, gy_hbm.at[pl.ds(base, b_per_w)])
        pltpu.sync_copy(gzv, gz_hbm.at[pl.ds(base, b_per_w)])

    return gather_k(idx_flat, x, y, z)



def _acos(x):
    ax = jnp.abs(x)
    p = jnp.float32(-0.0012624911)
    p = p * ax + jnp.float32(0.0066700901)
    p = p * ax + jnp.float32(-0.0170881256)
    p = p * ax + jnp.float32(0.0308918810)
    p = p * ax + jnp.float32(-0.0501743046)
    p = p * ax + jnp.float32(0.0889789874)
    p = p * ax + jnp.float32(-0.2145988016)
    p = p * ax + jnp.float32(1.5707963050)
    a = jnp.sqrt(jnp.maximum(1.0 - ax, 0.0)) * p
    return jnp.where(x >= 0.0, a, jnp.float32(3.14159265358979) - a)


def _cos_small(t):
    t2 = t * t
    c = jnp.float32(1.0 / 40320.0)
    c = c * t2 - jnp.float32(1.0 / 720.0)
    c = c * t2 + jnp.float32(1.0 / 24.0)
    c = c * t2 - jnp.float32(0.5)
    c = c * t2 + jnp.float32(1.0)
    return c


def _phase_c_body(gx_ref, gy_ref, gz_ref, topkd_ref, h_ref, batch_ref,
                  bn_ref, gamma_ref, beta_ref, w2_ref, b2_ref, out_ref):
    gx = gx_ref[...]
    gy = gy_ref[...]
    gz = gz_ref[...]
    kf = jnp.float32(K)

    mx = jnp.sum(gx, axis=1, keepdims=True) / kf
    my = jnp.sum(gy, axis=1, keepdims=True) / kf
    mz = jnp.sum(gz, axis=1, keepdims=True) / kf
    den = jnp.float32(1.0 / (K - 1))
    cxx = (jnp.sum(gx * gx, axis=1, keepdims=True) - kf * mx * mx) * den
    cyy = (jnp.sum(gy * gy, axis=1, keepdims=True) - kf * my * my) * den
    czz = (jnp.sum(gz * gz, axis=1, keepdims=True) - kf * mz * mz) * den
    cxy = (jnp.sum(gx * gy, axis=1, keepdims=True) - kf * mx * my) * den
    cxz = (jnp.sum(gx * gz, axis=1, keepdims=True) - kf * mx * mz) * den
    cyz = (jnp.sum(gy * gz, axis=1, keepdims=True) - kf * my * mz) * den

    tr = cxx + cyy + czz
    q = tr * jnp.float32(1.0 / 3.0)
    p1 = cxy * cxy + cxz * cxz + cyz * cyz
    dxx, dyy, dzz = cxx - q, cyy - q, czz - q
    p2 = dxx * dxx + dyy * dyy + dzz * dzz + 2.0 * p1
    p = jnp.sqrt(jnp.maximum(p2 * jnp.float32(1.0 / 6.0), 0.0))
    ps = jnp.maximum(p, jnp.float32(1e-30))
    bxx, byy, bzz = dxx / ps, dyy / ps, dzz / ps
    bxy, bxz, byz = cxy / ps, cxz / ps, cyz / ps
    detb = (bxx * (byy * bzz - byz * byz)
            - bxy * (bxy * bzz - byz * bxz)
            + bxz * (bxy * byz - byy * bxz))
    r = jnp.clip(detb * 0.5, -1.0, 1.0)
    phi = _acos(r) * jnp.float32(1.0 / 3.0)
    lam_max = q + 2.0 * p * _cos_small(phi)
    linearity = (2.0 * lam_max - tr) / (tr + jnp.float32(1e-6))

    mean_dist = jnp.sum(topkd_ref[...], axis=1, keepdims=True) / kf
    density = 1.0 / (mean_dist + jnp.float32(1e-6))

    cnt = bn_ref[2 * NUM_B:3 * NUM_B, 0:1]
    cntf = jnp.maximum(cnt, 1.0)
    mu4 = bn_ref[0:NUM_B, 0:H] / cntf
    var4 = bn_ref[NUM_B:2 * NUM_B, 0:H] / cntf - mu4 * mu4

    brc = batch_ref[...]
    onehot = (brc == lax.broadcasted_iota(jnp.int32, (1, NUM_B), 1)
              ).astype(jnp.float32)
    mu_row = jnp.dot(onehot, mu4, preferred_element_type=jnp.float32)
    var_row = jnp.dot(onehot, var4, preferred_element_type=jnp.float32)
    cnt_row = jnp.dot(onehot, cnt, preferred_element_type=jnp.float32)

    hn = ((h_ref[...] - mu_row) / jnp.sqrt(var_row + jnp.float32(1e-5))
          * gamma_ref[...] + beta_ref[...])
    hn = jnp.maximum(hn, 0.0)
    logits = jnp.dot(hn, w2_ref[...],
                     preferred_element_type=jnp.float32) + b2_ref[...]
    lmax = jnp.max(logits, axis=1, keepdims=True)
    e = jnp.exp(logits - lmax)
    probs = e / jnp.sum(e, axis=1, keepdims=True)
    p0 = probs[:, 0:1]
    p1r = probs[:, 1:2]
    p2r = probs[:, 2:3]

    tower = (density * 2.0 + p0) * jnp.float32(1.0 / 3.0)
    bg = (jnp.maximum(1.0 - linearity, 1.0 - density) + p1r) * jnp.float32(1.0 / 3.0)
    line = (linearity * 2.0 + p2r) * jnp.float32(1.0 / 3.0)

    o0 = tower * 0.05 + bg * 0.2 + line * 0.1 + jnp.float32(1e-6)
    o2 = tower * 0.05 + bg * 0.2 + line * 2.0 + jnp.float32(1e-6)
    stacked = jnp.concatenate([o0, o0, o2], axis=1)
    ok = cnt_row >= jnp.float32(K)
    out_ref[...] = jnp.where(ok, stacked, jnp.float32(0.2))


def _phase_c(gx, gy, gz, topkd, h_all, batch2d, bn, gamma2, beta2, W2, b2_2):
    return pl.pallas_call(
        _phase_c_body,
        grid=(NBLK,),
        in_specs=[
            pl.BlockSpec((BR, K), lambda i: (i, 0)),
            pl.BlockSpec((BR, K), lambda i: (i, 0)),
            pl.BlockSpec((BR, K), lambda i: (i, 0)),
            pl.BlockSpec((BR, K), lambda i: (i, 0)),
            pl.BlockSpec((BR, H), lambda i: (i, 0)),
            pl.BlockSpec((BR, 1), lambda i: (i, 0)),
            pl.BlockSpec((16, 128), lambda i: (0, 0)),
            pl.BlockSpec((1, H), lambda i: (0, 0)),
            pl.BlockSpec((1, H), lambda i: (0, 0)),
            pl.BlockSpec((H, 3), lambda i: (0, 0)),
            pl.BlockSpec((1, 3), lambda i: (0, 0)),
        ],
        out_specs=pl.BlockSpec((BR, 3), lambda i: (i, 0)),
        out_shape=jax.ShapeDtypeStruct((N, 3), jnp.float32),
    )(gx, gy, gz, topkd, h_all, batch2d, bn, gamma2, beta2, W2, b2_2)



def kernel(feat, coord, batch, W1, b1, gamma, beta, W2, b2):
    batch32 = batch.astype(jnp.int32)
    offsets = jnp.searchsorted(
        batch32, jnp.arange(NUM_B + 1, dtype=jnp.int32)).astype(jnp.int32)
    r0s = jnp.arange(NBLK, dtype=jnp.int32) * BR
    b_lo = batch32[r0s]
    b_hi = batch32[r0s + (BR - 1)]
    clo = offsets[b_lo]
    chi = offsets[b_hi + 1]

    coordT = coord.T.astype(jnp.float32)
    batchT = batch32.reshape(1, N)
    batch2d = batch32.reshape(N, 1)

    topkd, topki, h_all, bn = _phase_a(
        clo, chi, coordT, batchT, coord, batch2d, feat, W1, b1.reshape(1, H))

    gx, gy, gz = _sc_gather(topki.reshape(N * K),
                            coord[:, 0], coord[:, 1], coord[:, 2])

    return _phase_c(gx.reshape(N, K), gy.reshape(N, K), gz.reshape(N, K),
                    topkd, h_all, batch2d, bn,
                    gamma.reshape(1, H), beta.reshape(1, H),
                    W2, b2.reshape(1, 3))

# --- scband reference (transcript-rebuilt; emitter-appended) ---
"""Pipeline reference for scband-pfasmodule-19533511262417 (READ-ONLY COPY).

The authoritative reference and input builder live on the scoring server;
editing this copy changes nothing except your own understanding.
"""

import jax, jax.numpy as jnp
import numpy as np

N = 16384
C = 64
NUM_B = 4


def setup_inputs(seed: int = 0) -> dict:
    key = jax.random.key(seed)
    ks = jax.random.split(key, 8)
    feat = jax.random.normal(ks[0], (N, C), dtype=jnp.float32)
    coord = jax.random.normal(ks[1], (N, 3), dtype=jnp.float32)
    batch = jnp.sort(jax.random.randint(ks[2], (N,), 0, NUM_B, dtype=jnp.int64))
    W1 = jax.random.normal(ks[3], (C, 32), dtype=jnp.float32) * 0.05
    b1 = jnp.zeros((32,), dtype=jnp.float32)
    gamma = jnp.ones((32,), dtype=jnp.float32)
    beta = jnp.zeros((32,), dtype=jnp.float32)
    W2 = jax.random.normal(ks[4], (32, 3), dtype=jnp.float32) * 0.05
    b2 = jnp.zeros((3,), dtype=jnp.float32)
    return {"feat": feat, "coord": coord, "batch": batch, "W1": W1, "b1": b1,
            "gamma": gamma, "beta": beta, "W2": W2, "b2": b2}


GRID = [[0.05, 0.05, 0.05], [0.2, 0.2, 0.2], [0.1, 0.1, 0.4]]
K = 16


def reference(feat, coord, batch, W1, b1, gamma, beta, W2, b2):
    n = coord.shape[0]
    if batch.size == 0:
        return jnp.ones_like(coord) * GRID[1][0]
    out = jnp.zeros_like(coord)
    # pairwise euclidean distances (torch.cdist, p=2), computed once for all rows
    sq = jnp.sum(coord * coord, axis=1)
    d2_full = sq[:, None] + sq[None, :] - 2.0 * (coord @ coord.T)
    d2_full = jnp.maximum(d2_full, 0.0)
    diag = jnp.arange(n)
    d2_full = d2_full.at[diag, diag].set(jnp.inf)
    dist_full = jnp.sqrt(d2_full)
    h_all = feat @ W1 + b1
    grid1 = jnp.array(GRID[1], dtype=coord.dtype)
    for b in range(NUM_B):
        mask = batch == b
        cnt = jnp.sum(mask)
        valid = mask[:, None] & mask[None, :]
        dist = jnp.where(valid, dist_full, jnp.inf)
        neg_vals, all_idx = jax.lax.top_k(-dist, K)
        all_dist = -neg_vals
        nc = coord[all_idx]  # [n, K, 3]
        centered = nc - nc.mean(axis=1, keepdims=True)
        cov = jnp.einsum('nkd,nke->nde', centered, centered) / (K - 1)
        S = jnp.linalg.svd(cov.astype(jnp.float32), compute_uv=False)
        S = S.astype(feat.dtype)
        S_norm = S / (S.sum(axis=1, keepdims=True) + 1e-6)
        linearity = (S_norm[:, 0] - (S_norm[:, 1] + S_norm[:, 2]))[:, None]
        mean_dist = all_dist.mean(axis=1, keepdims=True)
        density = 1.0 / (mean_dist + 1e-6)
        # feature_judge: Linear -> BatchNorm1d (training-mode batch stats) -> ReLU -> Linear
        cntf = jnp.maximum(cnt.astype(h_all.dtype), 1.0)
        mu = jnp.sum(jnp.where(mask[:, None], h_all, 0.0), axis=0) / cntf
        var = jnp.sum(jnp.where(mask[:, None], (h_all - mu) ** 2, 0.0), axis=0) / cntf
        h = (h_all - mu) / jnp.sqrt(var + 1e-5) * gamma + beta
        h = jax.nn.relu(h)
        feat_logits = h @ W2 + b2
        feat_probs = jax.nn.softmax(feat_logits, axis=1)
        tower_prob = (density * 2.0 + feat_probs[:, 0:1]) / 3.0
        background_prob = (jnp.maximum(1.0 - linearity, 1.0 - density) + feat_probs[:, 1:2]) / 3.0
        line_prob = (linearity * 2.0 + feat_probs[:, 2:3]) / 3.0
        vals = []
        for i_axis in range(3):
            tg = GRID[0][i_axis]
            bg = GRID[1][i_axis]
            lg = GRID[2][i_axis] if i_axis < 2 else GRID[2][i_axis] * 5
            vals.append(tower_prob[:, 0] * tg + background_prob[:, 0] * bg + line_prob[:, 0] * lg + 1e-6)
        stacked = jnp.stack(vals, axis=1)
        sel = jnp.where(cnt >= K, stacked, grid1)
        out = jnp.where(mask[:, None], sel, out)
    return out

if __name__ == "__main__":
    import jax
    _d = setup_inputs()
    print(jax.jit(kernel)(*tuple(_d.values())))

</pallas_src>

<mosaic_0001>
#map = affine_map<(d0, d1) -> (0)>
module attributes {stable_mosaic.version = 14 : i64} {
  func.func @gather_k(%arg0: i32, %arg1: i32, %arg2: memref<262144xi32, #tpu.memory_space<hbm>>, %arg3: memref<16384xf32, #tpu.memory_space<hbm>>, %arg4: memref<16384xf32, #tpu.memory_space<hbm>>, %arg5: memref<16384xf32, #tpu.memory_space<hbm>>, %arg6: memref<262144xf32, #tpu.memory_space<hbm>>, %arg7: memref<262144xf32, #tpu.memory_space<hbm>>, %arg8: memref<262144xf32, #tpu.memory_space<hbm>>, %arg9: memref<8192xi32, #tpu.memory_space<vmem>>, %arg10: memref<8192xf32, #tpu.memory_space<vmem>>, %arg11: memref<8192xf32, #tpu.memory_space<vmem>>, %arg12: memref<8192xf32, #tpu.memory_space<vmem>>, %arg13: memref<!tpu.dma_semaphore, #tpu.memory_space<semaphore_mem>>, %arg14: memref<!tpu.dma_semaphore, #tpu.memory_space<semaphore_mem>>, %arg15: memref<!tpu.dma_semaphore, #tpu.memory_space<semaphore_mem>>) attributes {dimension_semantics = [#tpu.dimension_semantics<core_parallel>, #tpu.dimension_semantics<subcore_parallel>], iteration_bounds = array<i64: 2, 16>, scalar_prefetch = 0 : i64, scratch_operands = 7 : i64, tpu.core_type = #tpu.core_type<sc_vector_subcore>, window_params = [{transform_indices = #map}, {transform_indices = #map}, {transform_indices = #map}, {transform_indices = #map}, {transform_indices = #map}, {transform_indices = #map}, {transform_indices = #map}]} {
    %mul3A = arith.constant 2 : i32
    %mul3A_0 = arith.muli %arg1, %mul3A : i32
    %add3A = arith.addi %mul3A_0, %arg0 : i32
    %mul3A_1 = arith.constant 8192 : i32
    %mul3A_2 = arith.muli %add3A, %mul3A_1 : i32
    "tpu.region"() ({
      %run_scoped3A = tpu.sem_alloc : memref<!tpu.dma_semaphore, #tpu.memory_space<semaphore_mem>>
      %dma_start3A_13 = tpu.memref_slice %arg2[%mul3A_2] : memref<262144xi32, #tpu.memory_space<hbm>> -> memref<8192xi32, #tpu.memory_space<hbm>>
      %dma_start3A_14 = tpu.memref_slice %arg2[%mul3A_2] : memref<262144xi32, #tpu.memory_space<hbm>> -> memref<8192xi32, #tpu.memory_space<hbm>>
      tpu.enqueue_dma source(%dma_start3A_14 : memref<8192xi32, #tpu.memory_space<hbm>>) target(%arg9 : memref<8192xi32, #tpu.memory_space<vmem>>) target_semaphore(%run_scoped3A : memref<!tpu.dma_semaphore, #tpu.memory_space<semaphore_mem>>)
      %dma_wait3A_15 = tpu.memref_slice %arg2[%mul3A_2] : memref<262144xi32, #tpu.memory_space<hbm>> -> memref<8192xi32, #tpu.memory_space<hbm>>
      %dma_wait3A_16 = tpu.memref_slice %arg2[%mul3A_2] : memref<262144xi32, #tpu.memory_space<hbm>> -> memref<8192xi32, #tpu.memory_space<hbm>>
      tpu.wait_dma2 semaphore(%run_scoped3A : memref<!tpu.dma_semaphore, #tpu.memory_space<semaphore_mem>>) src(%dma_wait3A_16 : memref<8192xi32, #tpu.memory_space<hbm>>) dst(%arg9 : memref<8192xi32, #tpu.memory_space<vmem>>)
      tpu.yield
    }) : () -> ()
    %dma_start3A = arith.constant 0 : i32
    %dma_start3A_3 = tpu.memref_slice %arg3[%dma_start3A] : memref<16384xf32, #tpu.memory_space<hbm>> -> memref<16384xf32, #tpu.memory_space<hbm>>
    tpu.enqueue_indirect_dma source(%dma_start3A_3 : memref<16384xf32, #tpu.memory_space<hbm>>) target(%arg10 : memref<8192xf32, #tpu.memory_space<vmem>>) offsets(%arg9 : memref<8192xi32, #tpu.memory_space<vmem>>) semaphore(%arg13 : memref<!tpu.dma_semaphore, #tpu.memory_space<semaphore_mem>>)
    %dma_start3A_4 = arith.constant 0 : i32
    %dma_start3A_5 = tpu.memref_slice %arg4[%dma_start3A_4] : memref<16384xf32, #tpu.memory_space<hbm>> -> memref<16384xf32, #tpu.memory_space<hbm>>
    tpu.enqueue_indirect_dma source(%dma_start3A_5 : memref<16384xf32, #tpu.memory_space<hbm>>) target(%arg11 : memref<8192xf32, #tpu.memory_space<vmem>>) offsets(%arg9 : memref<8192xi32, #tpu.memory_space<vmem>>) semaphore(%arg14 : memref<!tpu.dma_semaphore, #tpu.memory_space<semaphore_mem>>)
    %dma_start3A_6 = arith.constant 0 : i32
    %dma_start3A_7 = tpu.memref_slice %arg5[%dma_start3A_6] : memref<16384xf32, #tpu.memory_space<hbm>> -> memref<16384xf32, #tpu.memory_space<hbm>>
    tpu.enqueue_indirect_dma source(%dma_start3A_7 : memref<16384xf32, #tpu.memory_space<hbm>>) target(%arg12 : memref<8192xf32, #tpu.memory_space<vmem>>) offsets(%arg9 : memref<8192xi32, #tpu.memory_space<vmem>>) semaphore(%arg15 : memref<!tpu.dma_semaphore, #tpu.memory_space<semaphore_mem>>)
    %dma_wait3A = arith.constant 0 : i32
    %dma_wait3A_8 = tpu.memref_slice %arg3[%dma_wait3A] : memref<16384xf32, #tpu.memory_space<hbm>> -> memref<16384xf32, #tpu.memory_space<hbm>>
    tpu.wait_indirect_dma semaphore(%arg13 : memref<!tpu.dma_semaphore, #tpu.memory_space<semaphore_mem>>) src(%dma_wait3A_8 : memref<16384xf32, #tpu.memory_space<hbm>>) dst(%arg10 : memref<8192xf32, #tpu.memory_space<vmem>>)
    %dma_wait3A_9 = arith.constant 0 : i32
    %dma_wait3A_10 = tpu.memref_slice %arg4[%dma_wait3A_9] : memref<16384xf32, #tpu.memory_space<hbm>> -> memref<16384xf32, #tpu.memory_space<hbm>>
    tpu.wait_indirect_dma semaphore(%arg14 : memref<!tpu.dma_semaphore, #tpu.memory_space<semaphore_mem>>) src(%dma_wait3A_10 : memref<16384xf32, #tpu.memory_space<hbm>>) dst(%arg11 : memref<8192xf32, #tpu.memory_space<vmem>>)
    %dma_wait3A_11 = arith.constant 0 : i32
    %dma_wait3A_12 = tpu.memref_slice %arg5[%dma_wait3A_11] : memref<16384xf32, #tpu.memory_space<hbm>> -> memref<16384xf32, #tpu.memory_space<hbm>>
    tpu.wait_indirect_dma semaphore(%arg15 : memref<!tpu.dma_semaphore, #tpu.memory_space<semaphore_mem>>) src(%dma_wait3A_12 : memref<16384xf32, #tpu.memory_space<hbm>>) dst(%arg12 : memref<8192xf32, #tpu.memory_space<vmem>>)
    "tpu.region"() ({
      %run_scoped3A = tpu.sem_alloc : memref<!tpu.dma_semaphore, #tpu.memory_space<semaphore_mem>>
      %dma_start3A_13 = tpu.memref_slice %arg6[%mul3A_2] : memref<262144xf32, #tpu.memory_space<hbm>> -> memref<8192xf32, #tpu.memory_space<hbm>>
      %dma_start3A_14 = tpu.memref_slice %arg6[%mul3A_2] : memref<262144xf32, #tpu.memory_space<hbm>> -> memref<8192xf32, #tpu.memory_space<hbm>>
      tpu.enqueue_dma source(%arg10 : memref<8192xf32, #tpu.memory_space<vmem>>) target(%dma_start3A_14 : memref<8192xf32, #tpu.memory_space<hbm>>) target_semaphore(%run_scoped3A : memref<!tpu.dma_semaphore, #tpu.memory_space<semaphore_mem>>)
      %dma_wait3A_15 = tpu.memref_slice %arg6[%mul3A_2] : memref<262144xf32, #tpu.memory_space<hbm>> -> memref<8192xf32, #tpu.memory_space<hbm>>
      %dma_wait3A_16 = tpu.memref_slice %arg6[%mul3A_2] : memref<262144xf32, #tpu.memory_space<hbm>> -> memref<8192xf32, #tpu.memory_space<hbm>>
      tpu.wait_dma2 semaphore(%run_scoped3A : memref<!tpu.dma_semaphore, #tpu.memory_space<semaphore_mem>>) src(%arg10 : memref<8192xf32, #tpu.memory_space<vmem>>) dst(%dma_wait3A_16 : memref<8192xf32, #tpu.memory_space<hbm>>)
      tpu.yield
    }) : () -> ()
    "tpu.region"() ({
      %run_scoped3A = tpu.sem_alloc : memref<!tpu.dma_semaphore, #tpu.memory_space<semaphore_mem>>
      %dma_start3A_13 = tpu.memref_slice %arg7[%mul3A_2] : memref<262144xf32, #tpu.memory_space<hbm>> -> memref<8192xf32, #tpu.memory_space<hbm>>
      %dma_start3A_14 = tpu.memref_slice %arg7[%mul3A_2] : memref<262144xf32, #tpu.memory_space<hbm>> -> memref<8192xf32, #tpu.memory_space<hbm>>
      tpu.enqueue_dma source(%arg11 : memref<8192xf32, #tpu.memory_space<vmem>>) target(%dma_start3A_14 : memref<8192xf32, #tpu.memory_space<hbm>>) target_semaphore(%run_scoped3A : memref<!tpu.dma_semaphore, #tpu.memory_space<semaphore_mem>>)
      %dma_wait3A_15 = tpu.memref_slice %arg7[%mul3A_2] : memref<262144xf32, #tpu.memory_space<hbm>> -> memref<8192xf32, #tpu.memory_space<hbm>>
      %dma_wait3A_16 = tpu.memref_slice %arg7[%mul3A_2] : memref<262144xf32, #tpu.memory_space<hbm>> -> memref<8192xf32, #tpu.memory_space<hbm>>
      tpu.wait_dma2 semaphore(%run_scoped3A : memref<!tpu.dma_semaphore, #tpu.memory_space<semaphore_mem>>) src(%arg11 : memref<8192xf32, #tpu.memory_space<vmem>>) dst(%dma_wait3A_16 : memref<8192xf32, #tpu.memory_space<hbm>>)
      tpu.yield
    }) : () -> ()
    "tpu.region"() ({
      %run_scoped3A = tpu.sem_alloc : memref<!tpu.dma_semaphore, #tpu.memory_space<semaphore_mem>>
      %dma_start3A_13 = tpu.memref_slice %arg8[%mul3A_2] : memref<262144xf32, #tpu.memory_space<hbm>> -> memref<8192xf32, #tpu.memory_space<hbm>>
      %dma_start3A_14 = tpu.memref_slice %arg8[%mul3A_2] : memref<262144xf32, #tpu.memory_space<hbm>> -> memref<8192xf32, #tpu.memory_space<hbm>>
      tpu.enqueue_dma source(%arg12 : memref<8192xf32, #tpu.memory_space<vmem>>) target(%dma_start3A_14 : memref<8192xf32, #tpu.memory_space<hbm>>) target_semaphore(%run_scoped3A : memref<!tpu.dma_semaphore, #tpu.memory_space<semaphore_mem>>)
      %dma_wait3A_15 = tpu.memref_slice %arg8[%mul3A_2] : memref<262144xf32, #tpu.memory_space<hbm>> -> memref<8192xf32, #tpu.memory_space<hbm>>
      %dma_wait3A_16 = tpu.memref_slice %arg8[%mul3A_2] : memref<262144xf32, #tpu.memory_space<hbm>> -> memref<8192xf32, #tpu.memory_space<hbm>>
      tpu.wait_dma2 semaphore(%run_scoped3A : memref<!tpu.dma_semaphore, #tpu.memory_space<semaphore_mem>>) src(%arg12 : memref<8192xf32, #tpu.memory_space<vmem>>) dst(%dma_wait3A_16 : memref<8192xf32, #tpu.memory_space<hbm>>)
      tpu.yield
    }) : () -> ()
    return
  }
}

module attributes {stable_mosaic.version = 14 : i64} {
  func.func @_phase_a_body(%arg0: i32, %arg1: memref<32xi32, #tpu.memory_space<smem>>, %arg2: memref<32xi32, #tpu.memory_space<smem>>, %arg3: memref<3x16384xf32, #tpu.memory_space<vmem>>, %arg4: memref<1x16384xi32, #tpu.memory_space<vmem>>, %arg5: memref<512x3xf32, #tpu.memory_space<vmem>>, %arg6: memref<512x1xi32, #tpu.memory_space<vmem>>, %arg7: memref<512x64xf32, #tpu.memory_space<vmem>>, %arg8: memref<64x32xf32, #tpu.memory_space<vmem>>, %arg9: memref<1x32xf32, #tpu.memory_space<vmem>>, %arg10: memref<512x16xf32, #tpu.memory_space<vmem>>, %arg11: memref<512x16xi32, #tpu.memory_space<vmem>>, %arg12: memref<512x32xf32, #tpu.memory_space<vmem>>, %arg13: memref<16x128xf32, #tpu.memory_space<vmem>>) attributes {dimension_semantics = [#tpu.dimension_semantics<arbitrary>], iteration_bounds = array<i64: 32>, scalar_prefetch = 0 : i64, scratch_operands = 0 : i64, tpu.core_type = #tpu.core_type<tc>, window_params = [{transform_indices = @transform_0, window_bounds = array<i64: 32>}, {transform_indices = @transform_1, window_bounds = array<i64: 32>}, {pipeline_mode = #tpu.pipeline_mode<synchronous>, transform_indices = @transform_2, window_bounds = array<i64: 3, 16384>}, {pipeline_mode = #tpu.pipeline_mode<synchronous>, transform_indices = @transform_3, window_bounds = array<i64: 1, 16384>}, {transform_indices = @transform_4, window_bounds = array<i64: 512, 3>}, {transform_indices = @transform_5, window_bounds = array<i64: 512, 1>}, {transform_indices = @transform_6, window_bounds = array<i64: 512, 64>}, {pipeline_mode = #tpu.pipeline_mode<synchronous>, transform_indices = @transform_7, window_bounds = array<i64: 64, 32>}, {pipeline_mode = #tpu.pipeline_mode<synchronous>, transform_indices = @transform_8, window_bounds = array<i64: 1, 32>}, {transform_indices = @transform_9, window_bounds = array<i64: 512, 16>}, {transform_indices = @transform_10, window_bounds = array<i64: 512, 16>}, {transform_indices = @transform_11, window_bounds = array<i64: 512, 32>}, {pipeline_mode = #tpu.pipeline_mode<synchronous>, transform_indices = @transform_12, window_bounds = array<i64: 16, 128>}]} {
    %mul3A = arith.constant 512 : i32
    %mul3A_0 = arith.muli %arg0, %mul3A : i32
    %get3A = arith.constant 0 : index
    %get3A_1 = arith.constant 0 : index
    %get3A_2 = vector.load %arg5[%get3A, %get3A_1] : memref<512x3xf32, #tpu.memory_space<vmem>>, vector<512x3xf32>
    %get3A_3 = arith.constant 0 : index
    %get3A_4 = arith.constant 0 : index
    %get3A_5 = vector.load %arg6[%get3A_3, %get3A_4] : memref<512x1xi32, #tpu.memory_space<vmem>>, vector<512x1xi32>
    %mul3A_6 = arith.mulf %get3A_2, %get3A_2 : vector<512x3xf32>
    %reduce_sum3A = arith.constant dense<0.000000e+00> : vector<512xf32>
    %reduce_sum3A_7 = vector.multi_reduction <add>, %mul3A_6, %reduce_sum3A [1] : vector<512x3xf32> to vector<512xf32>
    %broadcast_in_dim3A = vector.shape_cast %reduce_sum3A_7 : vector<512xf32> to vector<512x1xf32>
    %iota3A = tpu.iota {dimensions = array<i32: 0>} : vector<512x1xi32>
    %add3A = vector.broadcast %mul3A_0 : i32 to vector<512x1xi32>
    %add3A_8 = arith.addi %add3A, %iota3A : vector<512x1xi32>
    %get3A_9 = arith.constant 0 : index
    %get3A_10 = arith.constant 0 : index
    %get3A_11 = vector.load %arg7[%get3A_9, %get3A_10] : memref<512x64xf32, #tpu.memory_space<vmem>>, vector<512x64xf32>
    %get3A_12 = arith.constant 0 : index
    %get3A_13 = arith.constant 0 : index
    %get3A_14 = vector.load %arg8[%get3A_12, %get3A_13] : memref<64x32xf32, #tpu.memory_space<vmem>>, vector<64x32xf32>
    %dot_general3A = arith.constant dense<0.000000e+00> : vector<512x32xf32>
    %dot_general3A_15 = tpu.matmul %get3A_11, %get3A_14, %dot_general3A {dimension_numbers = #tpu.dot_dimension_numbers<[1], [0], [0], [1], [0, 0, 1, 1], [], []>, transpose_lhs_hint = false} : vector<512x64xf32>, vector<64x32xf32>, vector<512x32xf32> -> vector<512x32xf32>
    %get3A_16 = arith.constant 0 : index
    %get3A_17 = arith.constant 0 : index
    %get3A_18 = vector.load %arg9[%get3A_16, %get3A_17] : memref<1x32xf32, #tpu.memory_space<vmem>>, vector<1x32xf32>
    %add3A_19 = vector.broadcast %get3A_18 : vector<1x32xf32> to vector<512x32xf32>
    %add3A_20 = arith.addf %dot_general3A_15, %add3A_19 : vector<512x32xf32>
    %swap3A = arith.constant 0 : index
    %swap3A_21 = arith.constant 0 : index
    %swap3A_22 = vector.load %arg12[%swap3A, %swap3A_21] : memref<512x32xf32, #tpu.memory_space<vmem>>, vector<512x32xf32>
    tpu.vector_store %arg12[%swap3A, %swap3A_21], %add3A_20 {strides = array<i32>} : memref<512x32xf32, #tpu.memory_space<vmem>>, vector<512x32xf32>,
    %get3A_23 = arith.constant 0 : index
    %get3A_24 = arith.index_cast %mul3A_0 : i32 to index
    %get3A_25 = vector.load %arg4[%get3A_23, %get3A_24] : memref<1x16384xi32, #tpu.memory_space<vmem>>, vector<1x512xi32>
    %iota3A_26 = tpu.iota {dimensions = array<i32: 0>} : vector<4x1xi32>
    %eq3A = vector.broadcast %iota3A_26 : vector<4x1xi32> to vector<4x512xi32>
    %eq3A_27 = vector.broadcast %get3A_25 : vector<1x512xi32> to vector<4x512xi32>
    %eq3A_28 = arith.cmpi eq, %eq3A, %eq3A_27 : vector<4x512xi32>
    %convert_element_type3A = arith.extui %eq3A_28 : vector<4x512xi1> to vector<4x512xi32>
    %convert_element_type3A_29 = arith.sitofp %convert_element_type3A : vector<4x512xi32> to vector<4x512xf32>
    %eq3A_30 = arith.constant 0 : i32
    %eq3A_31 = arith.cmpi eq, %arg0, %eq3A_30 : i32
    %convert_element_type3A_32 = arith.extui %eq3A_31 : i1 to i32
    %cond3A = arith.constant 0 : i32
    %cond3A_33 = arith.cmpi ne, %convert_element_type3A_32, %cond3A : i32
    scf.if %cond3A_33 {
      %broadcast_in_dim3A_131 = arith.constant 0.000000e+00 : f32
      %broadcast_in_dim3A_132 = vector.broadcast %broadcast_in_dim3A_131 : f32 to vector<16x128xf32>
      %swap3A_133 = arith.constant 0 : index
      %swap3A_134 = arith.constant 0 : index
      %swap3A_135 = vector.load %arg13[%swap3A_133, %swap3A_134] : memref<16x128xf32, #tpu.memory_space<vmem>>, vector<16x128xf32>
      tpu.vector_store %arg13[%swap3A_133, %swap3A_134], %broadcast_in_dim3A_132 {strides = array<i32>} : memref<16x128xf32, #tpu.memory_space<vmem>>, vector<16x128xf32>,
    } else {
    }
    %get3A_34 = arith.constant 0 : index
    %get3A_35 = arith.constant 0 : index
    %get3A_36 = vector.load %arg13[%get3A_34, %get3A_35] : memref<16x128xf32, #tpu.memory_space<vmem>>, vector<4x32xf32>
    %dot_general3A_37 = arith.constant dense<0.000000e+00> : vector<4x32xf32>
    %dot_general3A_38 = tpu.matmul %convert_element_type3A_29, %add3A_20, %dot_general3A_37 {dimension_numbers = #tpu.dot_dimension_numbers<[1], [0], [0], [1], [0, 0, 1, 1], [], []>, transpose_lhs_hint = false} : vector<4x512xf32>, vector<512x32xf32>, vector<4x32xf32> -> vector<4x32xf32>
    %add3A_39 = arith.addf %get3A_36, %dot_general3A_38 : vector<4x32xf32>
    %swap3A_40 = arith.constant 0 : index
    %swap3A_41 = arith.constant 0 : index
    %swap3A_42 = vector.load %arg13[%swap3A_40, %swap3A_41] : memref<16x128xf32, #tpu.memory_space<vmem>>, vector<4x32xf32>
    tpu.vector_store %arg13[%swap3A_40, %swap3A_41], %add3A_39 {strides = array<i32>} : memref<16x128xf32, #tpu.memory_space<vmem>>, vector<4x32xf32>,
    %get3A_43 = arith.constant 4 : index
    %get3A_44 = arith.constant 0 : index
    %get3A_45 = vector.load %arg13[%get3A_43, %get3A_44] : memref<16x128xf32, #tpu.memory_space<vmem>>, vector<4x32xf32>
    %mul3A_46 = arith.mulf %add3A_20, %add3A_20 : vector<512x32xf32>
    %dot_general3A_47 = arith.constant dense<0.000000e+00> : vector<4x32xf32>
    %dot_general3A_48 = tpu.matmul %convert_element_type3A_29, %mul3A_46, %dot_general3A_47 {dimension_numbers = #tpu.dot_dimension_numbers<[1], [0], [0], [1], [0, 0, 1, 1], [], []>, transpose_lhs_hint = false} : vector<4x512xf32>, vector<512x32xf32>, vector<4x32xf32> -> vector<4x32xf32>
    %add3A_49 = arith.addf %get3A_45, %dot_general3A_48 : vector<4x32xf32>
    %swap3A_50 = arith.constant 4 : index
    %swap3A_51 = arith.constant 0 : index
    %swap3A_52 = vector.load %arg13[%swap3A_50, %swap3A_51] : memref<16x128xf32, #tpu.memory_space<vmem>>, vector<4x32xf32>
    tpu.vector_store %arg13[%swap3A_50, %swap3A_51], %add3A_49 {strides = array<i32>} : memref<16x128xf32, #tpu.memory_space<vmem>>, vector<4x32xf32>,
    %get3A_53 = arith.constant 8 : index
    %get3A_54 = arith.constant 0 : index
    %get3A_55 = vector.load %arg13[%get3A_53, %get3A_54] : memref<16x128xf32, #tpu.memory_space<vmem>>, vector<4x1xf32>
    %reduce_sum3A_56 = arith.constant dense<0.000000e+00> : vector<4xf32>
    %reduce_sum3A_57 = vector.multi_reduction <add>, %convert_element_type3A_29, %reduce_sum3A_56 [1] : vector<4x512xf32> to vector<4xf32>
    %broadcast_in_dim3A_58 = vector.shape_cast %reduce_sum3A_57 : vector<4xf32> to vector<4x1xf32>
    %add3A_59 = arith.addf %get3A_55, %broadcast_in_dim3A_58 : vector<4x1xf32>
    %swap3A_60 = arith.constant 8 : index
    %swap3A_61 = arith.constant 0 : index
    %swap3A_62 = vector.load %arg13[%swap3A_60, %swap3A_61] : memref<16x128xf32, #tpu.memory_space<vmem>>, vector<4x1xf32>
    tpu.vector_store %arg13[%swap3A_60, %swap3A_61], %add3A_59 {strides = array<i32>} : memref<16x128xf32, #tpu.memory_space<vmem>>, vector<4x1xf32>,
    %get3A_63 = arith.index_cast %arg0 : i32 to index
    %get3A_64 = memref.load %arg1[%get3A_63] : memref<32xi32, #tpu.memory_space<smem>>
    %get3A_65 = arith.index_cast %arg0 : i32 to index
    %get3A_66 = memref.load %arg2[%get3A_65] : memref<32xi32, #tpu.memory_space<smem>>
    %jit3A = arith.constant 2048 : i32
    %div3A = arith.divsi %get3A_64, %jit3A : i32
    %sign3A = arith.constant 0 : i32
    %sign3A_67 = arith.cmpi sgt, %get3A_64, %sign3A : i32
    %sign3A_68 = arith.extui %sign3A_67 : i1 to i32
    %sign3A_69 = arith.constant 0 : i32
    %sign3A_70 = arith.cmpi slt, %get3A_64, %sign3A_69 : i32
    %sign3A_71 = arith.extui %sign3A_70 : i1 to i32
    %sign3A_72 = arith.subi %sign3A_68, %sign3A_71 : i32
    %sign3A_73 = arith.constant 0 : i32
    %sign3A_74 = arith.cmpi sgt, %jit3A, %sign3A_73 : i32
    %sign3A_75 = arith.extui %sign3A_74 : i1 to i32
    %sign3A_76 = arith.constant 0 : i32
    %sign3A_77 = arith.cmpi slt, %jit3A, %sign3A_76 : i32
    %sign3A_78 = arith.extui %sign3A_77 : i1 to i32
    %sign3A_79 = arith.subi %sign3A_75, %sign3A_78 : i32
    %ne3A = arith.cmpi ne, %sign3A_72, %sign3A_79 : i32
    %rem3A = arith.remsi %get3A_64, %jit3A : i32
    %ne3A_80 = arith.constant 0 : i32
    %ne3A_81 = arith.cmpi ne, %rem3A, %ne3A_80 : i32
    %and3A = arith.andi %ne3A, %ne3A_81 : i1
    %sub3A = arith.constant 1 : i32
    %sub3A_82 = arith.subi %div3A, %sub3A : i32
    %select_n3A = arith.select %and3A, %sub3A_82, %div3A : i32
    %add3A_83 = arith.constant 2048 : i32
    %add3A_84 = arith.addi %get3A_66, %add3A_83 : i32
    %sub3A_85 = arith.constant 1 : i32
    %sub3A_86 = arith.subi %add3A_84, %sub3A_85 : i32
    %jit3A_87 = arith.constant 2048 : i32
    %div3A_88 = arith.divsi %sub3A_86, %jit3A_87 : i32
    %sign3A_89 = arith.constant 0 : i32
    %sign3A_90 = arith.cmpi sgt, %sub3A_86, %sign3A_89 : i32
    %sign3A_91 = arith.extui %sign3A_90 : i1 to i32
    %sign3A_92 = arith.constant 0 : i32
    %sign3A_93 = arith.cmpi slt, %sub3A_86, %sign3A_92 : i32
    %sign3A_94 = arith.extui %sign3A_93 : i1 to i32
    %sign3A_95 = arith.subi %sign3A_91, %sign3A_94 : i32
    %sign3A_96 = arith.constant 0 : i32
    %sign3A_97 = arith.cmpi sgt, %jit3A_87, %sign3A_96 : i32
    %sign3A_98 = arith.extui %sign3A_97 : i1 to i32
    %sign3A_99 = arith.constant 0 : i32
    %sign3A_100 = arith.cmpi slt, %jit3A_87, %sign3A_99 : i32
    %sign3A_101 = arith.extui %sign3A_100 : i1 to i32
    %sign3A_102 = arith.subi %sign3A_98, %sign3A_101 : i32
    %ne3A_103 = arith.cmpi ne, %sign3A_95, %sign3A_102 : i32
    %rem3A_104 = arith.remsi %sub3A_86, %jit3A_87 : i32
    %ne3A_105 = arith.constant 0 : i32
    %ne3A_106 = arith.cmpi ne, %rem3A_104, %ne3A_105 : i32
    %and3A_107 = arith.andi %ne3A_103, %ne3A_106 : i1
    %sub3A_108 = arith.constant 1 : i32
    %sub3A_109 = arith.subi %div3A_88, %sub3A_108 : i32
    %select_n3A_110 = arith.select %and3A_107, %sub3A_109, %div3A_88 : i32
    %iota3A_111 = tpu.iota {dimensions = array<i32: 1>} : vector<1x16xi32>
    %broadcast_in_dim3A_112 = arith.constant 0x7F800000 : f32
    %broadcast_in_dim3A_113 = vector.broadcast %broadcast_in_dim3A_112 : f32 to vector<512x16xf32>
    %broadcast_in_dim3A_114 = arith.constant 0 : i32
    %broadcast_in_dim3A_115 = vector.broadcast %broadcast_in_dim3A_114 : i32 to vector<512x16xi32>
    %while3A = arith.subi %select_n3A_110, %select_n3A : i32
    %while3A_116 = arith.addi %select_n3A, %while3A : i32
    %while3A_117 = arith.constant 1 : i32
    %while3A_118 = arith.divsi %while3A, %while3A_117 : i32
    %while3A_119 = arith.muli %while3A_118, %while3A_117 : i32
    %while3A_120 = arith.addi %select_n3A, %while3A_119 : i32
    %while3A_121 = arith.constant 1 : i32
    %while3A_122:2 = scf.for %while3A_131 = %select_n3A to %while3A_120 step %while3A_121 iter_args(%while3A_132 = %broadcast_in_dim3A_113, %while3A_133 = %broadcast_in_dim3A_115) -> (vector<512x16xf32>, vector<512x16xi32>)  : i32 {
      %mul3A_134 = arith.constant 2048 : i32
      %mul3A_135 = arith.muli %while3A_131, %mul3A_134 : i32
      %multiple_of3A = tpu.assume_multiple %mul3A_135, 2048 : i32
      %get3A_136 = arith.constant 0 : index
      %get3A_137 = arith.index_cast %multiple_of3A : i32 to index
      %get3A_138 = vector.load %arg3[%get3A_136, %get3A_137] : memref<3x16384xf32, #tpu.memory_space<vmem>>, vector<3x2048xf32>
      %get3A_139 = arith.constant 0 : index
      %get3A_140 = arith.index_cast %multiple_of3A : i32 to index
      %get3A_141 = vector.load %arg4[%get3A_139, %get3A_140] : memref<1x16384xi32, #tpu.memory_space<vmem>>, vector<1x2048xi32>
      %mul3A_142 = arith.mulf %get3A_138, %get3A_138 : vector<3x2048xf32>
      %reduce_sum3A_143 = arith.constant dense<0.000000e+00> : vector<2048xf32>
      %reduce_sum3A_144 = vector.multi_reduction <add>, %mul3A_142, %reduce_sum3A_143 [0] : vector<3x2048xf32> to vector<2048xf32>
      %broadcast_in_dim3A_145 = vector.shape_cast %reduce_sum3A_144 : vector<2048xf32> to vector<1x2048xf32>
      %add3A_146 = vector.broadcast %broadcast_in_dim3A : vector<512x1xf32> to vector<512x2048xf32>
      %add3A_147 = vector.broadcast %broadcast_in_dim3A_145 : vector<1x2048xf32> to vector<512x2048xf32>
      %add3A_148 = arith.addf %add3A_146, %add3A_147 : vector<512x2048xf32>
      %dot_general3A_149 = arith.constant dense<0.000000e+00> : vector<512x2048xf32>
      %dot_general3A_150 = tpu.matmul %get3A_2, %get3A_138, %dot_general3A_149 {dimension_numbers = #tpu.dot_dimension_numbers<[1], [0], [0], [1], [0, 0, 1, 1], [], []>, transpose_lhs_hint = false} : vector<512x3xf32>, vector<3x2048xf32>, vector<512x2048xf32> -> vector<512x2048xf32>
      %mul3A_151 = arith.constant 2.000000e+00 : f32
      %mul3A_152 = vector.broadcast %mul3A_151 : f32 to vector<512x2048xf32>
      %mul3A_153 = arith.mulf %mul3A_152, %dot_general3A_150 : vector<512x2048xf32>
      %sub3A_154 = arith.subf %add3A_148, %mul3A_153 : vector<512x2048xf32>
      %iota3A_155 = tpu.iota {dimensions = array<i32: 1>} : vector<1x2048xi32>
      %add3A_156 = vector.broadcast %multiple_of3A : i32 to vector<1x2048xi32>
      %add3A_157 = arith.addi %add3A_156, %iota3A_155 : vector<1x2048xi32>
      %eq3A_158 = vector.broadcast %get3A_141 : vector<1x2048xi32> to vector<512x2048xi32>
      %eq3A_159 = vector.broadcast %get3A_5 : vector<512x1xi32> to vector<512x2048xi32>
      %eq3A_160 = arith.cmpi eq, %eq3A_158, %eq3A_159 : vector<512x2048xi32>
      %ne3A_161 = vector.broadcast %add3A_157 : vector<1x2048xi32> to vector<512x2048xi32>
      %ne3A_162 = vector.broadcast %add3A_8 : vector<512x1xi32> to vector<512x2048xi32>
      %ne3A_163 = arith.cmpi ne, %ne3A_161, %ne3A_162 : vector<512x2048xi32>
      %and3A_164 = arith.andi %eq3A_160, %ne3A_163 : vector<512x2048xi1>
      %max3A = arith.constant 0.000000e+00 : f32
      %max3A_165 = vector.broadcast %max3A : f32 to vector<512x2048xf32>
      %max3A_166 = arith.maximumf %sub3A_154, %max3A_165 : vector<512x2048xf32>
      %jit3A_167 = arith.constant 0x7F800000 : f32
      %broadcast_in_dim3A_168 = vector.broadcast %jit3A_167 : f32 to vector<512x2048xf32>
      %select_n3A_169 = arith.select %and3A_164, %max3A_166, %broadcast_in_dim3A_168 : vector<512x2048xi1>, vector<512x2048xf32>
      %broadcast_in_dim3A_170 = arith.constant 0.000000e+00 : f32
      %broadcast_in_dim3A_171 = vector.broadcast %broadcast_in_dim3A_170 : f32 to vector<512x16xf32>
      %broadcast_in_dim3A_172 = arith.constant 0 : i32
      %broadcast_in_dim3A_173 = vector.broadcast %broadcast_in_dim3A_172 : i32 to vector<512x16xi32>
      %reduce_min3A = arith.constant dense<0x7F800000> : vector<512xf32>
      %reduce_min3A_174 = vector.multi_reduction <minimumf>, %while3A_132, %reduce_min3A [1] : vector<512x16xf32> to vector<512xf32>
      %broadcast_in_dim3A_175 = vector.shape_cast %reduce_min3A_174 : vector<512xf32> to vector<512x1xf32>
      %reduce_min3A_176 = arith.constant dense<0x7F800000> : vector<512xf32>
      %reduce_min3A_177 = vector.multi_reduction <minimumf>, %select_n3A_169, %reduce_min3A_176 [1] : vector<512x2048xf32> to vector<512xf32>
      %broadcast_in_dim3A_178 = vector.shape_cast %reduce_min3A_177 : vector<512xf32> to vector<512x1xf32>
      %min3A = arith.minimumf %broadcast_in_dim3A_175, %broadcast_in_dim3A_178 : vector<512x1xf32>
      %eq3A_179 = vector.broadcast %min3A : vector<512x1xf32> to vector<512x16xf32>
      %eq3A_180 = arith.cmpf oeq, %while3A_132, %eq3A_179 : vector<512x16xf32>
      %jit3A_181 = arith.constant 2147483647 : i32
      %broadcast_in_dim3A_182 = vector.broadcast %jit3A_181 : i32 to vector<512x16xi32>
      %select_n3A_183 = arith.select %eq3A_180, %while3A_133, %broadcast_in_dim3A_182 : vector<512x16xi1>, vector<512x16xi32>
      %reduce_min3A_184 = arith.constant dense<2147483647> : vector<512xi32>
      %reduce_min3A_185 = vector.multi_reduction <minsi>, %select_n3A_183, %reduce_min3A_184 [1] : vector<512x16xi32> to vector<512xi32>
      %broadcast_in_dim3A_186 = vector.shape_cast %reduce_min3A_185 : vector<512xi32> to vector<512x1xi32>
      %eq3A_187 = vector.broadcast %min3A : vector<512x1xf32> to vector<512x2048xf32>
      %eq3A_188 = arith.cmpf oeq, %select_n3A_169, %eq3A_187 : vector<512x2048xf32>
      %jit3A_189 = arith.constant 2147483647 : i32
      %broadcast_in_dim3A_190 = vector.shape_cast %add3A_157 : vector<1x2048xi32> to vector<1x2048xi32>
      %broadcast_in_dim3A_191 = vector.broadcast %broadcast_in_dim3A_190 : vector<1x2048xi32> to vector<512x2048xi32>
      %broadcast_in_dim3A_192 = vector.broadcast %jit3A_189 : i32 to vector<512x2048xi32>
      %select_n3A_193 = arith.select %eq3A_188, %broadcast_in_dim3A_191, %broadcast_in_dim3A_192 : vector<512x2048xi1>, vector<512x2048xi32>
      %reduce_min3A_194 = arith.constant dense<2147483647> : vector<512xi32>
      %reduce_min3A_195 = vector.multi_reduction <minsi>, %select_n3A_193, %reduce_min3A_194 [1] : vector<512x2048xi32> to vector<512xi32>
      %broadcast_in_dim3A_196 = vector.shape_cast %reduce_min3A_195 : vector<512xi32> to vector<512x1xi32>
      %min3A_197 = arith.minsi %broadcast_in_dim3A_186, %broadcast_in_dim3A_196 : vector<512x1xi32>
      %eq3A_198 = arith.constant 0 : i32
      %eq3A_199 = vector.broadcast %eq3A_198 : i32 to vector<1x16xi32>
      %eq3A_200 = arith.cmpi eq, %iota3A_111, %eq3A_199 : vector<1x16xi32>
      %broadcast_in_dim3A_201 = vector.shape_cast %eq3A_200 : vector<1x16xi1> to vector<1x16xi1>
      %broadcast_in_dim3A_202 = vector.broadcast %broadcast_in_dim3A_201 : vector<1x16xi1> to vector<512x16xi1>
      %broadcast_in_dim3A_203 = vector.shape_cast %min3A : vector<512x1xf32> to vector<512x1xf32>
      %broadcast_in_dim3A_204 = vector.broadcast %broadcast_in_dim3A_203 : vector<512x1xf32> to vector<512x16xf32>
      %select_n3A_205 = arith.select %broadcast_in_dim3A_202, %broadcast_in_dim3A_204, %broadcast_in_dim3A_171 : vector<512x16xi1>, vector<512x16xf32>
      %eq3A_206 = arith.constant 0 : i32
      %eq3A_207 = vector.broadcast %eq3A_206 : i32 to vector<1x16xi32>
      %eq3A_208 = arith.cmpi eq, %iota3A_111, %eq3A_207 : vector<1x16xi32>
      %broadcast_in_dim3A_209 = vector.shape_cast %eq3A_208 : vector<1x16xi1> to vector<1x16xi1>
      %broadcast_in_dim3A_210 = vector.broadcast %broadcast_in_dim3A_209 : vector<1x16xi1> to vector<512x16xi1>
      %broadcast_in_dim3A_211 = vector.shape_cast %min3A_197 : vector<512x1xi32> to vector<512x1xi32>
      %broadcast_in_dim3A_212 = vector.broadcast %broadcast_in_dim3A_211 : vector<512x1xi32> to vector<512x16xi32>
      %select_n3A_213 = arith.select %broadcast_in_dim3A_210, %broadcast_in_dim3A_212, %broadcast_in_dim3A_173 : vector<512x16xi1>, vector<512x16xi32>
      %eq3A_214 = vector.broadcast %min3A : vector<512x1xf32> to vector<512x16xf32>
      %eq3A_215 = arith.cmpf oeq, %while3A_132, %eq3A_214 : vector<512x16xf32>
      %eq3A_216 = vector.broadcast %min3A_197 : vector<512x1xi32> to vector<512x16xi32>
      %eq3A_217 = arith.cmpi eq, %while3A_133, %eq3A_216 : vector<512x16xi32>
      %and3A_218 = arith.andi %eq3A_215, %eq3A_217 : vector<512x16xi1>
      %jit3A_219 = arith.constant 0x7F800000 : f32
      %broadcast_in_dim3A_220 = vector.broadcast %jit3A_219 : f32 to vector<512x16xf32>
      %select_n3A_221 = arith.select %and3A_218, %broadcast_in_dim3A_220, %while3A_132 : vector<512x16xi1>, vector<512x16xf32>
      %eq3A_222 = vector.broadcast %min3A : vector<512x1xf32> to vector<512x2048xf32>
      %eq3A_223 = arith.cmpf oeq, %select_n3A_169, %eq3A_222 : vector<512x2048xf32>
      %eq3A_224 = vector.broadcast %add3A_157 : vector<1x2048xi32> to vector<512x2048xi32>
      %eq3A_225 = vector.broadcast %min3A_197 : vector<512x1xi32> to vector<512x2048xi32>
      %eq3A_226 = arith.cmpi eq, %eq3A_224, %eq3A_225 : vector<512x2048xi32>
      %and3A_227 = arith.andi %eq3A_223, %eq3A_226 : vector<512x2048xi1>
      %jit3A_228 = arith.constant 0x7F800000 : f32
      %broadcast_in_dim3A_229 = vector.broadcast %jit3A_228 : f32 to vector<512x2048xf32>
      %select_n3A_230 = arith.select %and3A_227, %broadcast_in_dim3A_229, %select_n3A_169 : vector<512x2048xi1>, vector<512x2048xf32>
      %reduce_min3A_231 = arith.constant dense<0x7F800000> : vector<512xf32>
      %reduce_min3A_232 = vector.multi_reduction <minimumf>, %select_n3A_221, %reduce_min3A_231 [1] : vector<512x16xf32> to vector<512xf32>
      %broadcast_in_dim3A_233 = vector.shape_cast %reduce_min3A_232 : vector<512xf32> to vector<512x1xf32>
      %reduce_min3A_234 = arith.constant dense<0x7F800000> : vector<512xf32>
      %reduce_min3A_235 = vector.multi_reduction <minimumf>, %select_n3A_230, %reduce_min3A_234 [1] : vector<512x2048xf32> to vector<512xf32>
      %broadcast_in_dim3A_236 = vector.shape_cast %reduce_min3A_235 : vector<512xf32> to vector<512x1xf32>
      %min3A_237 = arith.minimumf %broadcast_in_dim3A_233, %broadcast_in_dim3A_236 : vector<512x1xf32>
      %eq3A_238 = vector.broadcast %min3A_237 : vector<512x1xf32> to vector<512x16xf32>
      %eq3A_239 = arith.cmpf oeq, %select_n3A_221, %eq3A_238 : vector<512x16xf32>
      %jit3A_240 = arith.constant 2147483647 : i32
      %broadcast_in_dim3A_241 = vector.broadcast %jit3A_240 : i32 to vector<512x16xi32>
      %select_n3A_242 = arith.select %eq3A_239, %while3A_133, %broadcast_in_dim3A_241 : vector<512x16xi1>, vector<512x16xi32>
      %reduce_min3A_243 = arith.constant dense<2147483647> : vector<512xi32>
      %reduce_min3A_244 = vector.multi_reduction <minsi>, %select_n3A_242, %reduce_min3A_243 [1] : vector<512x16xi32> to vector<512xi32>
      %broadcast_in_dim3A_245 = vector.shape_cast %reduce_min3A_244 : vector<512xi32> to vector<512x1xi32>
      %eq3A_246 = vector.broadcast %min3A_237 : vector<512x1xf32> to vector<512x2048xf32>
      %eq3A_247 = arith.cmpf oeq, %select_n3A_230, %eq3A_246 : vector<512x2048xf32>
      %jit3A_248 = arith.constant 2147483647 : i32
      %broadcast_in_dim3A_249 = vector.shape_cast %add3A_157 : vector<1x2048xi32> to vector<1x2048xi32>
      %broadcast_in_dim3A_250 = vector.broadcast %broadcast_in_dim3A_249 : vector<1x2048xi32> to vector<512x2048xi32>
      %broadcast_in_dim3A_251 = vector.broadcast %jit3A_248 : i32 to vector<512x2048xi32>
      %select_n3A_252 = arith.select %eq3A_247, %broadcast_in_dim3A_250, %broadcast_in_dim3A_251 : vector<512x2048xi1>, vector<512x2048xi32>
      %reduce_min3A_253 = arith.constant dense<2147483647> : vector<512xi32>
      %reduce_min3A_254 = vector.multi_reduction <minsi>, %select_n3A_252, %reduce_min3A_253 [1] : vector<512x2048xi32> to vector<512xi32>
      %broadcast_in_dim3A_255 = vector.shape_cast %reduce_min3A_254 : vector<512xi32> to vector<512x1xi32>
      %min3A_256 = arith.minsi %broadcast_in_dim3A_245, %broadcast_in_dim3A_255 : vector<512x1xi32>
      %eq3A_257 = arith.constant 1 : i32
      %eq3A_258 = vector.broadcast %eq3A_257 : i32 to vector<1x16xi32>
      %eq3A_259 = arith.cmpi eq, %iota3A_111, %eq3A_258 : vector<1x16xi32>
      %broadcast_in_dim3A_260 = vector.shape_cast %eq3A_259 : vector<1x16xi1> to vector<1x16xi1>
      %broadcast_in_dim3A_261 = vector.broadcast %broadcast_in_dim3A_260 : vector<1x16xi1> to vector<512x16xi1>
      %broadcast_in_dim3A_262 = vector.shape_cast %min3A_237 : vector<512x1xf32> to vector<512x1xf32>
      %broadcast_in_dim3A_263 = vector.broadcast %broadcast_in_dim3A_262 : vector<512x1xf32> to vector<512x16xf32>
      %select_n3A_264 = arith.select %broadcast_in_dim3A_261, %broadcast_in_dim3A_263, %select_n3A_205 : vector<512x16xi1>, vector<512x16xf32>
      %eq3A_265 = arith.constant 1 : i32
      %eq3A_266 = vector.broadcast %eq3A_265 : i32 to vector<1x16xi32>
      %eq3A_267 = arith.cmpi eq, %iota3A_111, %eq3A_266 : vector<1x16xi32>
      %broadcast_in_dim3A_268 = vector.shape_cast %eq3A_267 : vector<1x16xi1> to vector<1x16xi1>
      %broadcast_in_dim3A_269 = vector.broadcast %broadcast_in_dim3A_268 : vector<1x16xi1> to vector<512x16xi1>
      %broadcast_in_dim3A_270 = vector.shape_cast %min3A_256 : vector<512x1xi32> to vector<512x1xi32>
      %broadcast_in_dim3A_271 = vector.broadcast %broadcast_in_dim3A_270 : vector<512x1xi32> to vector<512x16xi32>
      %select_n3A_272 = arith.select %broadcast_in_dim3A_269, %broadcast_in_dim3A_271, %select_n3A_213 : vector<512x16xi1>, vector<512x16xi32>
      %eq3A_273 = vector.broadcast %min3A_237 : vector<512x1xf32> to vector<512x16xf32>
      %eq3A_274 = arith.cmpf oeq, %select_n3A_221, %eq3A_273 : vector<512x16xf32>
      %eq3A_275 = vector.broadcast %min3A_256 : vector<512x1xi32> to vector<512x16xi32>
      %eq3A_276 = arith.cmpi eq, %while3A_133, %eq3A_275 : vector<512x16xi32>
      %and3A_277 = arith.andi %eq3A_274, %eq3A_276 : vector<512x16xi1>
      %jit3A_278 = arith.constant 0x7F800000 : f32
      %broadcast_in_dim3A_279 = vector.broadcast %jit3A_278 : f32 to vector<512x16xf32>
      %select_n3A_280 = arith.select %and3A_277, %broadcast_in_dim3A_279, %select_n3A_221 : vector<512x16xi1>, vector<512x16xf32>
      %eq3A_281 = vector.broadcast %min3A_237 : vector<512x1xf32> to vector<512x2048xf32>
      %eq3A_282 = arith.cmpf oeq, %select_n3A_230, %eq3A_281 : vector<512x2048xf32>
      %eq3A_283 = vector.broadcast %add3A_157 : vector<1x2048xi32> to vector<512x2048xi32>
      %eq3A_284 = vector.broadcast %min3A_256 : vector<512x1xi32> to vector<512x2048xi32>
      %eq3A_285 = arith.cmpi eq, %eq3A_283, %eq3A_284 : vector<512x2048xi32>
      %and3A_286 = arith.andi %eq3A_282, %eq3A_285 : vector<512x2048xi1>
      %jit3A_287 = arith.constant 0x7F800000 : f32
      %broadcast_in_dim3A_288 = vector.broadcast %jit3A_287 : f32 to vector<512x2048xf32>
      %select_n3A_289 = arith.select %and3A_286, %broadcast_in_dim3A_288, %select_n3A_230 : vector<512x2048xi1>, vector<512x2048xf32>
      %reduce_min3A_290 = arith.constant dense<0x7F800000> : vector<512xf32>
      %reduce_min3A_291 = vector.multi_reduction <minimumf>, %select_n3A_280, %reduce_min3A_290 [1] : vector<512x16xf32> to vector<512xf32>
      %broadcast_in_dim3A_292 = vector.shape_cast %reduce_min3A_291 : vector<512xf32> to vector<512x1xf32>
      %reduce_min3A_293 = arith.constant dense<0x7F800000> : vector<512xf32>
      %reduce_min3A_294 = vector.multi_reduction <minimumf>, %select_n3A_289, %reduce_min3A_293 [1] : vector<512x2048xf32> to vector<512xf32>
      %broadcast_in_dim3A_295 = vector.shape_cast %reduce_min3A_294 : vector<512xf32> to vector<512x1xf32>
      %min3A_296 = arith.minimumf %broadcast_in_dim3A_292, %broadcast_in_dim3A_295 : vector<512x1xf32>
      %eq3A_297 = vector.broadcast %min3A_296 : vector<512x1xf32> to vector<512x16xf32>
      %eq3A_298 = arith.cmpf oeq, %select_n3A_280, %eq3A_297 : vector<512x16xf32>
      %jit3A_299 = arith.constant 2147483647 : i32
      %broadcast_in_dim3A_300 = vector.broadcast %jit3A_299 : i32 to vector<512x16xi32>
      %select_n3A_301 = arith.select %eq3A_298, %while3A_133, %broadcast_in_dim3A_300 : vector<512x16xi1>, vector<512x16xi32>
      %reduce_min3A_302 = arith.constant dense<2147483647> : vector<512xi32>
      %reduce_min3A_303 = vector.multi_reduction <minsi>, %select_n3A_301, %reduce_min3A_302 [1] : vector<512x16xi32> to vector<512xi32>
      %broadcast_in_dim3A_304 = vector.shape_cast %reduce_min3A_303 : vector<512xi32> to vector<512x1xi32>
      %eq3A_305 = vector.broadcast %min3A_296 : vector<512x1xf32> to vector<512x2048xf32>
      %eq3A_306 = arith.cmpf oeq, %select_n3A_289, %eq3A_305 : vector<512x2048xf32>
      %jit3A_307 = arith.constant 2147483647 : i32
      %broadcast_in_dim3A_308 = vector.shape_cast %add3A_157 : vector<1x2048xi32> to vector<1x2048xi32>
      %broadcast_in_dim3A_309 = vector.broadcast %broadcast_in_dim3A_308 : vector<1x2048xi32> to vector<512x2048xi32>
      %broadcast_in_dim3A_310 = vector.broadcast %jit3A_307 : i32 to vector<512x2048xi32>
      %select_n3A_311 = arith.select %eq3A_306, %broadcast_in_dim3A_309, %broadcast_in_dim3A_310 : vector<512x2048xi1>, vector<512x2048xi32>
      %reduce_min3A_312 = arith.constant dense<2147483647> : vector<512xi32>
      %reduce_min3A_313 = vector.multi_reduction <minsi>, %select_n3A_311, %reduce_min3A_312 [1] : vector<512x2048xi32> to vector<512xi32>
      %broadcast_in_dim3A_314 = vector.shape_cast %reduce_min3A_313 : vector<512xi32> to vector<512x1xi32>
      %min3A_315 = arith.minsi %broadcast_in_dim3A_304, %broadcast_in_dim3A_314 : vector<512x1xi32>
      %eq3A_316 = arith.constant 2 : i32
      %eq3A_317 = vector.broadcast %eq3A_316 : i32 to vector<1x16xi32>
      %eq3A_318 = arith.cmpi eq, %iota3A_111, %eq3A_317 : vector<1x16xi32>
      %broadcast_in_dim3A_319 = vector.shape_cast %eq3A_318 : vector<1x16xi1> to vector<1x16xi1>
      %broadcast_in_dim3A_320 = vector.broadcast %broadcast_in_dim3A_319 : vector<1x16xi1> to vector<512x16xi1>
      %broadcast_in_dim3A_321 = vector.shape_cast %min3A_296 : vector<512x1xf32> to vector<512x1xf32>
      %broadcast_in_dim3A_322 = vector.broadcast %broadcast_in_dim3A_321 : vector<512x1xf32> to vector<512x16xf32>
      %select_n3A_323 = arith.select %broadcast_in_dim3A_320, %broadcast_in_dim3A_322, %select_n3A_264 : vector<512x16xi1>, vector<512x16xf32>
      %eq3A_324 = arith.constant 2 : i32
      %eq3A_325 = vector.broadcast %eq3A_324 : i32 to vector<1x16xi32>
      %eq3A_326 = arith.cmpi eq, %iota3A_111, %eq3A_325 : vector<1x16xi32>
      %broadcast_in_dim3A_327 = vector.shape_cast %eq3A_326 : vector<1x16xi1> to vector<1x16xi1>
      %broadcast_in_dim3A_328 = vector.broadcast %broadcast_in_dim3A_327 : vector<1x16xi1> to vector<512x16xi1>
      %broadcast_in_dim3A_329 = vector.shape_cast %min3A_315 : vector<512x1xi32> to vector<512x1xi32>
      %broadcast_in_dim3A_330 = vector.broadcast %broadcast_in_dim3A_329 : vector<512x1xi32> to vector<512x16xi32>
      %select_n3A_331 = arith.select %broadcast_in_dim3A_328, %broadcast_in_dim3A_330, %select_n3A_272 : vector<512x16xi1>, vector<512x16xi32>
      %eq3A_332 = vector.broadcast %min3A_296 : vector<512x1xf32> to vector<512x16xf32>
      %eq3A_333 = arith.cmpf oeq, %select_n3A_280, %eq3A_332 : vector<512x16xf32>
      %eq3A_334 = vector.broadcast %min3A_315 : vector<512x1xi32> to vector<512x16xi32>
      %eq3A_335 = arith.cmpi eq, %while3A_133, %eq3A_334 : vector<512x16xi32>
      %and3A_336 = arith.andi %eq3A_333, %eq3A_335 : vector<512x16xi1>
      %jit3A_337 = arith.constant 0x7F800000 : f32
      %broadcast_in_dim3A_338 = vector.broadcast %jit3A_337 : f32 to vector<512x16xf32>
      %select_n3A_339 = arith.select %and3A_336, %broadcast_in_dim3A_338, %select_n3A_280 : vector<512x16xi1>, vector<512x16xf32>
      %eq3A_340 = vector.broadcast %min3A_296 : vector<512x1xf32> to vector<512x2048xf32>
      %eq3A_341 = arith.cmpf oeq, %select_n3A_289, %eq3A_340 : vector<512x2048xf32>
      %eq3A_342 = vector.broadcast %add3A_157 : vector<1x2048xi32> to vector<512x2048xi32>
      %eq3A_343 = vector.broadcast %min3A_315 : vector<512x1xi32> to vector<512x2048xi32>
      %eq3A_344 = arith.cmpi eq, %eq3A_342, %eq3A_343 : vector<512x2048xi32>
      %and3A_345 = arith.andi %eq3A_341, %eq3A_344 : vector<512x2048xi1>
      %jit3A_346 = arith.constant 0x7F800000 : f32
      %broadcast_in_dim3A_347 = vector.broadcast %jit3A_346 : f32 to vector<512x2048xf32>
      %select_n3A_348 = arith.select %and3A_345, %broadcast_in_dim3A_347, %select_n3A_289 : vector<512x2048xi1>, vector<512x2048xf32>
      %reduce_min3A_349 = arith.constant dense<0x7F800000> : vector<512xf32>
      %reduce_min3A_350 = vector.multi_reduction <minimumf>, %select_n3A_339, %reduce_min3A_349 [1] : vector<512x16xf32> to vector<512xf32>
      %broadcast_in_dim3A_351 = vector.shape_cast %reduce_min3A_350 : vector<512xf32> to vector<512x1xf32>
      %reduce_min3A_352 = arith.constant dense<0x7F800000> : vector<512xf32>
      %reduce_min3A_353 = vector.multi_reduction <minimumf>, %select_n3A_348, %reduce_min3A_352 [1] : vector<512x2048xf32> to vector<512xf32>
      %broadcast_in_dim3A_354 = vector.shape_cast %reduce_min3A_353 : vector<512xf32> to vector<512x1xf32>
      %min3A_355 = arith.minimumf %broadcast_in_dim3A_351, %broadcast_in_dim3A_354 : vector<512x1xf32>
      %eq3A_356 = vector.broadcast %min3A_355 : vector<512x1xf32> to vector<512x16xf32>
      %eq3A_357 = arith.cmpf oeq, %select_n3A_339, %eq3A_356 : vector<512x16xf32>
      %jit3A_358 = arith.constant 2147483647 : i32
      %broadcast_in_dim3A_359 = vector.broadcast %jit3A_358 : i32 to vector<512x16xi32>
      %select_n3A_360 = arith.select %eq3A_357, %while3A_133, %broadcast_in_dim3A_359 : vector<512x16xi1>, vector<512x16xi32>
      %reduce_min3A_361 = arith.constant dense<2147483647> : vector<512xi32>
      %reduce_min3A_362 = vector.multi_reduction <minsi>, %select_n3A_360, %reduce_min3A_361 [1] : vector<512x16xi32> to vector<512xi32>
      %broadcast_in_dim3A_363 = vector.shape_cast %reduce_min3A_362 : vector<512xi32> to vector<512x1xi32>
      %eq3A_364 = vector.broadcast %min3A_355 : vector<512x1xf32> to vector<512x2048xf32>
      %eq3A_365 = arith.cmpf oeq, %select_n3A_348, %eq3A_364 : vector<512x2048xf32>
      %jit3A_366 = arith.constant 2147483647 : i32
      %broadcast_in_dim3A_367 = vector.shape_cast %add3A_157 : vector<1x2048xi32> to vector<1x2048xi32>
      %broadcast_in_dim3A_368 = vector.broadcast %broadcast_in_dim3A_367 : vector<1x2048xi32> to vector<512x2048xi32>
      %broadcast_in_dim3A_369 = vector.broadcast %jit3A_366 : i32 to vector<512x2048xi32>
      %select_n3A_370 = arith.select %eq3A_365, %broadcast_in_dim3A_368, %broadcast_in_dim3A_369 : vector<512x2048xi1>, vector<512x2048xi32>
      %reduce_min3A_371 = arith.constant dense<2147483647> : vector<512xi32>
      %reduce_min3A_372 = vector.multi_reduction <minsi>, %select_n3A_370, %reduce_min3A_371 [1] : vector<512x2048xi32> to vector<512xi32>
      %broadcast_in_dim3A_373 = vector.shape_cast %reduce_min3A_372 : vector<512xi32> to vector<512x1xi32>
      %min3A_374 = arith.minsi %broadcast_in_dim3A_363, %broadcast_in_dim3A_373 : vector<512x1xi32>
      %eq3A_375 = arith.constant 3 : i32
      %eq3A_376 = vector.broadcast %eq3A_375 : i32 to vector<1x16xi32>
      %eq3A_377 = arith.cmpi eq, %iota3A_111, %eq3A_376 : vector<1x16xi32>
      %broadcast_in_dim3A_378 = vector.shape_cast %eq3A_377 : vector<1x16xi1> to vector<1x16xi1>
      %broadcast_in_dim3A_379 = vector.broadcast %broadcast_in_dim3A_378 : vector<1x16xi1> to vector<512x16xi1>
      %broadcast_in_dim3A_380 = vector.shape_cast %min3A_355 : vector<512x1xf32> to vector<512x1xf32>
      %broadcast_in_dim3A_381 = vector.broadcast %broadcast_in_dim3A_380 : vector<512x1xf32> to vector<512x16xf32>
      %select_n3A_382 = arith.select %broadcast_in_dim3A_379, %broadcast_in_dim3A_381, %select_n3A_323 : vector<512x16xi1>, vector<512x16xf32>
      %eq3A_383 = arith.constant 3 : i32
      %eq3A_384 = vector.broadcast %eq3A_383 : i32 to vector<1x16xi32>
      %eq3A_385 = arith.cmpi eq, %iota3A_111, %eq3A_384 : vector<1x16xi32>
      %broadcast_in_dim3A_386 = vector.shape_cast %eq3A_385 : vector<1x16xi1> to vector<1x16xi1>
      %broadcast_in_dim3A_387 = vector.broadcast %broadcast_in_dim3A_386 : vector<1x16xi1> to vector<512x16xi1>
      %broadcast_in_dim3A_388 = vector.shape_cast %min3A_374 : vector<512x1xi32> to vector<512x1xi32>
      %broadcast_in_dim3A_389 = vector.broadcast %broadcast_in_dim3A_388 : vector<512x1xi32> to vector<512x16xi32>
      %select_n3A_390 = arith.select %broadcast_in_dim3A_387, %broadcast_in_dim3A_389, %select_n3A_331 : vector<512x16xi1>, vector<512x16xi32>
      %eq3A_391 = vector.broadcast %min3A_355 : vector<512x1xf32> to vector<512x16xf32>
      %eq3A_392 = arith.cmpf oeq, %select_n3A_339, %eq3A_391 : vector<512x16xf32>
      %eq3A_393 = vector.broadcast %min3A_374 : vector<512x1xi32> to vector<512x16xi32>
      %eq3A_394 = arith.cmpi eq, %while3A_133, %eq3A_393 : vector<512x16xi32>
      %and3A_395 = arith.andi %eq3A_392, %eq3A_394 : vector<512x16xi1>
      %jit3A_396 = arith.constant 0x7F800000 : f32
      %broadcast_in_dim3A_397 = vector.broadcast %jit3A_396 : f32 to vector<512x16xf32>
      %select_n3A_398 = arith.select %and3A_395, %broadcast_in_dim3A_397, %select_n3A_339 : vector<512x16xi1>, vector<512x16xf32>
      %eq3A_399 = vector.broadcast %min3A_355 : vector<512x1xf32> to vector<512x2048xf32>
      %eq3A_400 = arith.cmpf oeq, %select_n3A_348, %eq3A_399 : vector<512x2048xf32>
      %eq3A_401 = vector.broadcast %add3A_157 : vector<1x2048xi32> to vector<512x2048xi32>
      %eq3A_402 = vector.broadcast %min3A_374 : vector<512x1xi32> to vector<512x2048xi32>
      %eq3A_403 = arith.cmpi eq, %eq3A_401, %eq3A_402 : vector<512x2048xi32>
      %and3A_404 = arith.andi %eq3A_400, %eq3A_403 : vector<512x2048xi1>
      %jit3A_405 = arith.constant 0x7F800000 : f32
      %broadcast_in_dim3A_406 = vector.broadcast %jit3A_405 : f32 to vector<512x2048xf32>
      %select_n3A_407 = arith.select %and3A_404, %broadcast_in_dim3A_406, %select_n3A_348 : vector<512x2048xi1>, vector<512x2048xf32>
      %reduce_min3A_408 = arith.constant dense<0x7F800000> : vector<512xf32>
      %reduce_min3A_409 = vector.multi_reduction <minimumf>, %select_n3A_398, %reduce_min3A_408 [1] : vector<512x16xf32> to vector<512xf32>
      %broadcast_in_dim3A_410 = vector.shape_cast %reduce_min3A_409 : vector<512xf32> to vector<512x1xf32>
      %reduce_min3A_411 = arith.constant dense<0x7F800000> : vector<512xf32>
      %reduce_min3A_412 = vector.multi_reduction <minimumf>, %select_n3A_407, %reduce_min3A_411 [1] : vector<512x2048xf32> to vector<512xf32>
      %broadcast_in_dim3A_413 = vector.shape_cast %reduce_min3A_412 : vector<512xf32> to vector<512x1xf32>
      %min3A_414 = arith.minimumf %broadcast_in_dim3A_410, %broadcast_in_dim3A_413 : vector<512x1xf32>
      %eq3A_415 = vector.broadcast %min3A_414 : vector<512x1xf32> to vector<512x16xf32>
      %eq3A_416 = arith.cmpf oeq, %select_n3A_398, %eq3A_415 : vector<512x16xf32>
      %jit3A_417 = arith.constant 2147483647 : i32
      %broadcast_in_dim3A_418 = vector.broadcast %jit3A_417 : i32 to vector<512x16xi32>
      %select_n3A_419 = arith.select %eq3A_416, %while3A_133, %broadcast_in_dim3A_418 : vector<512x16xi1>, vector<512x16xi32>
      %reduce_min3A_420 = arith.constant dense<2147483647> : vector<512xi32>
      %reduce_min3A_421 = vector.multi_reduction <minsi>, %select_n3A_419, %reduce_min3A_420 [1] : vector<512x16xi32> to vector<512xi32>
      %broadcast_in_dim3A_422 = vector.shape_cast %reduce_min3A_421 : vector<512xi32> to vector<512x1xi32>
      %eq3A_423 = vector.broadcast %min3A_414 : vector<512x1xf32> to vector<512x2048xf32>
      %eq3A_424 = arith.cmpf oeq, %select_n3A_407, %eq3A_423 : vector<512x2048xf32>
      %jit3A_425 = arith.constant 2147483647 : i32
      %broadcast_in_dim3A_426 = vector.shape_cast %add3A_157 : vector<1x2048xi32> to vector<1x2048xi32>
      %broadcast_in_dim3A_427 = vector.broadcast %broadcast_in_dim3A_426 : vector<1x2048xi32> to vector<512x2048xi32>
      %broadcast_in_dim3A_428 = vector.broadcast %jit3A_425 : i32 to vector<512x2048xi32>
      %select_n3A_429 = arith.select %eq3A_424, %broadcast_in_dim3A_427, %broadcast_in_dim3A_428 : vector<512x2048xi1>, vector<512x2048xi32>
      %reduce_min3A_430 = arith.constant dense<2147483647> : vector<512xi32>
      %reduce_min3A_431 = vector.multi_reduction <minsi>, %select_n3A_429, %reduce_min3A_430 [1] : vector<512x2048xi32> to vector<512xi32>
      %broadcast_in_dim3A_432 = vector.shape_cast %reduce_min3A_431 : vector<512xi32> to vector<512x1xi32>
      %min3A_433 = arith.minsi %broadcast_in_dim3A_422, %broadcast_in_dim3A_432 : vector<512x1xi32>
      %eq3A_434 = arith.constant 4 : i32
      %eq3A_435 = vector.broadcast %eq3A_434 : i32 to vector<1x16xi32>
      %eq3A_436 = arith.cmpi eq, %iota3A_111, %eq3A_435 : vector<1x16xi32>
      %broadcast_in_dim3A_437 = vector.shape_cast %eq3A_436 : vector<1x16xi1> to vector<1x16xi1>
      %broadcast_in_dim3A_438 = vector.broadcast %broadcast_in_dim3A_437 : vector<1x16xi1> to vector<512x16xi1>
      %broadcast_in_dim3A_439 = vector.shape_cast %min3A_414 : vector<512x1xf32> to vector<512x1xf32>
      %broadcast_in_dim3A_440 = vector.broadcast %broadcast_in_dim3A_439 : vector<512x1xf32> to vector<512x16xf32>
      %select_n3A_441 = arith.select %broadcast_in_dim3A_438, %broadcast_in_dim3A_440, %select_n3A_382 : vector<512x16xi1>, vector<512x16xf32>
      %eq3A_442 = arith.constant 4 : i32
      %eq3A_443 = vector.broadcast %eq3A_442 : i32 to vector<1x16xi32>
      %eq3A_444 = arith.cmpi eq, %iota3A_111, %eq3A_443 : vector<1x16xi32>
      %broadcast_in_dim3A_445 = vector.shape_cast %eq3A_444 : vector<1x16xi1> to vector<1x16xi1>
      %broadcast_in_dim3A_446 = vector.broadcast %broadcast_in_dim3A_445 : vector<1x16xi1> to vector<512x16xi1>
      %broadcast_in_dim3A_447 = vector.shape_cast %min3A_433 : vector<512x1xi32> to vector<512x1xi32>
      %broadcast_in_dim3A_448 = vector.broadcast %broadcast_in_dim3A_447 : vector<512x1xi32> to vector<512x16xi32>
      %select_n3A_449 = arith.select %broadcast_in_dim3A_446, %broadcast_in_dim3A_448, %select_n3A_390 : vector<512x16xi1>, vector<512x16xi32>
      %eq3A_450 = vector.broadcast %min3A_414 : vector<512x1xf32> to vector<512x16xf32>
      %eq3A_451 = arith.cmpf oeq, %select_n3A_398, %eq3A_450 : vector<512x16xf32>
      %eq3A_452 = vector.broadcast %min3A_433 : vector<512x1xi32> to vector<512x16xi32>
      %eq3A_453 = arith.cmpi eq, %while3A_133, %eq3A_452 : vector<512x16xi32>
      %and3A_454 = arith.andi %eq3A_451, %eq3A_453 : vector<512x16xi1>
      %jit3A_455 = arith.constant 0x7F800000 : f32
      %broadcast_in_dim3A_456 = vector.broadcast %jit3A_455 : f32 to vector<512x16xf32>
      %select_n3A_457 = arith.select %and3A_454, %broadcast_in_dim3A_456, %select_n3A_398 : vector<512x16xi1>, vector<512x16xf32>
      %eq3A_458 = vector.broadcast %min3A_414 : vector<512x1xf32> to vector<512x2048xf32>
      %eq3A_459 = arith.cmpf oeq, %select_n3A_407, %eq3A_458 : vector<512x2048xf32>
      %eq3A_460 = vector.broadcast %add3A_157 : vector<1x2048xi32> to vector<512x2048xi32>
      %eq3A_461 = vector.broadcast %min3A_433 : vector<512x1xi32> to vector<512x2048xi32>
      %eq3A_462 = arith.cmpi eq, %eq3A_460, %eq3A_461 : vector<512x2048xi32>
      %and3A_463 = arith.andi %eq3A_459, %eq3A_462 : vector<512x2048xi1>
      %jit3A_464 = arith.constant 0x7F800000 : f32
      %broadcast_in_dim3A_465 = vector.broadcast %jit3A_464 : f32 to vector<512x2048xf32>
      %select_n3A_466 = arith.select %and3A_463, %broadcast_in_dim3A_465, %select_n3A_407 : vector<512x2048xi1>, vector<512x2048xf32>
      %reduce_min3A_467 = arith.constant dense<0x7F800000> : vector<512xf32>
      %reduce_min3A_468 = vector.multi_reduction <minimumf>, %select_n3A_457, %reduce_min3A_467 [1] : vector<512x16xf32> to vector<512xf32>
      %broadcast_in_dim3A_469 = vector.shape_cast %reduce_min3A_468 : vector<512xf32> to vector<512x1xf32>
      %reduce_min3A_470 = arith.constant dense<0x7F800000> : vector<512xf32>
      %reduce_min3A_471 = vector.multi_reduction <minimumf>, %select_n3A_466, %reduce_min3A_470 [1] : vector<512x2048xf32> to vector<512xf32>
      %broadcast_in_dim3A_472 = vector.shape_cast %reduce_min3A_471 : vector<512xf32> to vector<512x1xf32>
      %min3A_473 = arith.minimumf %broadcast_in_dim3A_469, %broadcast_in_dim3A_472 : vector<512x1xf32>
      %eq3A_474 = vector.broadcast %min3A_473 : vector<512x1xf32> to vector<512x16xf32>
      %eq3A_475 = arith.cmpf oeq, %select_n3A_457, %eq3A_474 : vector<512x16xf32>
      %jit3A_476 = arith.constant 2147483647 : i32
      %broadcast_in_dim3A_477 = vector.broadcast %jit3A_476 : i32 to vector<512x16xi32>
      %select_n3A_478 = arith.select %eq3A_475, %while3A_133, %broadcast_in_dim3A_477 : vector<512x16xi1>, vector<512x16xi32>
      %reduce_min3A_479 = arith.constant dense<2147483647> : vector<512xi32>
      %reduce_min3A_480 = vector.multi_reduction <minsi>, %select_n3A_478, %reduce_min3A_479 [1] : vector<512x16xi32> to vector<512xi32>
      %broadcast_in_dim3A_481 = vector.shape_cast %reduce_min3A_480 : vector<512xi32> to vector<512x1xi32>
      %eq3A_482 = vector.broadcast %min3A_473 : vector<512x1xf32> to vector<512x2048xf32>
      %eq3A_483 = arith.cmpf oeq, %select_n3A_466, %eq3A_482 : vector<512x2048xf32>
      %jit3A_484 = arith.constant 2147483647 : i32
      %broadcast_in_dim3A_485 = vector.shape_cast %add3A_157 : vector<1x2048xi32> to vector<1x2048xi32>
      %broadcast_in_dim3A_486 = vector.broadcast %broadcast_in_dim3A_485 : vector<1x2048xi32> to vector<512x2048xi32>
      %broadcast_in_dim3A_487 = vector.broadcast %jit3A_484 : i32 to vector<512x2048xi32>
      %select_n3A_488 = arith.select %eq3A_483, %broadcast_in_dim3A_486, %broadcast_in_dim3A_487 : vector<512x2048xi1>, vector<512x2048xi32>
      %reduce_min3A_489 = arith.constant dense<2147483647> : vector<512xi32>
      %reduce_min3A_490 = vector.multi_reduction <minsi>, %select_n3A_488, %reduce_min3A_489 [1] : vector<512x2048xi32> to vector<512xi32>
      %broadcast_in_dim3A_491 = vector.shape_cast %reduce_min3A_490 : vector<512xi32> to vector<512x1xi32>
      %min3A_492 = arith.minsi %broadcast_in_dim3A_481, %broadcast_in_dim3A_491 : vector<512x1xi32>
      %eq3A_493 = arith.constant 5 : i32
      %eq3A_494 = vector.broadcast %eq3A_493 : i32 to vector<1x16xi32>
      %eq3A_495 = arith.cmpi eq, %iota3A_111, %eq3A_494 : vector<1x16xi32>
      %broadcast_in_dim3A_496 = vector.shape_cast %eq3A_495 : vector<1x16xi1> to vector<1x16xi1>
      %broadcast_in_dim3A_497 = vector.broadcast %broadcast_in_dim3A_496 : vector<1x16xi1> to vector<512x16xi1>
      %broadcast_in_dim3A_498 = vector.shape_cast %min3A_473 : vector<512x1xf32> to vector<512x1xf32>
      %broadcast_in_dim3A_499 = vector.broadcast %broadcast_in_dim3A_498 : vector<512x1xf32> to vector<512x16xf32>
      %select_n3A_500 = arith.select %broadcast_in_dim3A_497, %broadcast_in_dim3A_499, %select_n3A_441 : vector<512x16xi1>, vector<512x16xf32>
      %eq3A_501 = arith.constant 5 : i32
      %eq3A_502 = vector.broadcast %eq3A_501 : i32 to vector<1x16xi32>
      %eq3A_503 = arith.cmpi eq, %iota3A_111, %eq3A_502 : vector<1x16xi32>
      %broadcast_in_dim3A_504 = vector.shape_cast %eq3A_503 : vector<1x16xi1> to vector<1x16xi1>
      %broadcast_in_dim3A_505 = vector.broadcast %broadcast_in_dim3A_504 : vector<1x16xi1> to vector<512x16xi1>
      %broadcast_in_dim3A_506 = vector.shape_cast %min3A_492 : vector<512x1xi32> to vector<512x1xi32>
      %broadcast_in_dim3A_507 = vector.broadcast %broadcast_in_dim3A_506 : vector<512x1xi32> to vector<512x16xi32>
      %select_n3A_508 = arith.select %broadcast_in_dim3A_505, %broadcast_in_dim3A_507, %select_n3A_449 : vector<512x16xi1>, vector<512x16xi32>
      %eq3A_509 = vector.broadcast %min3A_473 : vector<512x1xf32> to vector<512x16xf32>
      %eq3A_510 = arith.cmpf oeq, %select_n3A_457, %eq3A_509 : vector<512x16xf32>
      %eq3A_511 = vector.broadcast %min3A_492 : vector<512x1xi32> to vector<512x16xi32>
      %eq3A_512 = arith.cmpi eq, %while3A_133, %eq3A_511 : vector<512x16xi32>
      %and3A_513 = arith.andi %eq3A_510, %eq3A_512 : vector<512x16xi1>
      %jit3A_514 = arith.constant 0x7F800000 : f32
      %broadcast_in_dim3A_515 = vector.broadcast %jit3A_514 : f32 to vector<512x16xf32>
      %select_n3A_516 = arith.select %and3A_513, %broadcast_in_dim3A_515, %select_n3A_457 : vector<512x16xi1>, vector<512x16xf32>
      %eq3A_517 = vector.broadcast %min3A_473 : vector<512x1xf32> to vector<512x2048xf32>
      %eq3A_518 = arith.cmpf oeq, %select_n3A_466, %eq3A_517 : vector<512x2048xf32>
      %eq3A_519 = vector.broadcast %add3A_157 : vector<1x2048xi32> to vector<512x2048xi32>
      %eq3A_520 = vector.broadcast %min3A_492 : vector<512x1xi32> to vector<512x2048xi32>
      %eq3A_521 = arith.cmpi eq, %eq3A_519, %eq3A_520 : vector<512x2048xi32>
      %and3A_522 = arith.andi %eq3A_518, %eq3A_521 : vector<512x2048xi1>
      %jit3A_523 = arith.constant 0x7F800000 : f32
      %broadcast_in_dim3A_524 = vector.broadcast %jit3A_523 : f32 to vector<512x2048xf32>
      %select_n3A_525 = arith.select %and3A_522, %broadcast_in_dim3A_524, %select_n3A_466 : vector<512x2048xi1>, vector<512x2048xf32>
      %reduce_min3A_526 = arith.constant dense<0x7F800000> : vector<512xf32>
      %reduce_min3A_527 = vector.multi_reduction <minimumf>, %select_n3A_516, %reduce_min3A_526 [1] : vector<512x16xf32> to vector<512xf32>
      %broadcast_in_dim3A_528 = vector.shape_cast %reduce_min3A_527 : vector<512xf32> to vector<512x1xf32>
      %reduce_min3A_529 = arith.constant dense<0x7F800000> : vector<512xf32>
      %reduce_min3A_530 = vector.multi_reduction <minimumf>, %select_n3A_525, %reduce_min3A_529 [1] : vector<512x2048xf32> to vector<512xf32>
      %broadcast_in_dim3A_531 = vector.shape_cast %reduce_min3A_530 : vector<512xf32> to vector<512x1xf32>
      %min3A_532 = arith.minimumf %broadcast_in_dim3A_528, %broadcast_in_dim3A_531 : vector<512x1xf32>
      %eq3A_533 = vector.broadcast %min3A_532 : vector<512x1xf32> to vector<512x16xf32>
      %eq3A_534 = arith.cmpf oeq, %select_n3A_516, %eq3A_533 : vector<512x16xf32>
      %jit3A_535 = arith.constant 2147483647 : i32
      %broadcast_in_dim3A_536 = vector.broadcast %jit3A_535 : i32 to vector<512x16xi32>
      %select_n3A_537 = arith.select %eq3A_534, %while3A_133, %broadcast_in_dim3A_536 : vector<512x16xi1>, vector<512x16xi32>
      %reduce_min3A_538 = arith.constant dense<2147483647> : vector<512xi32>
      %reduce_min3A_539 = vector.multi_reduction <minsi>, %select_n3A_537, %reduce_min3A_538 [1] : vector<512x16xi32> to vector<512xi32>
      %broadcast_in_dim3A_540 = vector.shape_cast %reduce_min3A_539 : vector<512xi32> to vector<512x1xi32>
      %eq3A_541 = vector.broadcast %min3A_532 : vector<512x1xf32> to vector<512x2048xf32>
      %eq3A_542 = arith.cmpf oeq, %select_n3A_525, %eq3A_541 : vector<512x2048xf32>
      %jit3A_543 = arith.constant 2147483647 : i32
      %broadcast_in_dim3A_544 = vector.shape_cast %add3A_157 : vector<1x2048xi32> to vector<1x2048xi32>
      %broadcast_in_dim3A_545 = vector.broadcast %broadcast_in_dim3A_544 : vector<1x2048xi32> to vector<512x2048xi32>
      %broadcast_in_dim3A_546 = vector.broadcast %jit3A_543 : i32 to vector<512x2048xi32>
      %select_n3A_547 = arith.select %eq3A_542, %broadcast_in_dim3A_545, %broadcast_in_dim3A_546 : vector<512x2048xi1>, vector<512x2048xi32>
      %reduce_min3A_548 = arith.constant dense<2147483647> : vector<512xi32>
      %reduce_min3A_549 = vector.multi_reduction <minsi>, %select_n3A_547, %reduce_min3A_548 [1] : vector<512x2048xi32> to vector<512xi32>
      %broadcast_in_dim3A_550 = vector.shape_cast %reduce_min3A_549 : vector<512xi32> to vector<512x1xi32>
      %min3A_551 = arith.minsi %broadcast_in_dim3A_540, %broadcast_in_dim3A_550 : vector<512x1xi32>
      %eq3A_552 = arith.constant 6 : i32
      %eq3A_553 = vector.broadcast %eq3A_552 : i32 to vector<1x16xi32>
      %eq3A_554 = arith.cmpi eq, %iota3A_111, %eq3A_553 : vector<1x16xi32>
      %broadcast_in_dim3A_555 = vector.shape_cast %eq3A_554 : vector<1x16xi1> to vector<1x16xi1>
      %broadcast_in_dim3A_556 = vector.broadcast %broadcast_in_dim3A_555 : vector<1x16xi1> to vector<512x16xi1>
      %broadcast_in_dim3A_557 = vector.shape_cast %min3A_532 : vector<512x1xf32> to vector<512x1xf32>
      %broadcast_in_dim3A_558 = vector.broadcast %broadcast_in_dim3A_557 : vector<512x1xf32> to vector<512x16xf32>
      %select_n3A_559 = arith.select %broadcast_in_dim3A_556, %broadcast_in_dim3A_558, %select_n3A_500 : vector<512x16xi1>, vector<512x16xf32>
      %eq3A_560 = arith.constant 6 : i32
      %eq3A_561 = vector.broadcast %eq3A_560 : i32 to vector<1x16xi32>
      %eq3A_562 = arith.cmpi eq, %iota3A_111, %eq3A_561 : vector<1x16xi32>
      %broadcast_in_dim3A_563 = vector.shape_cast %eq3A_562 : vector<1x16xi1> to vector<1x16xi1>
      %broadcast_in_dim3A_564 = vector.broadcast %broadcast_in_dim3A_563 : vector<1x16xi1> to vector<512x16xi1>
      %broadcast_in_dim3A_565 = vector.shape_cast %min3A_551 : vector<512x1xi32> to vector<512x1xi32>
      %broadcast_in_dim3A_566 = vector.broadcast %broadcast_in_dim3A_565 : vector<512x1xi32> to vector<512x16xi32>
      %select_n3A_567 = arith.select %broadcast_in_dim3A_564, %broadcast_in_dim3A_566, %select_n3A_508 : vector<512x16xi1>, vector<512x16xi32>
      %eq3A_568 = vector.broadcast %min3A_532 : vector<512x1xf32> to vector<512x16xf32>
      %eq3A_569 = arith.cmpf oeq, %select_n3A_516, %eq3A_568 : vector<512x16xf32>
      %eq3A_570 = vector.broadcast %min3A_551 : vector<512x1xi32> to vector<512x16xi32>
      %eq3A_571 = arith.cmpi eq, %while3A_133, %eq3A_570 : vector<512x16xi32>
      %and3A_572 = arith.andi %eq3A_569, %eq3A_571 : vector<512x16xi1>
      %jit3A_573 = arith.constant 0x7F800000 : f32
      %broadcast_in_dim3A_574 = vector.broadcast %jit3A_573 : f32 to vector<512x16xf32>
      %select_n3A_575 = arith.select %and3A_572, %broadcast_in_dim3A_574, %select_n3A_516 : vector<512x16xi1>, vector<512x16xf32>
      %eq3A_576 = vector.broadcast %min3A_532 : vector<512x1xf32> to vector<512x2048xf32>
      %eq3A_577 = arith.cmpf oeq, %select_n3A_525, %eq3A_576 : vector<512x2048xf32>
      %eq3A_578 = vector.broadcast %add3A_157 : vector<1x2048xi32> to vector<512x2048xi32>
      %eq3A_579 = vector.broadcast %min3A_551 : vector<512x1xi32> to vector<512x2048xi32>
      %eq3A_580 = arith.cmpi eq, %eq3A_578, %eq3A_579 : vector<512x2048xi32>
      %and3A_581 = arith.andi %eq3A_577, %eq3A_580 : vector<512x2048xi1>
      %jit3A_582 = arith.constant 0x7F800000 : f32
      %broadcast_in_dim3A_583 = vector.broadcast %jit3A_582 : f32 to vector<512x2048xf32>
      %select_n3A_584 = arith.select %and3A_581, %broadcast_in_dim3A_583, %select_n3A_525 : vector<512x2048xi1>, vector<512x2048xf32>
      %reduce_min3A_585 = arith.constant dense<0x7F800000> : vector<512xf32>
      %reduce_min3A_586 = vector.multi_reduction <minimumf>, %select_n3A_575, %reduce_min3A_585 [1] : vector<512x16xf32> to vector<512xf32>
      %broadcast_in_dim3A_587 = vector.shape_cast %reduce_min3A_586 : vector<512xf32> to vector<512x1xf32>
      %reduce_min3A_588 = arith.constant dense<0x7F800000> : vector<512xf32>
      %reduce_min3A_589 = vector.multi_reduction <minimumf>, %select_n3A_584, %reduce_min3A_588 [1] : vector<512x2048xf32> to vector<512xf32>
      %broadcast_in_dim3A_590 = vector.shape_cast %reduce_min3A_589 : vector<512xf32> to vector<512x1xf32>
      %min3A_591 = arith.minimumf %broadcast_in_dim3A_587, %broadcast_in_dim3A_590 : vector<512x1xf32>
      %eq3A_592 = vector.broadcast %min3A_591 : vector<512x1xf32> to vector<512x16xf32>
      %eq3A_593 = arith.cmpf oeq, %select_n3A_575, %eq3A_592 : vector<512x16xf32>
      %jit3A_594 = arith.constant 2147483647 : i32
      %broadcast_in_dim3A_595 = vector.broadcast %jit3A_594 : i32 to vector<512x16xi32>
      %select_n3A_596 = arith.select %eq3A_593, %while3A_133, %broadcast_in_dim3A_595 : vector<512x16xi1>, vector<512x16xi32>
      %reduce_min3A_597 = arith.constant dense<2147483647> : vector<512xi32>
      %reduce_min3A_598 = vector.multi_reduction <minsi>, %select_n3A_596, %reduce_min3A_597 [1] : vector<512x16xi32> to vector<512xi32>
      %broadcast_in_dim3A_599 = vector.shape_cast %reduce_min3A_598 : vector<512xi32> to vector<512x1xi32>
      %eq3A_600 = vector.broadcast %min3A_591 : vector<512x1xf32> to vector<512x2048xf32>
      %eq3A_601 = arith.cmpf oeq, %select_n3A_584, %eq3A_600 : vector<512x2048xf32>
      %jit3A_602 = arith.constant 2147483647 : i32
      %broadcast_in_dim3A_603 = vector.shape_cast %add3A_157 : vector<1x2048xi32> to vector<1x2048xi32>
      %broadcast_in_dim3A_604 = vector.broadcast %broadcast_in_dim3A_603 : vector<1x2048xi32> to vector<512x2048xi32>
      %broadcast_in_dim3A_605 = vector.broadcast %jit3A_602 : i32 to vector<512x2048xi32>
      %select_n3A_606 = arith.select %eq3A_601, %broadcast_in_dim3A_604, %broadcast_in_dim3A_605 : vector<512x2048xi1>, vector<512x2048xi32>
      %reduce_min3A_607 = arith.constant dense<2147483647> : vector<512xi32>
      %reduce_min3A_608 = vector.multi_reduction <minsi>, %select_n3A_606, %reduce_min3A_607 [1] : vector<512x2048xi32> to vector<512xi32>
      %broadcast_in_dim3A_609 = vector.shape_cast %reduce_min3A_608 : vector<512xi32> to vector<512x1xi32>
      %min3A_610 = arith.minsi %broadcast_in_dim3A_599, %broadcast_in_dim3A_609 : vector<512x1xi32>
      %eq3A_611 = arith.constant 7 : i32
      %eq3A_612 = vector.broadcast %eq3A_611 : i32 to vector<1x16xi32>
      %eq3A_613 = arith.cmpi eq, %iota3A_111, %eq3A_612 : vector<1x16xi32>
      %broadcast_in_dim3A_614 = vector.shape_cast %eq3A_613 : vector<1x16xi1> to vector<1x16xi1>
      %broadcast_in_dim3A_615 = vector.broadcast %broadcast_in_dim3A_614 : vector<1x16xi1> to vector<512x16xi1>
      %broadcast_in_dim3A_616 = vector.shape_cast %min3A_591 : vector<512x1xf32> to vector<512x1xf32>
      %broadcast_in_dim3A_617 = vector.broadcast %broadcast_in_dim3A_616 : vector<512x1xf32> to vector<512x16xf32>
      %select_n3A_618 = arith.select %broadcast_in_dim3A_615, %broadcast_in_dim3A_617, %select_n3A_559 : vector<512x16xi1>, vector<512x16xf32>
      %eq3A_619 = arith.constant 7 : i32
      %eq3A_620 = vector.broadcast %eq3A_619 : i32 to vector<1x16xi32>
      %eq3A_621 = arith.cmpi eq, %iota3A_111, %eq3A_620 : vector<1x16xi32>
      %broadcast_in_dim3A_622 = vector.shape_cast %eq3A_621 : vector<1x16xi1> to vector<1x16xi1>
      %broadcast_in_dim3A_623 = vector.broadcast %broadcast_in_dim3A_622 : vector<1x16xi1> to vector<512x16xi1>
      %broadcast_in_dim3A_624 = vector.shape_cast %min3A_610 : vector<512x1xi32> to vector<512x1xi32>
      %broadcast_in_dim3A_625 = vector.broadcast %broadcast_in_dim3A_624 : vector<512x1xi32> to vector<512x16xi32>
      %select_n3A_626 = arith.select %broadcast_in_dim3A_623, %broadcast_in_dim3A_625, %select_n3A_567 : vector<512x16xi1>, vector<512x16xi32>
      %eq3A_627 = vector.broadcast %min3A_591 : vector<512x1xf32> to vector<512x16xf32>
      %eq3A_628 = arith.cmpf oeq, %select_n3A_575, %eq3A_627 : vector<512x16xf32>
      %eq3A_629 = vector.broadcast %min3A_610 : vector<512x1xi32> to vector<512x16xi32>
      %eq3A_630 = arith.cmpi eq, %while3A_133, %eq3A_629 : vector<512x16xi32>
      %and3A_631 = arith.andi %eq3A_628, %eq3A_630 : vector<512x16xi1>
      %jit3A_632 = arith.constant 0x7F800000 : f32
      %broadcast_in_dim3A_633 = vector.broadcast %jit3A_632 : f32 to vector<512x16xf32>
      %select_n3A_634 = arith.select %and3A_631, %broadcast_in_dim3A_633, %select_n3A_575 : vector<512x16xi1>, vector<512x16xf32>
      %eq3A_635 = vector.broadcast %min3A_591 : vector<512x1xf32> to vector<512x2048xf32>
      %eq3A_636 = arith.cmpf oeq, %select_n3A_584, %eq3A_635 : vector<512x2048xf32>
      %eq3A_637 = vector.broadcast %add3A_157 : vector<1x2048xi32> to vector<512x2048xi32>
      %eq3A_638 = vector.broadcast %min3A_610 : vector<512x1xi32> to vector<512x2048xi32>
      %eq3A_639 = arith.cmpi eq, %eq3A_637, %eq3A_638 : vector<512x2048xi32>
      %and3A_640 = arith.andi %eq3A_636, %eq3A_639 : vector<512x2048xi1>
      %jit3A_641 = arith.constant 0x7F800000 : f32
      %broadcast_in_dim3A_642 = vector.broadcast %jit3A_641 : f32 to vector<512x2048xf32>
      %select_n3A_643 = arith.select %and3A_640, %broadcast_in_dim3A_642, %select_n3A_584 : vector<512x2048xi1>, vector<512x2048xf32>
      %reduce_min3A_644 = arith.constant dense<0x7F800000> : vector<512xf32>
      %reduce_min3A_645 = vector.multi_reduction <minimumf>, %select_n3A_634, %reduce_min3A_644 [1] : vector<512x16xf32> to vector<512xf32>
      %broadcast_in_dim3A_646 = vector.shape_cast %reduce_min3A_645 : vector<512xf32> to vector<512x1xf32>
      %reduce_min3A_647 = arith.constant dense<0x7F800000> : vector<512xf32>
      %reduce_min3A_648 = vector.multi_reduction <minimumf>, %select_n3A_643, %reduce_min3A_647 [1] : vector<512x2048xf32> to vector<512xf32>
      %broadcast_in_dim3A_649 = vector.shape_cast %reduce_min3A_648 : vector<512xf32> to vector<512x1xf32>
      %min3A_650 = arith.minimumf %broadcast_in_dim3A_646, %broadcast_in_dim3A_649 : vector<512x1xf32>
      %eq3A_651 = vector.broadcast %min3A_650 : vector<512x1xf32> to vector<512x16xf32>
      %eq3A_652 = arith.cmpf oeq, %select_n3A_634, %eq3A_651 : vector<512x16xf32>
      %jit3A_653 = arith.constant 2147483647 : i32
      %broadcast_in_dim3A_654 = vector.broadcast %jit3A_653 : i32 to vector<512x16xi32>
      %select_n3A_655 = arith.select %eq3A_652, %while3A_133, %broadcast_in_dim3A_654 : vector<512x16xi1>, vector<512x16xi32>
      %reduce_min3A_656 = arith.constant dense<2147483647> : vector<512xi32>
      %reduce_min3A_657 = vector.multi_reduction <minsi>, %select_n3A_655, %reduce_min3A_656 [1] : vector<512x16xi32> to vector<512xi32>
      %broadcast_in_dim3A_658 = vector.shape_cast %reduce_min3A_657 : vector<512xi32> to vector<512x1xi32>
      %eq3A_659 = vector.broadcast %min3A_650 : vector<512x1xf32> to vector<512x2048xf32>
      %eq3A_660 = arith.cmpf oeq, %select_n3A_643, %eq3A_659 : vector<512x2048xf32>
      %jit3A_661 = arith.constant 2147483647 : i32
      %broadcast_in_dim3A_662 = vector.shape_cast %add3A_157 : vector<1x2048xi32> to vector<1x2048xi32>
      %broadcast_in_dim3A_663 = vector.broadcast %broadcast_in_dim3A_662 : vector<1x2048xi32> to vector<512x2048xi32>
      %broadcast_in_dim3A_664 = vector.broadcast %jit3A_661 : i32 to vector<512x2048xi32>
      %select_n3A_665 = arith.select %eq3A_660, %broadcast_in_dim3A_663, %broadcast_in_dim3A_664 : vector<512x2048xi1>, vector<512x2048xi32>
      %reduce_min3A_666 = arith.constant dense<2147483647> : vector<512xi32>
      %reduce_min3A_667 = vector.multi_reduction <minsi>, %select_n3A_665, %reduce_min3A_666 [1] : vector<512x2048xi32> to vector<512xi32>
      %broadcast_in_dim3A_668 = vector.shape_cast %reduce_min3A_667 : vector<512xi32> to vector<512x1xi32>
      %min3A_669 = arith.minsi %broadcast_in_dim3A_658, %broadcast_in_dim3A_668 : vector<512x1xi32>
      %eq3A_670 = arith.constant 8 : i32
      %eq3A_671 = vector.broadcast %eq3A_670 : i32 to vector<1x16xi32>
      %eq3A_672 = arith.cmpi eq, %iota3A_111, %eq3A_671 : vector<1x16xi32>
      %broadcast_in_dim3A_673 = vector.shape_cast %eq3A_672 : vector<1x16xi1> to vector<1x16xi1>
      %broadcast_in_dim3A_674 = vector.broadcast %broadcast_in_dim3A_673 : vector<1x16xi1> to vector<512x16xi1>
      %broadcast_in_dim3A_675 = vector.shape_cast %min3A_650 : vector<512x1xf32> to vector<512x1xf32>
      %broadcast_in_dim3A_676 = vector.broadcast %broadcast_in_dim3A_675 : vector<512x1xf32> to vector<512x16xf32>
      %select_n3A_677 = arith.select %broadcast_in_dim3A_674, %broadcast_in_dim3A_676, %select_n3A_618 : vector<512x16xi1>, vector<512x16xf32>
      %eq3A_678 = arith.constant 8 : i32
      %eq3A_679 = vector.broadcast %eq3A_678 : i32 to vector<1x16xi32>
      %eq3A_680 = arith.cmpi eq, %iota3A_111, %eq3A_679 : vector<1x16xi32>
      %broadcast_in_dim3A_681 = vector.shape_cast %eq3A_680 : vector<1x16xi1> to vector<1x16xi1>
      %broadcast_in_dim3A_682 = vector.broadcast %broadcast_in_dim3A_681 : vector<1x16xi1> to vector<512x16xi1>
      %broadcast_in_dim3A_683 = vector.shape_cast %min3A_669 : vector<512x1xi32> to vector<512x1xi32>
      %broadcast_in_dim3A_684 = vector.broadcast %broadcast_in_dim3A_683 : vector<512x1xi32> to vector<512x16xi32>
      %select_n3A_685 = arith.select %broadcast_in_dim3A_682, %broadcast_in_dim3A_684, %select_n3A_626 : vector<512x16xi1>, vector<512x16xi32>
      %eq3A_686 = vector.broadcast %min3A_650 : vector<512x1xf32> to vector<512x16xf32>
      %eq3A_687 = arith.cmpf oeq, %select_n3A_634, %eq3A_686 : vector<512x16xf32>
      %eq3A_688 = vector.broadcast %min3A_669 : vector<512x1xi32> to vector<512x16xi32>
      %eq3A_689 = arith.cmpi eq, %while3A_133, %eq3A_688 : vector<512x16xi32>
      %and3A_690 = arith.andi %eq3A_687, %eq3A_689 : vector<512x16xi1>
      %jit3A_691 = arith.constant 0x7F800000 : f32
      %broadcast_in_dim3A_692 = vector.broadcast %jit3A_691 : f32 to vector<512x16xf32>
      %select_n3A_693 = arith.select %and3A_690, %broadcast_in_dim3A_692, %select_n3A_634 : vector<512x16xi1>, vector<512x16xf32>
      %eq3A_694 = vector.broadcast %min3A_650 : vector<512x1xf32> to vector<512x2048xf32>
      %eq3A_695 = arith.cmpf oeq, %select_n3A_643, %eq3A_694 : vector<512x2048xf32>
      %eq3A_696 = vector.broadcast %add3A_157 : vector<1x2048xi32> to vector<512x2048xi32>
      %eq3A_697 = vector.broadcast %min3A_669 : vector<512x1xi32> to vector<512x2048xi32>
      %eq3A_698 = arith.cmpi eq, %eq3A_696, %eq3A_697 : vector<512x2048xi32>
      %and3A_699 = arith.andi %eq3A_695, %eq3A_698 : vector<512x2048xi1>
      %jit3A_700 = arith.constant 0x7F800000 : f32
      %broadcast_in_dim3A_701 = vector.broadcast %jit3A_700 : f32 to vector<512x2048xf32>
      %select_n3A_702 = arith.select %and3A_699, %broadcast_in_dim3A_701, %select_n3A_643 : vector<512x2048xi1>, vector<512x2048xf32>
      %reduce_min3A_703 = arith.constant dense<0x7F800000> : vector<512xf32>
      %reduce_min3A_704 = vector.multi_reduction <minimumf>, %select_n3A_693, %reduce_min3A_703 [1] : vector<512x16xf32> to vector<512xf32>
      %broadcast_in_dim3A_705 = vector.shape_cast %reduce_min3A_704 : vector<512xf32> to vector<512x1xf32>
      %reduce_min3A_706 = arith.constant dense<0x7F800000> : vector<512xf32>
      %reduce_min3A_707 = vector.multi_reduction <minimumf>, %select_n3A_702, %reduce_min3A_706 [1] : vector<512x2048xf32> to vector<512xf32>
      %broadcast_in_dim3A_708 = vector.shape_cast %reduce_min3A_707 : vector<512xf32> to vector<512x1xf32>
      %min3A_709 = arith.minimumf %broadcast_in_dim3A_705, %broadcast_in_dim3A_708 : vector<512x1xf32>
      %eq3A_710 = vector.broadcast %min3A_709 : vector<512x1xf32> to vector<512x16xf32>
      %eq3A_711 = arith.cmpf oeq, %select_n3A_693, %eq3A_710 : vector<512x16xf32>
      %jit3A_712 = arith.constant 2147483647 : i32
      %broadcast_in_dim3A_713 = vector.broadcast %jit3A_712 : i32 to vector<512x16xi32>
      %select_n3A_714 = arith.select %eq3A_711, %while3A_133, %broadcast_in_dim3A_713 : vector<512x16xi1>, vector<512x16xi32>
      %reduce_min3A_715 = arith.constant dense<2147483647> : vector<512xi32>
      %reduce_min3A_716 = vector.multi_reduction <minsi>, %select_n3A_714, %reduce_min3A_715 [1] : vector<512x16xi32> to vector<512xi32>
      %broadcast_in_dim3A_717 = vector.shape_cast %reduce_min3A_716 : vector<512xi32> to vector<512x1xi32>
      %eq3A_718 = vector.broadcast %min3A_709 : vector<512x1xf32> to vector<512x2048xf32>
      %eq3A_719 = arith.cmpf oeq, %select_n3A_702, %eq3A_718 : vector<512x2048xf32>
      %jit3A_720 = arith.constant 2147483647 : i32
      %broadcast_in_dim3A_721 = vector.shape_cast %add3A_157 : vector<1x2048xi32> to vector<1x2048xi32>
      %broadcast_in_dim3A_722 = vector.broadcast %broadcast_in_dim3A_721 : vector<1x2048xi32> to vector<512x2048xi32>
      %broadcast_in_dim3A_723 = vector.broadcast %jit3A_720 : i32 to vector<512x2048xi32>
      %select_n3A_724 = arith.select %eq3A_719, %broadcast_in_dim3A_722, %broadcast_in_dim3A_723 : vector<512x2048xi1>, vector<512x2048xi32>
      %reduce_min3A_725 = arith.constant dense<2147483647> : vector<512xi32>
      %reduce_min3A_726 = vector.multi_reduction <minsi>, %select_n3A_724, %reduce_min3A_725 [1] : vector<512x2048xi32> to vector<512xi32>
      %broadcast_in_dim3A_727 = vector.shape_cast %reduce_min3A_726 : vector<512xi32> to vector<512x1xi32>
      %min3A_728 = arith.minsi %broadcast_in_dim3A_717, %broadcast_in_dim3A_727 : vector<512x1xi32>
      %eq3A_729 = arith.constant 9 : i32
      %eq3A_730 = vector.broadcast %eq3A_729 : i32 to vector<1x16xi32>
      %eq3A_731 = arith.cmpi eq, %iota3A_111, %eq3A_730 : vector<1x16xi32>
      %broadcast_in_dim3A_732 = vector.shape_cast %eq3A_731 : vector<1x16xi1> to vector<1x16xi1>
      %broadcast_in_dim3A_733 = vector.broadcast %broadcast_in_dim3A_732 : vector<1x16xi1> to vector<512x16xi1>
      %broadcast_in_dim3A_734 = vector.shape_cast %min3A_709 : vector<512x1xf32> to vector<512x1xf32>
      %broadcast_in_dim3A_735 = vector.broadcast %broadcast_in_dim3A_734 : vector<512x1xf32> to vector<512x16xf32>
      %select_n3A_736 = arith.select %broadcast_in_dim3A_733, %broadcast_in_dim3A_735, %select_n3A_677 : vector<512x16xi1>, vector<512x16xf32>
      %eq3A_737 = arith.constant 9 : i32
      %eq3A_738 = vector.broadcast %eq3A_737 : i32 to vector<1x16xi32>
      %eq3A_739 = arith.cmpi eq, %iota3A_111, %eq3A_738 : vector<1x16xi32>
      %broadcast_in_dim3A_740 = vector.shape_cast %eq3A_739 : vector<1x16xi1> to vector<1x16xi1>
      %broadcast_in_dim3A_741 = vector.broadcast %broadcast_in_dim3A_740 : vector<1x16xi1> to vector<512x16xi1>
      %broadcast_in_dim3A_742 = vector.shape_cast %min3A_728 : vector<512x1xi32> to vector<512x1xi32>
      %broadcast_in_dim3A_743 = vector.broadcast %broadcast_in_dim3A_742 : vector<512x1xi32> to vector<512x16xi32>
      %select_n3A_744 = arith.select %broadcast_in_dim3A_741, %broadcast_in_dim3A_743, %select_n3A_685 : vector<512x16xi1>, vector<512x16xi32>
      %eq3A_745 = vector.broadcast %min3A_709 : vector<512x1xf32> to vector<512x16xf32>
      %eq3A_746 = arith.cmpf oeq, %select_n3A_693, %eq3A_745 : vector<512x16xf32>
      %eq3A_747 = vector.broadcast %min3A_728 : vector<512x1xi32> to vector<512x16xi32>
      %eq3A_748 = arith.cmpi eq, %while3A_133, %eq3A_747 : vector<512x16xi32>
      %and3A_749 = arith.andi %eq3A_746, %eq3A_748 : vector<512x16xi1>
      %jit3A_750 = arith.constant 0x7F800000 : f32
      %broadcast_in_dim3A_751 = vector.broadcast %jit3A_750 : f32 to vector<512x16xf32>
      %select_n3A_752 = arith.select %and3A_749, %broadcast_in_dim3A_751, %select_n3A_693 : vector<512x16xi1>, vector<512x16xf32>
      %eq3A_753 = vector.broadcast %min3A_709 : vector<512x1xf32> to vector<512x2048xf32>
      %eq3A_754 = arith.cmpf oeq, %select_n3A_702, %eq3A_753 : vector<512x2048xf32>
      %eq3A_755 = vector.broadcast %add3A_157 : vector<1x2048xi32> to vector<512x2048xi32>
      %eq3A_756 = vector.broadcast %min3A_728 : vector<512x1xi32> to vector<512x2048xi32>
      %eq3A_757 = arith.cmpi eq, %eq3A_755, %eq3A_756 : vector<512x2048xi32>
      %and3A_758 = arith.andi %eq3A_754, %eq3A_757 : vector<512x2048xi1>
      %jit3A_759 = arith.constant 0x7F800000 : f32
      %broadcast_in_dim3A_760 = vector.broadcast %jit3A_759 : f32 to vector<512x2048xf32>
      %select_n3A_761 = arith.select %and3A_758, %broadcast_in_dim3A_760, %select_n3A_702 : vector<512x2048xi1>, vector<512x2048xf32>
      %reduce_min3A_762 = arith.constant dense<0x7F800000> : vector<512xf32>
      %reduce_min3A_763 = vector.multi_reduction <minimumf>, %select_n3A_752, %reduce_min3A_762 [1] : vector<512x16xf32> to vector<512xf32>
      %broadcast_in_dim3A_764 = vector.shape_cast %reduce_min3A_763 : vector<512xf32> to vector<512x1xf32>
      %reduce_min3A_765 = arith.constant dense<0x7F800000> : vector<512xf32>
      %reduce_min3A_766 = vector.multi_reduction <minimumf>, %select_n3A_761, %reduce_min3A_765 [1] : vector<512x2048xf32> to vector<512xf32>
      %broadcast_in_dim3A_767 = vector.shape_cast %reduce_min3A_766 : vector<512xf32> to vector<512x1xf32>
      %min3A_768 = arith.minimumf %broadcast_in_dim3A_764, %broadcast_in_dim3A_767 : vector<512x1xf32>
      %eq3A_769 = vector.broadcast %min3A_768 : vector<512x1xf32> to vector<512x16xf32>
      %eq3A_770 = arith.cmpf oeq, %select_n3A_752, %eq3A_769 : vector<512x16xf32>
      %jit3A_771 = arith.constant 2147483647 : i32
      %broadcast_in_dim3A_772 = vector.broadcast %jit3A_771 : i32 to vector<512x16xi32>
      %select_n3A_773 = arith.select %eq3A_770, %while3A_133, %broadcast_in_dim3A_772 : vector<512x16xi1>, vector<512x16xi32>
      %reduce_min3A_774 = arith.constant dense<2147483647> : vector<512xi32>
      %reduce_min3A_775 = vector.multi_reduction <minsi>, %select_n3A_773, %reduce_min3A_774 [1] : vector<512x16xi32> to vector<512xi32>
      %broadcast_in_dim3A_776 = vector.shape_cast %reduce_min3A_775 : vector<512xi32> to vector<512x1xi32>
      %eq3A_777 = vector.broadcast %min3A_768 : vector<512x1xf32> to vector<512x2048xf32>
      %eq3A_778 = arith.cmpf oeq, %select_n3A_761, %eq3A_777 : vector<512x2048xf32>
      %jit3A_779 = arith.constant 2147483647 : i32
      %broadcast_in_dim3A_780 = vector.shape_cast %add3A_157 : vector<1x2048xi32> to vector<1x2048xi32>
      %broadcast_in_dim3A_781 = vector.broadcast %broadcast_in_dim3A_780 : vector<1x2048xi32> to vector<512x2048xi32>
      %broadcast_in_dim3A_782 = vector.broadcast %jit3A_779 : i32 to vector<512x2048xi32>
      %select_n3A_783 = arith.select %eq3A_778, %broadcast_in_dim3A_781, %broadcast_in_dim3A_782 : vector<512x2048xi1>, vector<512x2048xi32>
      %reduce_min3A_784 = arith.constant dense<2147483647> : vector<512xi32>
      %reduce_min3A_785 = vector.multi_reduction <minsi>, %select_n3A_783, %reduce_min3A_784 [1] : vector<512x2048xi32> to vector<512xi32>
      %broadcast_in_dim3A_786 = vector.shape_cast %reduce_min3A_785 : vector<512xi32> to vector<512x1xi32>
      %min3A_787 = arith.minsi %broadcast_in_dim3A_776, %broadcast_in_dim3A_786 : vector<512x1xi32>
      %eq3A_788 = arith.constant 10 : i32
      %eq3A_789 = vector.broadcast %eq3A_788 : i32 to vector<1x16xi32>
      %eq3A_790 = arith.cmpi eq, %iota3A_111, %eq3A_789 : vector<1x16xi32>
      %broadcast_in_dim3A_791 = vector.shape_cast %eq3A_790 : vector<1x16xi1> to vector<1x16xi1>
      %broadcast_in_dim3A_792 = vector.broadcast %broadcast_in_dim3A_791 : vector<1x16xi1> to vector<512x16xi1>
      %broadcast_in_dim3A_793 = vector.shape_cast %min3A_768 : vector<512x1xf32> to vector<512x1xf32>
      %broadcast_in_dim3A_794 = vector.broadcast %broadcast_in_dim3A_793 : vector<512x1xf32> to vector<512x16xf32>
      %select_n3A_795 = arith.select %broadcast_in_dim3A_792, %broadcast_in_dim3A_794, %select_n3A_736 : vector<512x16xi1>, vector<512x16xf32>
      %eq3A_796 = arith.constant 10 : i32
      %eq3A_797 = vector.broadcast %eq3A_796 : i32 to vector<1x16xi32>
      %eq3A_798 = arith.cmpi eq, %iota3A_111, %eq3A_797 : vector<1x16xi32>
      %broadcast_in_dim3A_799 = vector.shape_cast %eq3A_798 : vector<1x16xi1> to vector<1x16xi1>
      %broadcast_in_dim3A_800 = vector.broadcast %broadcast_in_dim3A_799 : vector<1x16xi1> to vector<512x16xi1>
      %broadcast_in_dim3A_801 = vector.shape_cast %min3A_787 : vector<512x1xi32> to vector<512x1xi32>
      %broadcast_in_dim3A_802 = vector.broadcast %broadcast_in_dim3A_801 : vector<512x1xi32> to vector<512x16xi32>
      %select_n3A_803 = arith.select %broadcast_in_dim3A_800, %broadcast_in_dim3A_802, %select_n3A_744 : vector<512x16xi1>, vector<512x16xi32>
      %eq3A_804 = vector.broadcast %min3A_768 : vector<512x1xf32> to vector<512x16xf32>
      %eq3A_805 = arith.cmpf oeq, %select_n3A_752, %eq3A_804 : vector<512x16xf32>
      %eq3A_806 = vector.broadcast %min3A_787 : vector<512x1xi32> to vector<512x16xi32>
      %eq3A_807 = arith.cmpi eq, %while3A_133, %eq3A_806 : vector<512x16xi32>
      %and3A_808 = arith.andi %eq3A_805, %eq3A_807 : vector<512x16xi1>
      %jit3A_809 = arith.constant 0x7F800000 : f32
      %broadcast_in_dim3A_810 = vector.broadcast %jit3A_809 : f32 to vector<512x16xf32>
      %select_n3A_811 = arith.select %and3A_808, %broadcast_in_dim3A_810, %select_n3A_752 : vector<512x16xi1>, vector<512x16xf32>
      %eq3A_812 = vector.broadcast %min3A_768 : vector<512x1xf32> to vector<512x2048xf32>
      %eq3A_813 = arith.cmpf oeq, %select_n3A_761, %eq3A_812 : vector<512x2048xf32>
      %eq3A_814 = vector.broadcast %add3A_157 : vector<1x2048xi32> to vector<512x2048xi32>
      %eq3A_815 = vector.broadcast %min3A_787 : vector<512x1xi32> to vector<512x2048xi32>
      %eq3A_816 = arith.cmpi eq, %eq3A_814, %eq3A_815 : vector<512x2048xi32>
      %and3A_817 = arith.andi %eq3A_813, %eq3A_816 : vector<512x2048xi1>
      %jit3A_818 = arith.constant 0x7F800000 : f32
      %broadcast_in_dim3A_819 = vector.broadcast %jit3A_818 : f32 to vector<512x2048xf32>
      %select_n3A_820 = arith.select %and3A_817, %broadcast_in_dim3A_819, %select_n3A_761 : vector<512x2048xi1>, vector<512x2048xf32>
      %reduce_min3A_821 = arith.constant dense<0x7F800000> : vector<512xf32>
      %reduce_min3A_822 = vector.multi_reduction <minimumf>, %select_n3A_811, %reduce_min3A_821 [1] : vector<512x16xf32> to vector<512xf32>
      %broadcast_in_dim3A_823 = vector.shape_cast %reduce_min3A_822 : vector<512xf32> to vector<512x1xf32>
      %reduce_min3A_824 = arith.constant dense<0x7F800000> : vector<512xf32>
      %reduce_min3A_825 = vector.multi_reduction <minimumf>, %select_n3A_820, %reduce_min3A_824 [1] : vector<512x2048xf32> to vector<512xf32>
      %broadcast_in_dim3A_826 = vector.shape_cast %reduce_min3A_825 : vector<512xf32> to vector<512x1xf32>
      %min3A_827 = arith.minimumf %broadcast_in_dim3A_823, %broadcast_in_dim3A_826 : vector<512x1xf32>
      %eq3A_828 = vector.broadcast %min3A_827 : vector<512x1xf32> to vector<512x16xf32>
      %eq3A_829 = arith.cmpf oeq, %select_n3A_811, %eq3A_828 : vector<512x16xf32>
      %jit3A_830 = arith.constant 2147483647 : i32
      %broadcast_in_dim3A_831 = vector.broadcast %jit3A_830 : i32 to vector<512x16xi32>
      %select_n3A_832 = arith.select %eq3A_829, %while3A_133, %broadcast_in_dim3A_831 : vector<512x16xi1>, vector<512x16xi32>
      %reduce_min3A_833 = arith.constant dense<2147483647> : vector<512xi32>
      %reduce_min3A_834 = vector.multi_reduction <minsi>, %select_n3A_832, %reduce_min3A_833 [1] : vector<512x16xi32> to vector<512xi32>
      %broadcast_in_dim3A_835 = vector.shape_cast %reduce_min3A_834 : vector<512xi32> to vector<512x1xi32>
      %eq3A_836 = vector.broadcast %min3A_827 : vector<512x1xf32> to vector<512x2048xf32>
      %eq3A_837 = arith.cmpf oeq, %select_n3A_820, %eq3A_836 : vector<512x2048xf32>
      %jit3A_838 = arith.constant 2147483647 : i32
      %broadcast_in_dim3A_839 = vector.shape_cast %add3A_157 : vector<1x2048xi32> to vector<1x2048xi32>
      %broadcast_in_dim3A_840 = vector.broadcast %broadcast_in_dim3A_839 : vector<1x2048xi32> to vector<512x2048xi32>
      %broadcast_in_dim3A_841 = vector.broadcast %jit3A_838 : i32 to vector<512x2048xi32>
      %select_n3A_842 = arith.select %eq3A_837, %broadcast_in_dim3A_840, %broadcast_in_dim3A_841 : vector<512x2048xi1>, vector<512x2048xi32>
      %reduce_min3A_843 = arith.constant dense<2147483647> : vector<512xi32>
      %reduce_min3A_844 = vector.multi_reduction <minsi>, %select_n3A_842, %reduce_min3A_843 [1] : vector<512x2048xi32> to vector<512xi32>
      %broadcast_in_dim3A_845 = vector.shape_cast %reduce_min3A_844 : vector<512xi32> to vector<512x1xi32>
      %min3A_846 = arith.minsi %broadcast_in_dim3A_835, %broadcast_in_dim3A_845 : vector<512x1xi32>
      %eq3A_847 = arith.constant 11 : i32
      %eq3A_848 = vector.broadcast %eq3A_847 : i32 to vector<1x16xi32>
      %eq3A_849 = arith.cmpi eq, %iota3A_111, %eq3A_848 : vector<1x16xi32>
      %broadcast_in_dim3A_850 = vector.shape_cast %eq3A_849 : vector<1x16xi1> to vector<1x16xi1>
      %broadcast_in_dim3A_851 = vector.broadcast %broadcast_in_dim3A_850 : vector<1x16xi1> to vector<512x16xi1>
      %broadcast_in_dim3A_852 = vector.shape_cast %min3A_827 : vector<512x1xf32> to vector<512x1xf32>
      %broadcast_in_dim3A_853 = vector.broadcast %broadcast_in_dim3A_852 : vector<512x1xf32> to vector<512x16xf32>
      %select_n3A_854 = arith.select %broadcast_in_dim3A_851, %broadcast_in_dim3A_853, %select_n3A_795 : vector<512x16xi1>, vector<512x16xf32>
      %eq3A_855 = arith.constant 11 : i32
      %eq3A_856 = vector.broadcast %eq3A_855 : i32 to vector<1x16xi32>
      %eq3A_857 = arith.cmpi eq, %iota3A_111, %eq3A_856 : vector<1x16xi32>
      %broadcast_in_dim3A_858 = vector.shape_cast %eq3A_857 : vector<1x16xi1> to vector<1x16xi1>
      %broadcast_in_dim3A_859 = vector.broadcast %broadcast_in_dim3A_858 : vector<1x16xi1> to vector<512x16xi1>
      %broadcast_in_dim3A_860 = vector.shape_cast %min3A_846 : vector<512x1xi32> to vector<512x1xi32>
      %broadcast_in_dim3A_861 = vector.broadcast %broadcast_in_dim3A_860 : vector<512x1xi32> to vector<512x16xi32>
      %select_n3A_862 = arith.select %broadcast_in_dim3A_859, %broadcast_in_dim3A_861, %select_n3A_803 : vector<512x16xi1>, vector<512x16xi32>
      %eq3A_863 = vector.broadcast %min3A_827 : vector<512x1xf32> to vector<512x16xf32>
      %eq3A_864 = arith.cmpf oeq, %select_n3A_811, %eq3A_863 : vector<512x16xf32>
      %eq3A_865 = vector.broadcast %min3A_846 : vector<512x1xi32> to vector<512x16xi32>
      %eq3A_866 = arith.cmpi eq, %while3A_133, %eq3A_865 : vector<512x16xi32>
      %and3A_867 = arith.andi %eq3A_864, %eq3A_866 : vector<512x16xi1>
      %jit3A_868 = arith.constant 0x7F800000 : f32
      %broadcast_in_dim3A_869 = vector.broadcast %jit3A_868 : f32 to vector<512x16xf32>
      %select_n3A_870 = arith.select %and3A_867, %broadcast_in_dim3A_869, %select_n3A_811 : vector<512x16xi1>, vector<512x16xf32>
      %eq3A_871 = vector.broadcast %min3A_827 : vector<512x1xf32> to vector<512x2048xf32>
      %eq3A_872 = arith.cmpf oeq, %select_n3A_820, %eq3A_871 : vector<512x2048xf32>
      %eq3A_873 = vector.broadcast %add3A_157 : vector<1x2048xi32> to vector<512x2048xi32>
      %eq3A_874 = vector.broadcast %min3A_846 : vector<512x1xi32> to vector<512x2048xi32>
      %eq3A_875 = arith.cmpi eq, %eq3A_873, %eq3A_874 : vector<512x2048xi32>
      %and3A_876 = arith.andi %eq3A_872, %eq3A_875 : vector<512x2048xi1>
      %jit3A_877 = arith.constant 0x7F800000 : f32
      %broadcast_in_dim3A_878 = vector.broadcast %jit3A_877 : f32 to vector<512x2048xf32>
      %select_n3A_879 = arith.select %and3A_876, %broadcast_in_dim3A_878, %select_n3A_820 : vector<512x2048xi1>, vector<512x2048xf32>
      %reduce_min3A_880 = arith.constant dense<0x7F800000> : vector<512xf32>
      %reduce_min3A_881 = vector.multi_reduction <minimumf>, %select_n3A_870, %reduce_min3A_880 [1] : vector<512x16xf32> to vector<512xf32>
      %broadcast_in_dim3A_882 = vector.shape_cast %reduce_min3A_881 : vector<512xf32> to vector<512x1xf32>
      %reduce_min3A_883 = arith.constant dense<0x7F800000> : vector<512xf32>
      %reduce_min3A_884 = vector.multi_reduction <minimumf>, %select_n3A_879, %reduce_min3A_883 [1] : vector<512x2048xf32> to vector<512xf32>
      %broadcast_in_dim3A_885 = vector.shape_cast %reduce_min3A_884 : vector<512xf32> to vector<512x1xf32>
      %min3A_886 = arith.minimumf %broadcast_in_dim3A_882, %broadcast_in_dim3A_885 : vector<512x1xf32>
      %eq3A_887 = vector.broadcast %min3A_886 : vector<512x1xf32> to vector<512x16xf32>
      %eq3A_888 = arith.cmpf oeq, %select_n3A_870, %eq3A_887 : vector<512x16xf32>
      %jit3A_889 = arith.constant 2147483647 : i32
      %broadcast_in_dim3A_890 = vector.broadcast %jit3A_889 : i32 to vector<512x16xi32>
      %select_n3A_891 = arith.select %eq3A_888, %while3A_133, %broadcast_in_dim3A_890 : vector<512x16xi1>, vector<512x16xi32>
      %reduce_min3A_892 = arith.constant dense<2147483647> : vector<512xi32>
      %reduce_min3A_893 = vector.multi_reduction <minsi>, %select_n3A_891, %reduce_min3A_892 [1] : vector<512x16xi32> to vector<512xi32>
      %broadcast_in_dim3A_894 = vector.shape_cast %reduce_min3A_893 : vector<512xi32> to vector<512x1xi32>
      %eq3A_895 = vector.broadcast %min3A_886 : vector<512x1xf32> to vector<512x2048xf32>
      %eq3A_896 = arith.cmpf oeq, %select_n3A_879, %eq3A_895 : vector<512x2048xf32>
      %jit3A_897 = arith.constant 2147483647 : i32
      %broadcast_in_dim3A_898 = vector.shape_cast %add3A_157 : vector<1x2048xi32> to vector<1x2048xi32>
      %broadcast_in_dim3A_899 = vector.broadcast %broadcast_in_dim3A_898 : vector<1x2048xi32> to vector<512x2048xi32>
      %broadcast_in_dim3A_900 = vector.broadcast %jit3A_897 : i32 to vector<512x2048xi32>
      %select_n3A_901 = arith.select %eq3A_896, %broadcast_in_dim3A_899, %broadcast_in_dim3A_900 : vector<512x2048xi1>, vector<512x2048xi32>
      %reduce_min3A_902 = arith.constant dense<2147483647> : vector<512xi32>
      %reduce_min3A_903 = vector.multi_reduction <minsi>, %select_n3A_901, %reduce_min3A_902 [1] : vector<512x2048xi32> to vector<512xi32>
      %broadcast_in_dim3A_904 = vector.shape_cast %reduce_min3A_903 : vector<512xi32> to vector<512x1xi32>
      %min3A_905 = arith.minsi %broadcast_in_dim3A_894, %broadcast_in_dim3A_904 : vector<512x1xi32>
      %eq3A_906 = arith.constant 12 : i32
      %eq3A_907 = vector.broadcast %eq3A_906 : i32 to vector<1x16xi32>
      %eq3A_908 = arith.cmpi eq, %iota3A_111, %eq3A_907 : vector<1x16xi32>
      %broadcast_in_dim3A_909 = vector.shape_cast %eq3A_908 : vector<1x16xi1> to vector<1x16xi1>
      %broadcast_in_dim3A_910 = vector.broadcast %broadcast_in_dim3A_909 : vector<1x16xi1> to vector<512x16xi1>
      %broadcast_in_dim3A_911 = vector.shape_cast %min3A_886 : vector<512x1xf32> to vector<512x1xf32>
      %broadcast_in_dim3A_912 = vector.broadcast %broadcast_in_dim3A_911 : vector<512x1xf32> to vector<512x16xf32>
      %select_n3A_913 = arith.select %broadcast_in_dim3A_910, %broadcast_in_dim3A_912, %select_n3A_854 : vector<512x16xi1>, vector<512x16xf32>
      %eq3A_914 = arith.constant 12 : i32
      %eq3A_915 = vector.broadcast %eq3A_914 : i32 to vector<1x16xi32>
      %eq3A_916 = arith.cmpi eq, %iota3A_111, %eq3A_915 : vector<1x16xi32>
      %broadcast_in_dim3A_917 = vector.shape_cast %eq3A_916 : vector<1x16xi1> to vector<1x16xi1>
      %broadcast_in_dim3A_918 = vector.broadcast %broadcast_in_dim3A_917 : vector<1x16xi1> to vector<512x16xi1>
      %broadcast_in_dim3A_919 = vector.shape_cast %min3A_905 : vector<512x1xi32> to vector<512x1xi32>
      %broadcast_in_dim3A_920 = vector.broadcast %broadcast_in_dim3A_919 : vector<512x1xi32> to vector<512x16xi32>
      %select_n3A_921 = arith.select %broadcast_in_dim3A_918, %broadcast_in_dim3A_920, %select_n3A_862 : vector<512x16xi1>, vector<512x16xi32>
      %eq3A_922 = vector.broadcast %min3A_886 : vector<512x1xf32> to vector<512x16xf32>
      %eq3A_923 = arith.cmpf oeq, %select_n3A_870, %eq3A_922 : vector<512x16xf32>
      %eq3A_924 = vector.broadcast %min3A_905 : vector<512x1xi32> to vector<512x16xi32>
      %eq3A_925 = arith.cmpi eq, %while3A_133, %eq3A_924 : vector<512x16xi32>
      %and3A_926 = arith.andi %eq3A_923, %eq3A_925 : vector<512x16xi1>
      %jit3A_927 = arith.constant 0x7F800000 : f32
      %broadcast_in_dim3A_928 = vector.broadcast %jit3A_927 : f32 to vector<512x16xf32>
      %select_n3A_929 = arith.select %and3A_926, %broadcast_in_dim3A_928, %select_n3A_870 : vector<512x16xi1>, vector<512x16xf32>
      %eq3A_930 = vector.broadcast %min3A_886 : vector<512x1xf32> to vector<512x2048xf32>
      %eq3A_931 = arith.cmpf oeq, %select_n3A_879, %eq3A_930 : vector<512x2048xf32>
      %eq3A_932 = vector.broadcast %add3A_157 : vector<1x2048xi32> to vector<512x2048xi32>
      %eq3A_933 = vector.broadcast %min3A_905 : vector<512x1xi32> to vector<512x2048xi32>
      %eq3A_934 = arith.cmpi eq, %eq3A_932, %eq3A_933 : vector<512x2048xi32>
      %and3A_935 = arith.andi %eq3A_931, %eq3A_934 : vector<512x2048xi1>
      %jit3A_936 = arith.constant 0x7F800000 : f32
      %broadcast_in_dim3A_937 = vector.broadcast %jit3A_936 : f32 to vector<512x2048xf32>
      %select_n3A_938 = arith.select %and3A_935, %broadcast_in_dim3A_937, %select_n3A_879 : vector<512x2048xi1>, vector<512x2048xf32>
      %reduce_min3A_939 = arith.constant dense<0x7F800000> : vector<512xf32>
      %reduce_min3A_940 = vector.multi_reduction <minimumf>, %select_n3A_929, %reduce_min3A_939 [1] : vector<512x16xf32> to vector<512xf32>
      %broadcast_in_dim3A_941 = vector.shape_cast %reduce_min3A_940 : vector<512xf32> to vector<512x1xf32>
      %reduce_min3A_942 = arith.constant dense<0x7F800000> : vector<512xf32>
      %reduce_min3A_943 = vector.multi_reduction <minimumf>, %select_n3A_938, %reduce_min3A_942 [1] : vector<512x2048xf32> to vector<512xf32>
      %broadcast_in_dim3A_944 = vector.shape_cast %reduce_min3A_943 : vector<512xf32> to vector<512x1xf32>
      %min3A_945 = arith.minimumf %broadcast_in_dim3A_941, %broadcast_in_dim3A_944 : vector<512x1xf32>
      %eq3A_946 = vector.broadcast %min3A_945 : vector<512x1xf32> to vector<512x16xf32>
      %eq3A_947 = arith.cmpf oeq, %select_n3A_929, %eq3A_946 : vector<512x16xf32>
      %jit3A_948 = arith.constant 2147483647 : i32
      %broadcast_in_dim3A_949 = vector.broadcast %jit3A_948 : i32 to vector<512x16xi32>
      %select_n3A_950 = arith.select %eq3A_947, %while3A_133, %broadcast_in_dim3A_949 : vector<512x16xi1>, vector<512x16xi32>
      %reduce_min3A_951 = arith.constant dense<2147483647> : vector<512xi32>
      %reduce_min3A_952 = vector.multi_reduction <minsi>, %select_n3A_950, %reduce_min3A_951 [1] : vector<512x16xi32> to vector<512xi32>
      %broadcast_in_dim3A_953 = vector.shape_cast %reduce_min3A_952 : vector<512xi32> to vector<512x1xi32>
      %eq3A_954 = vector.broadcast %min3A_945 : vector<512x1xf32> to vector<512x2048xf32>
      %eq3A_955 = arith.cmpf oeq, %select_n3A_938, %eq3A_954 : vector<512x2048xf32>
      %jit3A_956 = arith.constant 2147483647 : i32
      %broadcast_in_dim3A_957 = vector.shape_cast %add3A_157 : vector<1x2048xi32> to vector<1x2048xi32>
      %broadcast_in_dim3A_958 = vector.broadcast %broadcast_in_dim3A_957 : vector<1x2048xi32> to vector<512x2048xi32>
      %broadcast_in_dim3A_959 = vector.broadcast %jit3A_956 : i32 to vector<512x2048xi32>
      %select_n3A_960 = arith.select %eq3A_955, %broadcast_in_dim3A_958, %broadcast_in_dim3A_959 : vector<512x2048xi1>, vector<512x2048xi32>
      %reduce_min3A_961 = arith.constant dense<2147483647> : vector<512xi32>
      %reduce_min3A_962 = vector.multi_reduction <minsi>, %select_n3A_960, %reduce_min3A_961 [1] : vector<512x2048xi32> to vector<512xi32>
      %broadcast_in_dim3A_963 = vector.shape_cast %reduce_min3A_962 : vector<512xi32> to vector<512x1xi32>
      %min3A_964 = arith.minsi %broadcast_in_dim3A_953, %broadcast_in_dim3A_963 : vector<512x1xi32>
      %eq3A_965 = arith.constant 13 : i32
      %eq3A_966 = vector.broadcast %eq3A_965 : i32 to vector<1x16xi32>
      %eq3A_967 = arith.cmpi eq, %iota3A_111, %eq3A_966 : vector<1x16xi32>
      %broadcast_in_dim3A_968 = vector.shape_cast %eq3A_967 : vector<1x16xi1> to vector<1x16xi1>
      %broadcast_in_dim3A_969 = vector.broadcast %broadcast_in_dim3A_968 : vector<1x16xi1> to vector<512x16xi1>
      %broadcast_in_dim3A_970 = vector.shape_cast %min3A_945 : vector<512x1xf32> to vector<512x1xf32>
      %broadcast_in_dim3A_971 = vector.broadcast %broadcast_in_dim3A_970 : vector<512x1xf32> to vector<512x16xf32>
      %select_n3A_972 = arith.select %broadcast_in_dim3A_969, %broadcast_in_dim3A_971, %select_n3A_913 : vector<512x16xi1>, vector<512x16xf32>
      %eq3A_973 = arith.constant 13 : i32
      %eq3A_974 = vector.broadcast %eq3A_973 : i32 to vector<1x16xi32>
      %eq3A_975 = arith.cmpi eq, %iota3A_111, %eq3A_974 : vector<1x16xi32>
      %broadcast_in_dim3A_976 = vector.shape_cast %eq3A_975 : vector<1x16xi1> to vector<1x16xi1>
      %broadcast_in_dim3A_977 = vector.broadcast %broadcast_in_dim3A_976 : vector<1x16xi1> to vector<512x16xi1>
      %broadcast_in_dim3A_978 = vector.shape_cast %min3A_964 : vector<512x1xi32> to vector<512x1xi32>
      %broadcast_in_dim3A_979 = vector.broadcast %broadcast_in_dim3A_978 : vector<512x1xi32> to vector<512x16xi32>
      %select_n3A_980 = arith.select %broadcast_in_dim3A_977, %broadcast_in_dim3A_979, %select_n3A_921 : vector<512x16xi1>, vector<512x16xi32>
      %eq3A_981 = vector.broadcast %min3A_945 : vector<512x1xf32> to vector<512x16xf32>
      %eq3A_982 = arith.cmpf oeq, %select_n3A_929, %eq3A_981 : vector<512x16xf32>
      %eq3A_983 = vector.broadcast %min3A_964 : vector<512x1xi32> to vector<512x16xi32>
      %eq3A_984 = arith.cmpi eq, %while3A_133, %eq3A_983 : vector<512x16xi32>
      %and3A_985 = arith.andi %eq3A_982, %eq3A_984 : vector<512x16xi1>
      %jit3A_986 = arith.constant 0x7F800000 : f32
      %broadcast_in_dim3A_987 = vector.broadcast %jit3A_986 : f32 to vector<512x16xf32>
      %select_n3A_988 = arith.select %and3A_985, %broadcast_in_dim3A_987, %select_n3A_929 : vector<512x16xi1>, vector<512x16xf32>
      %eq3A_989 = vector.broadcast %min3A_945 : vector<512x1xf32> to vector<512x2048xf32>
      %eq3A_990 = arith.cmpf oeq, %select_n3A_938, %eq3A_989 : vector<512x2048xf32>
      %eq3A_991 = vector.broadcast %add3A_157 : vector<1x2048xi32> to vector<512x2048xi32>
      %eq3A_992 = vector.broadcast %min3A_964 : vector<512x1xi32> to vector<512x2048xi32>
      %eq3A_993 = arith.cmpi eq, %eq3A_991, %eq3A_992 : vector<512x2048xi32>
      %and3A_994 = arith.andi %eq3A_990, %eq3A_993 : vector<512x2048xi1>
      %jit3A_995 = arith.constant 0x7F800000 : f32
      %broadcast_in_dim3A_996 = vector.broadcast %jit3A_995 : f32 to vector<512x2048xf32>
      %select_n3A_997 = arith.select %and3A_994, %broadcast_in_dim3A_996, %select_n3A_938 : vector<512x2048xi1>, vector<512x2048xf32>
      %reduce_min3A_998 = arith.constant dense<0x7F800000> : vector<512xf32>
      %reduce_min3A_999 = vector.multi_reduction <minimumf>, %select_n3A_988, %reduce_min3A_998 [1] : vector<512x16xf32> to vector<512xf32>
      %broadcast_in_dim3A_1000 = vector.shape_cast %reduce_min3A_999 : vector<512xf32> to vector<512x1xf32>
      %reduce_min3A_1001 = arith.constant dense<0x7F800000> : vector<512xf32>
      %reduce_min3A_1002 = vector.multi_reduction <minimumf>, %select_n3A_997, %reduce_min3A_1001 [1] : vector<512x2048xf32> to vector<512xf32>
      %broadcast_in_dim3A_1003 = vector.shape_cast %reduce_min3A_1002 : vector<512xf32> to vector<512x1xf32>
      %min3A_1004 = arith.minimumf %broadcast_in_dim3A_1000, %broadcast_in_dim3A_1003 : vector<512x1xf32>
      %eq3A_1005 = vector.broadcast %min3A_1004 : vector<512x1xf32> to vector<512x16xf32>
      %eq3A_1006 = arith.cmpf oeq, %select_n3A_988, %eq3A_1005 : vector<512x16xf32>
      %jit3A_1007 = arith.constant 2147483647 : i32
      %broadcast_in_dim3A_1008 = vector.broadcast %jit3A_1007 : i32 to vector<512x16xi32>
      %select_n3A_1009 = arith.select %eq3A_1006, %while3A_133, %broadcast_in_dim3A_1008 : vector<512x16xi1>, vector<512x16xi32>
      %reduce_min3A_1010 = arith.constant dense<2147483647> : vector<512xi32>
      %reduce_min3A_1011 = vector.multi_reduction <minsi>, %select_n3A_1009, %reduce_min3A_1010 [1] : vector<512x16xi32> to vector<512xi32>
      %broadcast_in_dim3A_1012 = vector.shape_cast %reduce_min3A_1011 : vector<512xi32> to vector<512x1xi32>
      %eq3A_1013 = vector.broadcast %min3A_1004 : vector<512x1xf32> to vector<512x2048xf32>
      %eq3A_1014 = arith.cmpf oeq, %select_n3A_997, %eq3A_1013 : vector<512x2048xf32>
      %jit3A_1015 = arith.constant 2147483647 : i32
      %broadcast_in_dim3A_1016 = vector.shape_cast %add3A_157 : vector<1x2048xi32> to vector<1x2048xi32>
      %broadcast_in_dim3A_1017 = vector.broadcast %broadcast_in_dim3A_1016 : vector<1x2048xi32> to vector<512x2048xi32>
      %broadcast_in_dim3A_1018 = vector.broadcast %jit3A_1015 : i32 to vector<512x2048xi32>
      %select_n3A_1019 = arith.select %eq3A_1014, %broadcast_in_dim3A_1017, %broadcast_in_dim3A_1018 : vector<512x2048xi1>, vector<512x2048xi32>
      %reduce_min3A_1020 = arith.constant dense<2147483647> : vector<512xi32>
      %reduce_min3A_1021 = vector.multi_reduction <minsi>, %select_n3A_1019, %reduce_min3A_1020 [1] : vector<512x2048xi32> to vector<512xi32>
      %broadcast_in_dim3A_1022 = vector.shape_cast %reduce_min3A_1021 : vector<512xi32> to vector<512x1xi32>
      %min3A_1023 = arith.minsi %broadcast_in_dim3A_1012, %broadcast_in_dim3A_1022 : vector<512x1xi32>
      %eq3A_1024 = arith.constant 14 : i32
      %eq3A_1025 = vector.broadcast %eq3A_1024 : i32 to vector<1x16xi32>
      %eq3A_1026 = arith.cmpi eq, %iota3A_111, %eq3A_1025 : vector<1x16xi32>
      %broadcast_in_dim3A_1027 = vector.shape_cast %eq3A_1026 : vector<1x16xi1> to vector<1x16xi1>
      %broadcast_in_dim3A_1028 = vector.broadcast %broadcast_in_dim3A_1027 : vector<1x16xi1> to vector<512x16xi1>
      %broadcast_in_dim3A_1029 = vector.shape_cast %min3A_1004 : vector<512x1xf32> to vector<512x1xf32>
      %broadcast_in_dim3A_1030 = vector.broadcast %broadcast_in_dim3A_1029 : vector<512x1xf32> to vector<512x16xf32>
      %select_n3A_1031 = arith.select %broadcast_in_dim3A_1028, %broadcast_in_dim3A_1030, %select_n3A_972 : vector<512x16xi1>, vector<512x16xf32>
      %eq3A_1032 = arith.constant 14 : i32
      %eq3A_1033 = vector.broadcast %eq3A_1032 : i32 to vector<1x16xi32>
      %eq3A_1034 = arith.cmpi eq, %iota3A_111, %eq3A_1033 : vector<1x16xi32>
      %broadcast_in_dim3A_1035 = vector.shape_cast %eq3A_1034 : vector<1x16xi1> to vector<1x16xi1>
      %broadcast_in_dim3A_1036 = vector.broadcast %broadcast_in_dim3A_1035 : vector<1x16xi1> to vector<512x16xi1>
      %broadcast_in_dim3A_1037 = vector.shape_cast %min3A_1023 : vector<512x1xi32> to vector<512x1xi32>
      %broadcast_in_dim3A_1038 = vector.broadcast %broadcast_in_dim3A_1037 : vector<512x1xi32> to vector<512x16xi32>
      %select_n3A_1039 = arith.select %broadcast_in_dim3A_1036, %broadcast_in_dim3A_1038, %select_n3A_980 : vector<512x16xi1>, vector<512x16xi32>
      %eq3A_1040 = vector.broadcast %min3A_1004 : vector<512x1xf32> to vector<512x16xf32>
      %eq3A_1041 = arith.cmpf oeq, %select_n3A_988, %eq3A_1040 : vector<512x16xf32>
      %eq3A_1042 = vector.broadcast %min3A_1023 : vector<512x1xi32> to vector<512x16xi32>
      %eq3A_1043 = arith.cmpi eq, %while3A_133, %eq3A_1042 : vector<512x16xi32>
      %and3A_1044 = arith.andi %eq3A_1041, %eq3A_1043 : vector<512x16xi1>
      %jit3A_1045 = arith.constant 0x7F800000 : f32
      %broadcast_in_dim3A_1046 = vector.broadcast %jit3A_1045 : f32 to vector<512x16xf32>
      %select_n3A_1047 = arith.select %and3A_1044, %broadcast_in_dim3A_1046, %select_n3A_988 : vector<512x16xi1>, vector<512x16xf32>
      %eq3A_1048 = vector.broadcast %min3A_1004 : vector<512x1xf32> to vector<512x2048xf32>
      %eq3A_1049 = arith.cmpf oeq, %select_n3A_997, %eq3A_1048 : vector<512x2048xf32>
      %eq3A_1050 = vector.broadcast %add3A_157 : vector<1x2048xi32> to vector<512x2048xi32>
      %eq3A_1051 = vector.broadcast %min3A_1023 : vector<512x1xi32> to vector<512x2048xi32>
      %eq3A_1052 = arith.cmpi eq, %eq3A_1050, %eq3A_1051 : vector<512x2048xi32>
      %and3A_1053 = arith.andi %eq3A_1049, %eq3A_1052 : vector<512x2048xi1>
      %jit3A_1054 = arith.constant 0x7F800000 : f32
      %broadcast_in_dim3A_1055 = vector.broadcast %jit3A_1054 : f32 to vector<512x2048xf32>
      %select_n3A_1056 = arith.select %and3A_1053, %broadcast_in_dim3A_1055, %select_n3A_997 : vector<512x2048xi1>, vector<512x2048xf32>
      %reduce_min3A_1057 = arith.constant dense<0x7F800000> : vector<512xf32>
      %reduce_min3A_1058 = vector.multi_reduction <minimumf>, %select_n3A_1047, %reduce_min3A_1057 [1] : vector<512x16xf32> to vector<512xf32>
      %broadcast_in_dim3A_1059 = vector.shape_cast %reduce_min3A_1058 : vector<512xf32> to vector<512x1xf32>
      %reduce_min3A_1060 = arith.constant dense<0x7F800000> : vector<512xf32>
      %reduce_min3A_1061 = vector.multi_reduction <minimumf>, %select_n3A_1056, %reduce_min3A_1060 [1] : vector<512x2048xf32> to vector<512xf32>
      %broadcast_in_dim3A_1062 = vector.shape_cast %reduce_min3A_1061 : vector<512xf32> to vector<512x1xf32>
      %min3A_1063 = arith.minimumf %broadcast_in_dim3A_1059, %broadcast_in_dim3A_1062 : vector<512x1xf32>
      %eq3A_1064 = vector.broadcast %min3A_1063 : vector<512x1xf32> to vector<512x16xf32>
      %eq3A_1065 = arith.cmpf oeq, %select_n3A_1047, %eq3A_1064 : vector<512x16xf32>
      %jit3A_1066 = arith.constant 2147483647 : i32
      %broadcast_in_dim3A_1067 = vector.broadcast %jit3A_1066 : i32 to vector<512x16xi32>
      %select_n3A_1068 = arith.select %eq3A_1065, %while3A_133, %broadcast_in_dim3A_1067 : vector<512x16xi1>, vector<512x16xi32>
      %reduce_min3A_1069 = arith.constant dense<2147483647> : vector<512xi32>
      %reduce_min3A_1070 = vector.multi_reduction <minsi>, %select_n3A_1068, %reduce_min3A_1069 [1] : vector<512x16xi32> to vector<512xi32>
      %broadcast_in_dim3A_1071 = vector.shape_cast %reduce_min3A_1070 : vector<512xi32> to vector<512x1xi32>
      %eq3A_1072 = vector.broadcast %min3A_1063 : vector<512x1xf32> to vector<512x2048xf32>
      %eq3A_1073 = arith.cmpf oeq, %select_n3A_1056, %eq3A_1072 : vector<512x2048xf32>
      %jit3A_1074 = arith.constant 2147483647 : i32
      %broadcast_in_dim3A_1075 = vector.shape_cast %add3A_157 : vector<1x2048xi32> to vector<1x2048xi32>
      %broadcast_in_dim3A_1076 = vector.broadcast %broadcast_in_dim3A_1075 : vector<1x2048xi32> to vector<512x2048xi32>
      %broadcast_in_dim3A_1077 = vector.broadcast %jit3A_1074 : i32 to vector<512x2048xi32>
      %select_n3A_1078 = arith.select %eq3A_1073, %broadcast_in_dim3A_1076, %broadcast_in_dim3A_1077 : vector<512x2048xi1>, vector<512x2048xi32>
      %reduce_min3A_1079 = arith.constant dense<2147483647> : vector<512xi32>
      %reduce_min3A_1080 = vector.multi_reduction <minsi>, %select_n3A_1078, %reduce_min3A_1079 [1] : vector<512x2048xi32> to vector<512xi32>
      %broadcast_in_dim3A_1081 = vector.shape_cast %reduce_min3A_1080 : vector<512xi32> to vector<512x1xi32>
      %min3A_1082 = arith.minsi %broadcast_in_dim3A_1071, %broadcast_in_dim3A_1081 : vector<512x1xi32>
      %eq3A_1083 = arith.constant 15 : i32
      %eq3A_1084 = vector.broadcast %eq3A_1083 : i32 to vector<1x16xi32>
      %eq3A_1085 = arith.cmpi eq, %iota3A_111, %eq3A_1084 : vector<1x16xi32>
      %broadcast_in_dim3A_1086 = vector.shape_cast %eq3A_1085 : vector<1x16xi1> to vector<1x16xi1>
      %broadcast_in_dim3A_1087 = vector.broadcast %broadcast_in_dim3A_1086 : vector<1x16xi1> to vector<512x16xi1>
      %broadcast_in_dim3A_1088 = vector.shape_cast %min3A_1063 : vector<512x1xf32> to vector<512x1xf32>
      %broadcast_in_dim3A_1089 = vector.broadcast %broadcast_in_dim3A_1088 : vector<512x1xf32> to vector<512x16xf32>
      %select_n3A_1090 = arith.select %broadcast_in_dim3A_1087, %broadcast_in_dim3A_1089, %select_n3A_1031 : vector<512x16xi1>, vector<512x16xf32>
      %eq3A_1091 = arith.constant 15 : i32
      %eq3A_1092 = vector.broadcast %eq3A_1091 : i32 to vector<1x16xi32>
      %eq3A_1093 = arith.cmpi eq, %iota3A_111, %eq3A_1092 : vector<1x16xi32>
      %broadcast_in_dim3A_1094 = vector.shape_cast %eq3A_1093 : vector<1x16xi1> to vector<1x16xi1>
      %broadcast_in_dim3A_1095 = vector.broadcast %broadcast_in_dim3A_1094 : vector<1x16xi1> to vector<512x16xi1>
      %broadcast_in_dim3A_1096 = vector.shape_cast %min3A_1082 : vector<512x1xi32> to vector<512x1xi32>
      %broadcast_in_dim3A_1097 = vector.broadcast %broadcast_in_dim3A_1096 : vector<512x1xi32> to vector<512x16xi32>
      %select_n3A_1098 = arith.select %broadcast_in_dim3A_1095, %broadcast_in_dim3A_1097, %select_n3A_1039 : vector<512x16xi1>, vector<512x16xi32>
      %eq3A_1099 = vector.broadcast %min3A_1063 : vector<512x1xf32> to vector<512x16xf32>
      %eq3A_1100 = arith.cmpf oeq, %select_n3A_1047, %eq3A_1099 : vector<512x16xf32>
      %eq3A_1101 = vector.broadcast %min3A_1082 : vector<512x1xi32> to vector<512x16xi32>
      %eq3A_1102 = arith.cmpi eq, %while3A_133, %eq3A_1101 : vector<512x16xi32>
      %and3A_1103 = arith.andi %eq3A_1100, %eq3A_1102 : vector<512x16xi1>
      %jit3A_1104 = arith.constant 0x7F800000 : f32
      %broadcast_in_dim3A_1105 = vector.broadcast %jit3A_1104 : f32 to vector<512x16xf32>
      %select_n3A_1106 = arith.select %and3A_1103, %broadcast_in_dim3A_1105, %select_n3A_1047 : vector<512x16xi1>, vector<512x16xf32>
      %eq3A_1107 = vector.broadcast %min3A_1063 : vector<512x1xf32> to vector<512x2048xf32>
      %eq3A_1108 = arith.cmpf oeq, %select_n3A_1056, %eq3A_1107 : vector<512x2048xf32>
      %eq3A_1109 = vector.broadcast %add3A_157 : vector<1x2048xi32> to vector<512x2048xi32>
      %eq3A_1110 = vector.broadcast %min3A_1082 : vector<512x1xi32> to vector<512x2048xi32>
      %eq3A_1111 = arith.cmpi eq, %eq3A_1109, %eq3A_1110 : vector<512x2048xi32>
      %and3A_1112 = arith.andi %eq3A_1108, %eq3A_1111 : vector<512x2048xi1>
      %jit3A_1113 = arith.constant 0x7F800000 : f32
      %broadcast_in_dim3A_1114 = vector.broadcast %jit3A_1113 : f32 to vector<512x2048xf32>
      %select_n3A_1115 = arith.select %and3A_1112, %broadcast_in_dim3A_1114, %select_n3A_1056 : vector<512x2048xi1>, vector<512x2048xf32>
      scf.yield %select_n3A_1090, %select_n3A_1098 : vector<512x16xf32>, vector<512x16xi32>
    }
    %while3A_123 = arith.constant 1 : i32
    %while3A_124:2 = scf.for %while3A_131 = %while3A_120 to %while3A_116 step %while3A_123 iter_args(%while3A_132 = %while3A_122#0, %while3A_133 = %while3A_122#1) -> (vector<512x16xf32>, vector<512x16xi32>)  : i32 {
      %mul3A_134 = arith.constant 2048 : i32
      %mul3A_135 = arith.muli %while3A_131, %mul3A_134 : i32
      %multiple_of3A = tpu.assume_multiple %mul3A_135, 2048 : i32
      %get3A_136 = arith.constant 0 : index
      %get3A_137 = arith.index_cast %multiple_of3A : i32 to index
      %get3A_138 = vector.load %arg3[%get3A_136, %get3A_137] : memref<3x16384xf32, #tpu.memory_space<vmem>>, vector<3x2048xf32>
      %get3A_139 = arith.constant 0 : index
      %get3A_140 = arith.index_cast %multiple_of3A : i32 to index
      %get3A_141 = vector.load %arg4[%get3A_139, %get3A_140] : memref<1x16384xi32, #tpu.memory_space<vmem>>, vector<1x2048xi32>
      %mul3A_142 = arith.mulf %get3A_138, %get3A_138 : vector<3x2048xf32>
      %reduce_sum3A_143 = arith.constant dense<0.000000e+00> : vector<2048xf32>
      %reduce_sum3A_144 = vector.multi_reduction <add>, %mul3A_142, %reduce_sum3A_143 [0] : vector<3x2048xf32> to vector<2048xf32>
      %broadcast_in_dim3A_145 = vector.shape_cast %reduce_sum3A_144 : vector<2048xf32> to vector<1x2048xf32>
      %add3A_146 = vector.broadcast %broadcast_in_dim3A : vector<512x1xf32> to vector<512x2048xf32>
      %add3A_147 = vector.broadcast %broadcast_in_dim3A_145 : vector<1x2048xf32> to vector<512x2048xf32>
      %add3A_148 = arith.addf %add3A_146, %add3A_147 : vector<512x2048xf32>
      %dot_general3A_149 = arith.constant dense<0.000000e+00> : vector<512x2048xf32>
      %dot_general3A_150 = tpu.matmul %get3A_2, %get3A_138, %dot_general3A_149 {dimension_numbers = #tpu.dot_dimension_numbers<[1], [0], [0], [1], [0, 0, 1, 1], [], []>, transpose_lhs_hint = false} : vector<512x3xf32>, vector<3x2048xf32>, vector<512x2048xf32> -> vector<512x2048xf32>
      %mul3A_151 = arith.constant 2.000000e+00 : f32
      %mul3A_152 = vector.broadcast %mul3A_151 : f32 to vector<512x2048xf32>
      %mul3A_153 = arith.mulf %mul3A_152, %dot_general3A_150 : vector<512x2048xf32>
      %sub3A_154 = arith.subf %add3A_148, %mul3A_153 : vector<512x2048xf32>
      %iota3A_155 = tpu.iota {dimensions = array<i32: 1>} : vector<1x2048xi32>
      %add3A_156 = vector.broadcast %multiple_of3A : i32 to vector<1x2048xi32>
      %add3A_157 = arith.addi %add3A_156, %iota3A_155 : vector<1x2048xi32>
      %eq3A_158 = vector.broadcast %get3A_141 : vector<1x2048xi32> to vector<512x2048xi32>
      %eq3A_159 = vector.broadcast %get3A_5 : vector<512x1xi32> to vector<512x2048xi32>
      %eq3A_160 = arith.cmpi eq, %eq3A_158, %eq3A_159 : vector<512x2048xi32>
      %ne3A_161 = vector.broadcast %add3A_157 : vector<1x2048xi32> to vector<512x2048xi32>
      %ne3A_162 = vector.broadcast %add3A_8 : vector<512x1xi32> to vector<512x2048xi32>
      %ne3A_163 = arith.cmpi ne, %ne3A_161, %ne3A_162 : vector<512x2048xi32>
      %and3A_164 = arith.andi %eq3A_160, %ne3A_163 : vector<512x2048xi1>
      %max3A = arith.constant 0.000000e+00 : f32
      %max3A_165 = vector.broadcast %max3A : f32 to vector<512x2048xf32>
      %max3A_166 = arith.maximumf %sub3A_154, %max3A_165 : vector<512x2048xf32>
      %jit3A_167 = arith.constant 0x7F800000 : f32
      %broadcast_in_dim3A_168 = vector.broadcast %jit3A_167 : f32 to vector<512x2048xf32>
      %select_n3A_169 = arith.select %and3A_164, %max3A_166, %broadcast_in_dim3A_168 : vector<512x2048xi1>, vector<512x2048xf32>
      %broadcast_in_dim3A_170 = arith.constant 0.000000e+00 : f32
      %broadcast_in_dim3A_171 = vector.broadcast %broadcast_in_dim3A_170 : f32 to vector<512x16xf32>
      %broadcast_in_dim3A_172 = arith.constant 0 : i32
      %broadcast_in_dim3A_173 = vector.broadcast %broadcast_in_dim3A_172 : i32 to vector<512x16xi32>
      %reduce_min3A = arith.constant dense<0x7F800000> : vector<512xf32>
      %reduce_min3A_174 = vector.multi_reduction <minimumf>, %while3A_132, %reduce_min3A [1] : vector<512x16xf32> to vector<512xf32>
      %broadcast_in_dim3A_175 = vector.shape_cast %reduce_min3A_174 : vector<512xf32> to vector<512x1xf32>
      %reduce_min3A_176 = arith.constant dense<0x7F800000> : vector<512xf32>
      %reduce_min3A_177 = vector.multi_reduction <minimumf>, %select_n3A_169, %reduce_min3A_176 [1] : vector<512x2048xf32> to vector<512xf32>
      %broadcast_in_dim3A_178 = vector.shape_cast %reduce_min3A_177 : vector<512xf32> to vector<512x1xf32>
      %min3A = arith.minimumf %broadcast_in_dim3A_175, %broadcast_in_dim3A_178 : vector<512x1xf32>
      %eq3A_179 = vector.broadcast %min3A : vector<512x1xf32> to vector<512x16xf32>
      %eq3A_180 = arith.cmpf oeq, %while3A_132, %eq3A_179 : vector<512x16xf32>
      %jit3A_181 = arith.constant 2147483647 : i32
      %broadcast_in_dim3A_182 = vector.broadcast %jit3A_181 : i32 to vector<512x16xi32>
      %select_n3A_183 = arith.select %eq3A_180, %while3A_133, %broadcast_in_dim3A_182 : vector<512x16xi1>, vector<512x16xi32>
      %reduce_min3A_184 = arith.constant dense<2147483647> : vector<512xi32>
      %reduce_min3A_185 = vector.multi_reduction <minsi>, %select_n3A_183, %reduce_min3A_184 [1] : vector<512x16xi32> to vector<512xi32>
      %broadcast_in_dim3A_186 = vector.shape_cast %reduce_min3A_185 : vector<512xi32> to vector<512x1xi32>
      %eq3A_187 = vector.broadcast %min3A : vector<512x1xf32> to vector<512x2048xf32>
      %eq3A_188 = arith.cmpf oeq, %select_n3A_169, %eq3A_187 : vector<512x2048xf32>
      %jit3A_189 = arith.constant 2147483647 : i32
      %broadcast_in_dim3A_190 = vector.shape_cast %add3A_157 : vector<1x2048xi32> to vector<1x2048xi32>
      %broadcast_in_dim3A_191 = vector.broadcast %broadcast_in_dim3A_190 : vector<1x2048xi32> to vector<512x2048xi32>
      %broadcast_in_dim3A_192 = vector.broadcast %jit3A_189 : i32 to vector<512x2048xi32>
      %select_n3A_193 = arith.select %eq3A_188, %broadcast_in_dim3A_191, %broadcast_in_dim3A_192 : vector<512x2048xi1>, vector<512x2048xi32>
      %reduce_min3A_194 = arith.constant dense<2147483647> : vector<512xi32>
      %reduce_min3A_195 = vector.multi_reduction <minsi>, %select_n3A_193, %reduce_min3A_194 [1] : vector<512x2048xi32> to vector<512xi32>
      %broadcast_in_dim3A_196 = vector.shape_cast %reduce_min3A_195 : vector<512xi32> to vector<512x1xi32>
      %min3A_197 = arith.minsi %broadcast_in_dim3A_186, %broadcast_in_dim3A_196 : vector<512x1xi32>
      %eq3A_198 = arith.constant 0 : i32
      %eq3A_199 = vector.broadcast %eq3A_198 : i32 to vector<1x16xi32>
      %eq3A_200 = arith.cmpi eq, %iota3A_111, %eq3A_199 : vector<1x16xi32>
      %broadcast_in_dim3A_201 = vector.shape_cast %eq3A_200 : vector<1x16xi1> to vector<1x16xi1>
      %broadcast_in_dim3A_202 = vector.broadcast %broadcast_in_dim3A_201 : vector<1x16xi1> to vector<512x16xi1>
      %broadcast_in_dim3A_203 = vector.shape_cast %min3A : vector<512x1xf32> to vector<512x1xf32>
      %broadcast_in_dim3A_204 = vector.broadcast %broadcast_in_dim3A_203 : vector<512x1xf32> to vector<512x16xf32>
      %select_n3A_205 = arith.select %broadcast_in_dim3A_202, %broadcast_in_dim3A_204, %broadcast_in_dim3A_171 : vector<512x16xi1>, vector<512x16xf32>
      %eq3A_206 = arith.constant 0 : i32
      %eq3A_207 = vector.broadcast %eq3A_206 : i32 to vector<1x16xi32>
      %eq3A_208 = arith.cmpi eq, %iota3A_111, %eq3A_207 : vector<1x16xi32>
      %broadcast_in_dim3A_209 = vector.shape_cast %eq3A_208 : vector<1x16xi1> to vector<1x16xi1>
      %broadcast_in_dim3A_210 = vector.broadcast %broadcast_in_dim3A_209 : vector<1x16xi1> to vector<512x16xi1>
      %broadcast_in_dim3A_211 = vector.shape_cast %min3A_197 : vector<512x1xi32> to vector<512x1xi32>
      %broadcast_in_dim3A_212 = vector.broadcast %broadcast_in_dim3A_211 : vector<512x1xi32> to vector<512x16xi32>
      %select_n3A_213 = arith.select %broadcast_in_dim3A_210, %broadcast_in_dim3A_212, %broadcast_in_dim3A_173 : vector<512x16xi1>, vector<512x16xi32>
      %eq3A_214 = vector.broadcast %min3A : vector<512x1xf32> to vector<512x16xf32>
      %eq3A_215 = arith.cmpf oeq, %while3A_132, %eq3A_214 : vector<512x16xf32>
      %eq3A_216 = vector.broadcast %min3A_197 : vector<512x1xi32> to vector<512x16xi32>
      %eq3A_217 = arith.cmpi eq, %while3A_133, %eq3A_216 : vector<512x16xi32>
      %and3A_218 = arith.andi %eq3A_215, %eq3A_217 : vector<512x16xi1>
      %jit3A_219 = arith.constant 0x7F800000 : f32
      %broadcast_in_dim3A_220 = vector.broadcast %jit3A_219 : f32 to vector<512x16xf32>
      %select_n3A_221 = arith.select %and3A_218, %broadcast_in_dim3A_220, %while3A_132 : vector<512x16xi1>, vector<512x16xf32>
      %eq3A_222 = vector.broadcast %min3A : vector<512x1xf32> to vector<512x2048xf32>
      %eq3A_223 = arith.cmpf oeq, %select_n3A_169, %eq3A_222 : vector<512x2048xf32>
      %eq3A_224 = vector.broadcast %add3A_157 : vector<1x2048xi32> to vector<512x2048xi32>
      %eq3A_225 = vector.broadcast %min3A_197 : vector<512x1xi32> to vector<512x2048xi32>
      %eq3A_226 = arith.cmpi eq, %eq3A_224, %eq3A_225 : vector<512x2048xi32>
      %and3A_227 = arith.andi %eq3A_223, %eq3A_226 : vector<512x2048xi1>
      %jit3A_228 = arith.constant 0x7F800000 : f32
      %broadcast_in_dim3A_229 = vector.broadcast %jit3A_228 : f32 to vector<512x2048xf32>
      %select_n3A_230 = arith.select %and3A_227, %broadcast_in_dim3A_229, %select_n3A_169 : vector<512x2048xi1>, vector<512x2048xf32>
      %reduce_min3A_231 = arith.constant dense<0x7F800000> : vector<512xf32>
      %reduce_min3A_232 = vector.multi_reduction <minimumf>, %select_n3A_221, %reduce_min3A_231 [1] : vector<512x16xf32> to vector<512xf32>
      %broadcast_in_dim3A_233 = vector.shape_cast %reduce_min3A_232 : vector<512xf32> to vector<512x1xf32>
      %reduce_min3A_234 = arith.constant dense<0x7F800000> : vector<512xf32>
      %reduce_min3A_235 = vector.multi_reduction <minimumf>, %select_n3A_230, %reduce_min3A_234 [1] : vector<512x2048xf32> to vector<512xf32>
      %broadcast_in_dim3A_236 = vector.shape_cast %reduce_min3A_235 : vector<512xf32> to vector<512x1xf32>
      %min3A_237 = arith.minimumf %broadcast_in_dim3A_233, %broadcast_in_dim3A_236 : vector<512x1xf32>
      %eq3A_238 = vector.broadcast %min3A_237 : vector<512x1xf32> to vector<512x16xf32>
      %eq3A_239 = arith.cmpf oeq, %select_n3A_221, %eq3A_238 : vector<512x16xf32>
      %jit3A_240 = arith.constant 2147483647 : i32
      %broadcast_in_dim3A_241 = vector.broadcast %jit3A_240 : i32 to vector<512x16xi32>
      %select_n3A_242 = arith.select %eq3A_239, %while3A_133, %broadcast_in_dim3A_241 : vector<512x16xi1>, vector<512x16xi32>
      %reduce_min3A_243 = arith.constant dense<2147483647> : vector<512xi32>
      %reduce_min3A_244 = vector.multi_reduction <minsi>, %select_n3A_242, %reduce_min3A_243 [1] : vector<512x16xi32> to vector<512xi32>
      %broadcast_in_dim3A_245 = vector.shape_cast %reduce_min3A_244 : vector<512xi32> to vector<512x1xi32>
      %eq3A_246 = vector.broadcast %min3A_237 : vector<512x1xf32> to vector<512x2048xf32>
      %eq3A_247 = arith.cmpf oeq, %select_n3A_230, %eq3A_246 : vector<512x2048xf32>
      %jit3A_248 = arith.constant 2147483647 : i32
      %broadcast_in_dim3A_249 = vector.shape_cast %add3A_157 : vector<1x2048xi32> to vector<1x2048xi32>
      %broadcast_in_dim3A_250 = vector.broadcast %broadcast_in_dim3A_249 : vector<1x2048xi32> to vector<512x2048xi32>
      %broadcast_in_dim3A_251 = vector.broadcast %jit3A_248 : i32 to vector<512x2048xi32>
      %select_n3A_252 = arith.select %eq3A_247, %broadcast_in_dim3A_250, %broadcast_in_dim3A_251 : vector<512x2048xi1>, vector<512x2048xi32>
      %reduce_min3A_253 = arith.constant dense<2147483647> : vector<512xi32>
      %reduce_min3A_254 = vector.multi_reduction <minsi>, %select_n3A_252, %reduce_min3A_253 [1] : vector<512x2048xi32> to vector<512xi32>
      %broadcast_in_dim3A_255 = vector.shape_cast %reduce_min3A_254 : vector<512xi32> to vector<512x1xi32>
      %min3A_256 = arith.minsi %broadcast_in_dim3A_245, %broadcast_in_dim3A_255 : vector<512x1xi32>
      %eq3A_257 = arith.constant 1 : i32
      %eq3A_258 = vector.broadcast %eq3A_257 : i32 to vector<1x16xi32>
      %eq3A_259 = arith.cmpi eq, %iota3A_111, %eq3A_258 : vector<1x16xi32>
      %broadcast_in_dim3A_260 = vector.shape_cast %eq3A_259 : vector<1x16xi1> to vector<1x16xi1>
      %broadcast_in_dim3A_261 = vector.broadcast %broadcast_in_dim3A_260 : vector<1x16xi1> to vector<512x16xi1>
      %broadcast_in_dim3A_262 = vector.shape_cast %min3A_237 : vector<512x1xf32> to vector<512x1xf32>
      %broadcast_in_dim3A_263 = vector.broadcast %broadcast_in_dim3A_262 : vector<512x1xf32> to vector<512x16xf32>
      %select_n3A_264 = arith.select %broadcast_in_dim3A_261, %broadcast_in_dim3A_263, %select_n3A_205 : vector<512x16xi1>, vector<512x16xf32>
      %eq3A_265 = arith.constant 1 : i32
      %eq3A_266 = vector.broadcast %eq3A_265 : i32 to vector<1x16xi32>
      %eq3A_267 = arith.cmpi eq, %iota3A_111, %eq3A_266 : vector<1x16xi32>
      %broadcast_in_dim3A_268 = vector.shape_cast %eq3A_267 : vector<1x16xi1> to vector<1x16xi1>
      %broadcast_in_dim3A_269 = vector.broadcast %broadcast_in_dim3A_268 : vector<1x16xi1> to vector<512x16xi1>
      %broadcast_in_dim3A_270 = vector.shape_cast %min3A_256 : vector<512x1xi32> to vector<512x1xi32>
      %broadcast_in_dim3A_271 = vector.broadcast %broadcast_in_dim3A_270 : vector<512x1xi32> to vector<512x16xi32>
      %select_n3A_272 = arith.select %broadcast_in_dim3A_269, %broadcast_in_dim3A_271, %select_n3A_213 : vector<512x16xi1>, vector<512x16xi32>
      %eq3A_273 = vector.broadcast %min3A_237 : vector<512x1xf32> to vector<512x16xf32>
      %eq3A_274 = arith.cmpf oeq, %select_n3A_221, %eq3A_273 : vector<512x16xf32>
      %eq3A_275 = vector.broadcast %min3A_256 : vector<512x1xi32> to vector<512x16xi32>
      %eq3A_276 = arith.cmpi eq, %while3A_133, %eq3A_275 : vector<512x16xi32>
      %and3A_277 = arith.andi %eq3A_274, %eq3A_276 : vector<512x16xi1>
      %jit3A_278 = arith.constant 0x7F800000 : f32
      %broadcast_in_dim3A_279 = vector.broadcast %jit3A_278 : f32 to vector<512x16xf32>
      %select_n3A_280 = arith.select %and3A_277, %broadcast_in_dim3A_279, %select_n3A_221 : vector<512x16xi1>, vector<512x16xf32>
      %eq3A_281 = vector.broadcast %min3A_237 : vector<512x1xf32> to vector<512x2048xf32>
      %eq3A_282 = arith.cmpf oeq, %select_n3A_230, %eq3A_281 : vector<512x2048xf32>
      %eq3A_283 = vector.broadcast %add3A_157 : vector<1x2048xi32> to vector<512x2048xi32>
      %eq3A_284 = vector.broadcast %min3A_256 : vector<512x1xi32> to vector<512x2048xi32>
      %eq3A_285 = arith.cmpi eq, %eq3A_283, %eq3A_284 : vector<512x2048xi32>
      %and3A_286 = arith.andi %eq3A_282, %eq3A_285 : vector<512x2048xi1>
      %jit3A_287 = arith.constant 0x7F800000 : f32
      %broadcast_in_dim3A_288 = vector.broadcast %jit3A_287 : f32 to vector<512x2048xf32>
      %select_n3A_289 = arith.select %and3A_286, %broadcast_in_dim3A_288, %select_n3A_230 : vector<512x2048xi1>, vector<512x2048xf32>
      %reduce_min3A_290 = arith.constant dense<0x7F800000> : vector<512xf32>
      %reduce_min3A_291 = vector.multi_reduction <minimumf>, %select_n3A_280, %reduce_min3A_290 [1] : vector<512x16xf32> to vector<512xf32>
      %broadcast_in_dim3A_292 = vector.shape_cast %reduce_min3A_291 : vector<512xf32> to vector<512x1xf32>
      %reduce_min3A_293 = arith.constant dense<0x7F800000> : vector<512xf32>
      %reduce_min3A_294 = vector.multi_reduction <minimumf>, %select_n3A_289, %reduce_min3A_293 [1] : vector<512x2048xf32> to vector<512xf32>
      %broadcast_in_dim3A_295 = vector.shape_cast %reduce_min3A_294 : vector<512xf32> to vector<512x1xf32>
      %min3A_296 = arith.minimumf %broadcast_in_dim3A_292, %broadcast_in_dim3A_295 : vector<512x1xf32>
      %eq3A_297 = vector.broadcast %min3A_296 : vector<512x1xf32> to vector<512x16xf32>
      %eq3A_298 = arith.cmpf oeq, %select_n3A_280, %eq3A_297 : vector<512x16xf32>
      %jit3A_299 = arith.constant 2147483647 : i32
      %broadcast_in_dim3A_300 = vector.broadcast %jit3A_299 : i32 to vector<512x16xi32>
      %select_n3A_301 = arith.select %eq3A_298, %while3A_133, %broadcast_in_dim3A_300 : vector<512x16xi1>, vector<512x16xi32>
      %reduce_min3A_302 = arith.constant dense<2147483647> : vector<512xi32>
      %reduce_min3A_303 = vector.multi_reduction <minsi>, %select_n3A_301, %reduce_min3A_302 [1] : vector<512x16xi32> to vector<512xi32>
      %broadcast_in_dim3A_304 = vector.shape_cast %reduce_min3A_303 : vector<512xi32> to vector<512x1xi32>
      %eq3A_305 = vector.broadcast %min3A_296 : vector<512x1xf32> to vector<512x2048xf32>
      %eq3A_306 = arith.cmpf oeq, %select_n3A_289, %eq3A_305 : vector<512x2048xf32>
      %jit3A_307 = arith.constant 2147483647 : i32
      %broadcast_in_dim3A_308 = vector.shape_cast %add3A_157 : vector<1x2048xi32> to vector<1x2048xi32>
      %broadcast_in_dim3A_309 = vector.broadcast %broadcast_in_dim3A_308 : vector<1x2048xi32> to vector<512x2048xi32>
      %broadcast_in_dim3A_310 = vector.broadcast %jit3A_307 : i32 to vector<512x2048xi32>
      %select_n3A_311 = arith.select %eq3A_306, %broadcast_in_dim3A_309, %broadcast_in_dim3A_310 : vector<512x2048xi1>, vector<512x2048xi32>
      %reduce_min3A_312 = arith.constant dense<2147483647> : vector<512xi32>
      %reduce_min3A_313 = vector.multi_reduction <minsi>, %select_n3A_311, %reduce_min3A_312 [1] : vector<512x2048xi32> to vector<512xi32>
      %broadcast_in_dim3A_314 = vector.shape_cast %reduce_min3A_313 : vector<512xi32> to vector<512x1xi32>
      %min3A_315 = arith.minsi %broadcast_in_dim3A_304, %broadcast_in_dim3A_314 : vector<512x1xi32>
      %eq3A_316 = arith.constant 2 : i32
      %eq3A_317 = vector.broadcast %eq3A_316 : i32 to vector<1x16xi32>
      %eq3A_318 = arith.cmpi eq, %iota3A_111, %eq3A_317 : vector<1x16xi32>
      %broadcast_in_dim3A_319 = vector.shape_cast %eq3A_318 : vector<1x16xi1> to vector<1x16xi1>
      %broadcast_in_dim3A_320 = vector.broadcast %broadcast_in_dim3A_319 : vector<1x16xi1> to vector<512x16xi1>
      %broadcast_in_dim3A_321 = vector.shape_cast %min3A_296 : vector<512x1xf32> to vector<512x1xf32>
      %broadcast_in_dim3A_322 = vector.broadcast %broadcast_in_dim3A_321 : vector<512x1xf32> to vector<512x16xf32>
      %select_n3A_323 = arith.select %broadcast_in_dim3A_320, %broadcast_in_dim3A_322, %select_n3A_264 : vector<512x16xi1>, vector<512x16xf32>
      %eq3A_324 = arith.constant 2 : i32
      %eq3A_325 = vector.broadcast %eq3A_324 : i32 to vector<1x16xi32>
      %eq3A_326 = arith.cmpi eq, %iota3A_111, %eq3A_325 : vector<1x16xi32>
      %broadcast_in_dim3A_327 = vector.shape_cast %eq3A_326 : vector<1x16xi1> to vector<1x16xi1>
      %broadcast_in_dim3A_328 = vector.broadcast %broadcast_in_dim3A_327 : vector<1x16xi1> to vector<512x16xi1>
      %broadcast_in_dim3A_329 = vector.shape_cast %min3A_315 : vector<512x1xi32> to vector<512x1xi32>
      %broadcast_in_dim3A_330 = vector.broadcast %broadcast_in_dim3A_329 : vector<512x1xi32> to vector<512x16xi32>
      %select_n3A_331 = arith.select %broadcast_in_dim3A_328, %broadcast_in_dim3A_330, %select_n3A_272 : vector<512x16xi1>, vector<512x16xi32>
      %eq3A_332 = vector.broadcast %min3A_296 : vector<512x1xf32> to vector<512x16xf32>
      %eq3A_333 = arith.cmpf oeq, %select_n3A_280, %eq3A_332 : vector<512x16xf32>
      %eq3A_334 = vector.broadcast %min3A_315 : vector<512x1xi32> to vector<512x16xi32>
      %eq3A_335 = arith.cmpi eq, %while3A_133, %eq3A_334 : vector<512x16xi32>
      %and3A_336 = arith.andi %eq3A_333, %eq3A_335 : vector<512x16xi1>
      %jit3A_337 = arith.constant 0x7F800000 : f32
      %broadcast_in_dim3A_338 = vector.broadcast %jit3A_337 : f32 to vector<512x16xf32>
      %select_n3A_339 = arith.select %and3A_336, %broadcast_in_dim3A_338, %select_n3A_280 : vector<512x16xi1>, vector<512x16xf32>
      %eq3A_340 = vector.broadcast %min3A_296 : vector<512x1xf32> to vector<512x2048xf32>
      %eq3A_341 = arith.cmpf oeq, %select_n3A_289, %eq3A_340 : vector<512x2048xf32>
      %eq3A_342 = vector.broadcast %add3A_157 : vector<1x2048xi32> to vector<512x2048xi32>
      %eq3A_343 = vector.broadcast %min3A_315 : vector<512x1xi32> to vector<512x2048xi32>
      %eq3A_344 = arith.cmpi eq, %eq3A_342, %eq3A_343 : vector<512x2048xi32>
      %and3A_345 = arith.andi %eq3A_341, %eq3A_344 : vector<512x2048xi1>
      %jit3A_346 = arith.constant 0x7F800000 : f32
      %broadcast_in_dim3A_347 = vector.broadcast %jit3A_346 : f32 to vector<512x2048xf32>
      %select_n3A_348 = arith.select %and3A_345, %broadcast_in_dim3A_347, %select_n3A_289 : vector<512x2048xi1>, vector<512x2048xf32>
      %reduce_min3A_349 = arith.constant dense<0x7F800000> : vector<512xf32>
      %reduce_min3A_350 = vector.multi_reduction <minimumf>, %select_n3A_339, %reduce_min3A_349 [1] : vector<512x16xf32> to vector<512xf32>
      %broadcast_in_dim3A_351 = vector.shape_cast %reduce_min3A_350 : vector<512xf32> to vector<512x1xf32>
      %reduce_min3A_352 = arith.constant dense<0x7F800000> : vector<512xf32>
      %reduce_min3A_353 = vector.multi_reduction <minimumf>, %select_n3A_348, %reduce_min3A_352 [1] : vector<512x2048xf32> to vector<512xf32>
      %broadcast_in_dim3A_354 = vector.shape_cast %reduce_min3A_353 : vector<512xf32> to vector<512x1xf32>
      %min3A_355 = arith.minimumf %broadcast_in_dim3A_351, %broadcast_in_dim3A_354 : vector<512x1xf32>
      %eq3A_356 = vector.broadcast %min3A_355 : vector<512x1xf32> to vector<512x16xf32>
      %eq3A_357 = arith.cmpf oeq, %select_n3A_339, %eq3A_356 : vector<512x16xf32>
      %jit3A_358 = arith.constant 2147483647 : i32
      %broadcast_in_dim3A_359 = vector.broadcast %jit3A_358 : i32 to vector<512x16xi32>
      %select_n3A_360 = arith.select %eq3A_357, %while3A_133, %broadcast_in_dim3A_359 : vector<512x16xi1>, vector<512x16xi32>
      %reduce_min3A_361 = arith.constant dense<2147483647> : vector<512xi32>
      %reduce_min3A_362 = vector.multi_reduction <minsi>, %select_n3A_360, %reduce_min3A_361 [1] : vector<512x16xi32> to vector<512xi32>
      %broadcast_in_dim3A_363 = vector.shape_cast %reduce_min3A_362 : vector<512xi32> to vector<512x1xi32>
      %eq3A_364 = vector.broadcast %min3A_355 : vector<512x1xf32> to vector<512x2048xf32>
      %eq3A_365 = arith.cmpf oeq, %select_n3A_348, %eq3A_364 : vector<512x2048xf32>
      %jit3A_366 = arith.constant 2147483647 : i32
      %broadcast_in_dim3A_367 = vector.shape_cast %add3A_157 : vector<1x2048xi32> to vector<1x2048xi32>
      %broadcast_in_dim3A_368 = vector.broadcast %broadcast_in_dim3A_367 : vector<1x2048xi32> to vector<512x2048xi32>
      %broadcast_in_dim3A_369 = vector.broadcast %jit3A_366 : i32 to vector<512x2048xi32>
      %select_n3A_370 = arith.select %eq3A_365, %broadcast_in_dim3A_368, %broadcast_in_dim3A_369 : vector<512x2048xi1>, vector<512x2048xi32>
      %reduce_min3A_371 = arith.constant dense<2147483647> : vector<512xi32>
      %reduce_min3A_372 = vector.multi_reduction <minsi>, %select_n3A_370, %reduce_min3A_371 [1] : vector<512x2048xi32> to vector<512xi32>
      %broadcast_in_dim3A_373 = vector.shape_cast %reduce_min3A_372 : vector<512xi32> to vector<512x1xi32>
      %min3A_374 = arith.minsi %broadcast_in_dim3A_363, %broadcast_in_dim3A_373 : vector<512x1xi32>
      %eq3A_375 = arith.constant 3 : i32
      %eq3A_376 = vector.broadcast %eq3A_375 : i32 to vector<1x16xi32>
      %eq3A_377 = arith.cmpi eq, %iota3A_111, %eq3A_376 : vector<1x16xi32>
      %broadcast_in_dim3A_378 = vector.shape_cast %eq3A_377 : vector<1x16xi1> to vector<1x16xi1>
      %broadcast_in_dim3A_379 = vector.broadcast %broadcast_in_dim3A_378 : vector<1x16xi1> to vector<512x16xi1>
      %broadcast_in_dim3A_380 = vector.shape_cast %min3A_355 : vector<512x1xf32> to vector<512x1xf32>
      %broadcast_in_dim3A_381 = vector.broadcast %broadcast_in_dim3A_380 : vector<512x1xf32> to vector<512x16xf32>
      %select_n3A_382 = arith.select %broadcast_in_dim3A_379, %broadcast_in_dim3A_381, %select_n3A_323 : vector<512x16xi1>, vector<512x16xf32>
      %eq3A_383 = arith.constant 3 : i32
      %eq3A_384 = vector.broadcast %eq3A_383 : i32 to vector<1x16xi32>
      %eq3A_385 = arith.cmpi eq, %iota3A_111, %eq3A_384 : vector<1x16xi32>
      %broadcast_in_dim3A_386 = vector.shape_cast %eq3A_385 : vector<1x16xi1> to vector<1x16xi1>
      %broadcast_in_dim3A_387 = vector.broadcast %broadcast_in_dim3A_386 : vector<1x16xi1> to vector<512x16xi1>
      %broadcast_in_dim3A_388 = vector.shape_cast %min3A_374 : vector<512x1xi32> to vector<512x1xi32>
      %broadcast_in_dim3A_389 = vector.broadcast %broadcast_in_dim3A_388 : vector<512x1xi32> to vector<512x16xi32>
      %select_n3A_390 = arith.select %broadcast_in_dim3A_387, %broadcast_in_dim3A_389, %select_n3A_331 : vector<512x16xi1>, vector<512x16xi32>
      %eq3A_391 = vector.broadcast %min3A_355 : vector<512x1xf32> to vector<512x16xf32>
      %eq3A_392 = arith.cmpf oeq, %select_n3A_339, %eq3A_391 : vector<512x16xf32>
      %eq3A_393 = vector.broadcast %min3A_374 : vector<512x1xi32> to vector<512x16xi32>
      %eq3A_394 = arith.cmpi eq, %while3A_133, %eq3A_393 : vector<512x16xi32>
      %and3A_395 = arith.andi %eq3A_392, %eq3A_394 : vector<512x16xi1>
      %jit3A_396 = arith.constant 0x7F800000 : f32
      %broadcast_in_dim3A_397 = vector.broadcast %jit3A_396 : f32 to vector<512x16xf32>
      %select_n3A_398 = arith.select %and3A_395, %broadcast_in_dim3A_397, %select_n3A_339 : vector<512x16xi1>, vector<512x16xf32>
      %eq3A_399 = vector.broadcast %min3A_355 : vector<512x1xf32> to vector<512x2048xf32>
      %eq3A_400 = arith.cmpf oeq, %select_n3A_348, %eq3A_399 : vector<512x2048xf32>
      %eq3A_401 = vector.broadcast %add3A_157 : vector<1x2048xi32> to vector<512x2048xi32>
      %eq3A_402 = vector.broadcast %min3A_374 : vector<512x1xi32> to vector<512x2048xi32>
      %eq3A_403 = arith.cmpi eq, %eq3A_401, %eq3A_402 : vector<512x2048xi32>
      %and3A_404 = arith.andi %eq3A_400, %eq3A_403 : vector<512x2048xi1>
      %jit3A_405 = arith.constant 0x7F800000 : f32
      %broadcast_in_dim3A_406 = vector.broadcast %jit3A_405 : f32 to vector<512x2048xf32>
      %select_n3A_407 = arith.select %and3A_404, %broadcast_in_dim3A_406, %select_n3A_348 : vector<512x2048xi1>, vector<512x2048xf32>
      %reduce_min3A_408 = arith.constant dense<0x7F800000> : vector<512xf32>
      %reduce_min3A_409 = vector.multi_reduction <minimumf>, %select_n3A_398, %reduce_min3A_408 [1] : vector<512x16xf32> to vector<512xf32>
      %broadcast_in_dim3A_410 = vector.shape_cast %reduce_min3A_409 : vector<512xf32> to vector<512x1xf32>
      %reduce_min3A_411 = arith.constant dense<0x7F800000> : vector<512xf32>
      %reduce_min3A_412 = vector.multi_reduction <minimumf>, %select_n3A_407, %reduce_min3A_411 [1] : vector<512x2048xf32> to vector<512xf32>
      %broadcast_in_dim3A_413 = vector.shape_cast %reduce_min3A_412 : vector<512xf32> to vector<512x1xf32>
      %min3A_414 = arith.minimumf %broadcast_in_dim3A_410, %broadcast_in_dim3A_413 : vector<512x1xf32>
      %eq3A_415 = vector.broadcast %min3A_414 : vector<512x1xf32> to vector<512x16xf32>
      %eq3A_416 = arith.cmpf oeq, %select_n3A_398, %eq3A_415 : vector<512x16xf32>
      %jit3A_417 = arith.constant 2147483647 : i32
      %broadcast_in_dim3A_418 = vector.broadcast %jit3A_417 : i32 to vector<512x16xi32>
      %select_n3A_419 = arith.select %eq3A_416, %while3A_133, %broadcast_in_dim3A_418 : vector<512x16xi1>, vector<512x16xi32>
      %reduce_min3A_420 = arith.constant dense<2147483647> : vector<512xi32>
      %reduce_min3A_421 = vector.multi_reduction <minsi>, %select_n3A_419, %reduce_min3A_420 [1] : vector<512x16xi32> to vector<512xi32>
      %broadcast_in_dim3A_422 = vector.shape_cast %reduce_min3A_421 : vector<512xi32> to vector<512x1xi32>
      %eq3A_423 = vector.broadcast %min3A_414 : vector<512x1xf32> to vector<512x2048xf32>
      %eq3A_424 = arith.cmpf oeq, %select_n3A_407, %eq3A_423 : vector<512x2048xf32>
      %jit3A_425 = arith.constant 2147483647 : i32
      %broadcast_in_dim3A_426 = vector.shape_cast %add3A_157 : vector<1x2048xi32> to vector<1x2048xi32>
      %broadcast_in_dim3A_427 = vector.broadcast %broadcast_in_dim3A_426 : vector<1x2048xi32> to vector<512x2048xi32>
      %broadcast_in_dim3A_428 = vector.broadcast %jit3A_425 : i32 to vector<512x2048xi32>
      %select_n3A_429 = arith.select %eq3A_424, %broadcast_in_dim3A_427, %broadcast_in_dim3A_428 : vector<512x2048xi1>, vector<512x2048xi32>
      %reduce_min3A_430 = arith.constant dense<2147483647> : vector<512xi32>
      %reduce_min3A_431 = vector.multi_reduction <minsi>, %select_n3A_429, %reduce_min3A_430 [1] : vector<512x2048xi32> to vector<512xi32>
      %broadcast_in_dim3A_432 = vector.shape_cast %reduce_min3A_431 : vector<512xi32> to vector<512x1xi32>
      %min3A_433 = arith.minsi %broadcast_in_dim3A_422, %broadcast_in_dim3A_432 : vector<512x1xi32>
      %eq3A_434 = arith.constant 4 : i32
      %eq3A_435 = vector.broadcast %eq3A_434 : i32 to vector<1x16xi32>
      %eq3A_436 = arith.cmpi eq, %iota3A_111, %eq3A_435 : vector<1x16xi32>
      %broadcast_in_dim3A_437 = vector.shape_cast %eq3A_436 : vector<1x16xi1> to vector<1x16xi1>
      %broadcast_in_dim3A_438 = vector.broadcast %broadcast_in_dim3A_437 : vector<1x16xi1> to vector<512x16xi1>
      %broadcast_in_dim3A_439 = vector.shape_cast %min3A_414 : vector<512x1xf32> to vector<512x1xf32>
      %broadcast_in_dim3A_440 = vector.broadcast %broadcast_in_dim3A_439 : vector<512x1xf32> to vector<512x16xf32>
      %select_n3A_441 = arith.select %broadcast_in_dim3A_438, %broadcast_in_dim3A_440, %select_n3A_382 : vector<512x16xi1>, vector<512x16xf32>
      %eq3A_442 = arith.constant 4 : i32
      %eq3A_443 = vector.broadcast %eq3A_442 : i32 to vector<1x16xi32>
      %eq3A_444 = arith.cmpi eq, %iota3A_111, %eq3A_443 : vector<1x16xi32>
      %broadcast_in_dim3A_445 = vector.shape_cast %eq3A_444 : vector<1x16xi1> to vector<1x16xi1>
      %broadcast_in_dim3A_446 = vector.broadcast %broadcast_in_dim3A_445 : vector<1x16xi1> to vector<512x16xi1>
      %broadcast_in_dim3A_447 = vector.shape_cast %min3A_433 : vector<512x1xi32> to vector<512x1xi32>
      %broadcast_in_dim3A_448 = vector.broadcast %broadcast_in_dim3A_447 : vector<512x1xi32> to vector<512x16xi32>
      %select_n3A_449 = arith.select %broadcast_in_dim3A_446, %broadcast_in_dim3A_448, %select_n3A_390 : vector<512x16xi1>, vector<512x16xi32>
      %eq3A_450 = vector.broadcast %min3A_414 : vector<512x1xf32> to vector<512x16xf32>
      %eq3A_451 = arith.cmpf oeq, %select_n3A_398, %eq3A_450 : vector<512x16xf32>
      %eq3A_452 = vector.broadcast %min3A_433 : vector<512x1xi32> to vector<512x16xi32>
      %eq3A_453 = arith.cmpi eq, %while3A_133, %eq3A_452 : vector<512x16xi32>
      %and3A_454 = arith.andi %eq3A_451, %eq3A_453 : vector<512x16xi1>
      %jit3A_455 = arith.constant 0x7F800000 : f32
      %broadcast_in_dim3A_456 = vector.broadcast %jit3A_455 : f32 to vector<512x16xf32>
      %select_n3A_457 = arith.select %and3A_454, %broadcast_in_dim3A_456, %select_n3A_398 : vector<512x16xi1>, vector<512x16xf32>
      %eq3A_458 = vector.broadcast %min3A_414 : vector<512x1xf32> to vector<512x2048xf32>
      %eq3A_459 = arith.cmpf oeq, %select_n3A_407, %eq3A_458 : vector<512x2048xf32>
      %eq3A_460 = vector.broadcast %add3A_157 : vector<1x2048xi32> to vector<512x2048xi32>
      %eq3A_461 = vector.broadcast %min3A_433 : vector<512x1xi32> to vector<512x2048xi32>
      %eq3A_462 = arith.cmpi eq, %eq3A_460, %eq3A_461 : vector<512x2048xi32>
      %and3A_463 = arith.andi %eq3A_459, %eq3A_462 : vector<512x2048xi1>
      %jit3A_464 = arith.constant 0x7F800000 : f32
      %broadcast_in_dim3A_465 = vector.broadcast %jit3A_464 : f32 to vector<512x2048xf32>
      %select_n3A_466 = arith.select %and3A_463, %broadcast_in_dim3A_465, %select_n3A_407 : vector<512x2048xi1>, vector<512x2048xf32>
      %reduce_min3A_467 = arith.constant dense<0x7F800000> : vector<512xf32>
      %reduce_min3A_468 = vector.multi_reduction <minimumf>, %select_n3A_457, %reduce_min3A_467 [1] : vector<512x16xf32> to vector<512xf32>
      %broadcast_in_dim3A_469 = vector.shape_cast %reduce_min3A_468 : vector<512xf32> to vector<512x1xf32>
      %reduce_min3A_470 = arith.constant dense<0x7F800000> : vector<512xf32>
      %reduce_min3A_471 = vector.multi_reduction <minimumf>, %select_n3A_466, %reduce_min3A_470 [1] : vector<512x2048xf32> to vector<512xf32>
      %broadcast_in_dim3A_472 = vector.shape_cast %reduce_min3A_471 : vector<512xf32> to vector<512x1xf32>
      %min3A_473 = arith.minimumf %broadcast_in_dim3A_469, %broadcast_in_dim3A_472 : vector<512x1xf32>
      %eq3A_474 = vector.broadcast %min3A_473 : vector<512x1xf32> to vector<512x16xf32>
      %eq3A_475 = arith.cmpf oeq, %select_n3A_457, %eq3A_474 : vector<512x16xf32>
      %jit3A_476 = arith.constant 2147483647 : i32
      %broadcast_in_dim3A_477 = vector.broadcast %jit3A_476 : i32 to vector<512x16xi32>
      %select_n3A_478 = arith.select %eq3A_475, %while3A_133, %broadcast_in_dim3A_477 : vector<512x16xi1>, vector<512x16xi32>
      %reduce_min3A_479 = arith.constant dense<2147483647> : vector<512xi32>
      %reduce_min3A_480 = vector.multi_reduction <minsi>, %select_n3A_478, %reduce_min3A_479 [1] : vector<512x16xi32> to vector<512xi32>
      %broadcast_in_dim3A_481 = vector.shape_cast %reduce_min3A_480 : vector<512xi32> to vector<512x1xi32>
      %eq3A_482 = vector.broadcast %min3A_473 : vector<512x1xf32> to vector<512x2048xf32>
      %eq3A_483 = arith.cmpf oeq, %select_n3A_466, %eq3A_482 : vector<512x2048xf32>
      %jit3A_484 = arith.constant 2147483647 : i32
      %broadcast_in_dim3A_485 = vector.shape_cast %add3A_157 : vector<1x2048xi32> to vector<1x2048xi32>
      %broadcast_in_dim3A_486 = vector.broadcast %broadcast_in_dim3A_485 : vector<1x2048xi32> to vector<512x2048xi32>
      %broadcast_in_dim3A_487 = vector.broadcast %jit3A_484 : i32 to vector<512x2048xi32>
      %select_n3A_488 = arith.select %eq3A_483, %broadcast_in_dim3A_486, %broadcast_in_dim3A_487 : vector<512x2048xi1>, vector<512x2048xi32>
      %reduce_min3A_489 = arith.constant dense<2147483647> : vector<512xi32>
      %reduce_min3A_490 = vector.multi_reduction <minsi>, %select_n3A_488, %reduce_min3A_489 [1] : vector<512x2048xi32> to vector<512xi32>
      %broadcast_in_dim3A_491 = vector.shape_cast %reduce_min3A_490 : vector<512xi32> to vector<512x1xi32>
      %min3A_492 = arith.minsi %broadcast_in_dim3A_481, %broadcast_in_dim3A_491 : vector<512x1xi32>
      %eq3A_493 = arith.constant 5 : i32
      %eq3A_494 = vector.broadcast %eq3A_493 : i32 to vector<1x16xi32>
      %eq3A_495 = arith.cmpi eq, %iota3A_111, %eq3A_494 : vector<1x16xi32>
      %broadcast_in_dim3A_496 = vector.shape_cast %eq3A_495 : vector<1x16xi1> to vector<1x16xi1>
      %broadcast_in_dim3A_497 = vector.broadcast %broadcast_in_dim3A_496 : vector<1x16xi1> to vector<512x16xi1>
      %broadcast_in_dim3A_498 = vector.shape_cast %min3A_473 : vector<512x1xf32> to vector<512x1xf32>
      %broadcast_in_dim3A_499 = vector.broadcast %broadcast_in_dim3A_498 : vector<512x1xf32> to vector<512x16xf32>
      %select_n3A_500 = arith.select %broadcast_in_dim3A_497, %broadcast_in_dim3A_499, %select_n3A_441 : vector<512x16xi1>, vector<512x16xf32>
      %eq3A_501 = arith.constant 5 : i32
      %eq3A_502 = vector.broadcast %eq3A_501 : i32 to vector<1x16xi32>
      %eq3A_503 = arith.cmpi eq, %iota3A_111, %eq3A_502 : vector<1x16xi32>
      %broadcast_in_dim3A_504 = vector.shape_cast %eq3A_503 : vector<1x16xi1> to vector<1x16xi1>
      %broadcast_in_dim3A_505 = vector.broadcast %broadcast_in_dim3A_504 : vector<1x16xi1> to vector<512x16xi1>
      %broadcast_in_dim3A_506 = vector.shape_cast %min3A_492 : vector<512x1xi32> to vector<512x1xi32>
      %broadcast_in_dim3A_507 = vector.broadcast %broadcast_in_dim3A_506 : vector<512x1xi32> to vector<512x16xi32>
      %select_n3A_508 = arith.select %broadcast_in_dim3A_505, %broadcast_in_dim3A_507, %select_n3A_449 : vector<512x16xi1>, vector<512x16xi32>
      %eq3A_509 = vector.broadcast %min3A_473 : vector<512x1xf32> to vector<512x16xf32>
      %eq3A_510 = arith.cmpf oeq, %select_n3A_457, %eq3A_509 : vector<512x16xf32>
      %eq3A_511 = vector.broadcast %min3A_492 : vector<512x1xi32> to vector<512x16xi32>
      %eq3A_512 = arith.cmpi eq, %while3A_133, %eq3A_511 : vector<512x16xi32>
      %and3A_513 = arith.andi %eq3A_510, %eq3A_512 : vector<512x16xi1>
      %jit3A_514 = arith.constant 0x7F800000 : f32
      %broadcast_in_dim3A_515 = vector.broadcast %jit3A_514 : f32 to vector<512x16xf32>
      %select_n3A_516 = arith.select %and3A_513, %broadcast_in_dim3A_515, %select_n3A_457 : vector<512x16xi1>, vector<512x16xf32>
      %eq3A_517 = vector.broadcast %min3A_473 : vector<512x1xf32> to vector<512x2048xf32>
      %eq3A_518 = arith.cmpf oeq, %select_n3A_466, %eq3A_517 : vector<512x2048xf32>
      %eq3A_519 = vector.broadcast %add3A_157 : vector<1x2048xi32> to vector<512x2048xi32>
      %eq3A_520 = vector.broadcast %min3A_492 : vector<512x1xi32> to vector<512x2048xi32>
      %eq3A_521 = arith.cmpi eq, %eq3A_519, %eq3A_520 : vector<512x2048xi32>
      %and3A_522 = arith.andi %eq3A_518, %eq3A_521 : vector<512x2048xi1>
      %jit3A_523 = arith.constant 0x7F800000 : f32
      %broadcast_in_dim3A_524 = vector.broadcast %jit3A_523 : f32 to vector<512x2048xf32>
      %select_n3A_525 = arith.select %and3A_522, %broadcast_in_dim3A_524, %select_n3A_466 : vector<512x2048xi1>, vector<512x2048xf32>
      %reduce_min3A_526 = arith.constant dense<0x7F800000> : vector<512xf32>
      %reduce_min3A_527 = vector.multi_reduction <minimumf>, %select_n3A_516, %reduce_min3A_526 [1] : vector<512x16xf32> to vector<512xf32>
      %broadcast_in_dim3A_528 = vector.shape_cast %reduce_min3A_527 : vector<512xf32> to vector<512x1xf32>
      %reduce_min3A_529 = arith.constant dense<0x7F800000> : vector<512xf32>
      %reduce_min3A_530 = vector.multi_reduction <minimumf>, %select_n3A_525, %reduce_min3A_529 [1] : vector<512x2048xf32> to vector<512xf32>
      %broadcast_in_dim3A_531 = vector.shape_cast %reduce_min3A_530 : vector<512xf32> to vector<512x1xf32>
      %min3A_532 = arith.minimumf %broadcast_in_dim3A_528, %broadcast_in_dim3A_531 : vector<512x1xf32>
      %eq3A_533 = vector.broadcast %min3A_532 : vector<512x1xf32> to vector<512x16xf32>
      %eq3A_534 = arith.cmpf oeq, %select_n3A_516, %eq3A_533 : vector<512x16xf32>
      %jit3A_535 = arith.constant 2147483647 : i32
      %broadcast_in_dim3A_536 = vector.broadcast %jit3A_535 : i32 to vector<512x16xi32>
      %select_n3A_537 = arith.select %eq3A_534, %while3A_133, %broadcast_in_dim3A_536 : vector<512x16xi1>, vector<512x16xi32>
      %reduce_min3A_538 = arith.constant dense<2147483647> : vector<512xi32>
      %reduce_min3A_539 = vector.multi_reduction <minsi>, %select_n3A_537, %reduce_min3A_538 [1] : vector<512x16xi32> to vector<512xi32>
      %broadcast_in_dim3A_540 = vector.shape_cast %reduce_min3A_539 : vector<512xi32> to vector<512x1xi32>
      %eq3A_541 = vector.broadcast %min3A_532 : vector<512x1xf32> to vector<512x2048xf32>
      %eq3A_542 = arith.cmpf oeq, %select_n3A_525, %eq3A_541 : vector<512x2048xf32>
      %jit3A_543 = arith.constant 2147483647 : i32
      %broadcast_in_dim3A_544 = vector.shape_cast %add3A_157 : vector<1x2048xi32> to vector<1x2048xi32>
      %broadcast_in_dim3A_545 = vector.broadcast %broadcast_in_dim3A_544 : vector<1x2048xi32> to vector<512x2048xi32>
      %broadcast_in_dim3A_546 = vector.broadcast %jit3A_543 : i32 to vector<512x2048xi32>
      %select_n3A_547 = arith.select %eq3A_542, %broadcast_in_dim3A_545, %broadcast_in_dim3A_546 : vector<512x2048xi1>, vector<512x2048xi32>
      %reduce_min3A_548 = arith.constant dense<2147483647> : vector<512xi32>
      %reduce_min3A_549 = vector.multi_reduction <minsi>, %select_n3A_547, %reduce_min3A_548 [1] : vector<512x2048xi32> to vector<512xi32>
      %broadcast_in_dim3A_550 = vector.shape_cast %reduce_min3A_549 : vector<512xi32> to vector<512x1xi32>
      %min3A_551 = arith.minsi %broadcast_in_dim3A_540, %broadcast_in_dim3A_550 : vector<512x1xi32>
      %eq3A_552 = arith.constant 6 : i32
      %eq3A_553 = vector.broadcast %eq3A_552 : i32 to vector<1x16xi32>
      %eq3A_554 = arith.cmpi eq, %iota3A_111, %eq3A_553 : vector<1x16xi32>
      %broadcast_in_dim3A_555 = vector.shape_cast %eq3A_554 : vector<1x16xi1> to vector<1x16xi1>
      %broadcast_in_dim3A_556 = vector.broadcast %broadcast_in_dim3A_555 : vector<1x16xi1> to vector<512x16xi1>
      %broadcast_in_dim3A_557 = vector.shape_cast %min3A_532 : vector<512x1xf32> to vector<512x1xf32>
      %broadcast_in_dim3A_558 = vector.broadcast %broadcast_in_dim3A_557 : vector<512x1xf32> to vector<512x16xf32>
      %select_n3A_559 = arith.select %broadcast_in_dim3A_556, %broadcast_in_dim3A_558, %select_n3A_500 : vector<512x16xi1>, vector<512x16xf32>
      %eq3A_560 = arith.constant 6 : i32
      %eq3A_561 = vector.broadcast %eq3A_560 : i32 to vector<1x16xi32>
      %eq3A_562 = arith.cmpi eq, %iota3A_111, %eq3A_561 : vector<1x16xi32>
      %broadcast_in_dim3A_563 = vector.shape_cast %eq3A_562 : vector<1x16xi1> to vector<1x16xi1>
      %broadcast_in_dim3A_564 = vector.broadcast %broadcast_in_dim3A_563 : vector<1x16xi1> to vector<512x16xi1>
      %broadcast_in_dim3A_565 = vector.shape_cast %min3A_551 : vector<512x1xi32> to vector<512x1xi32>
      %broadcast_in_dim3A_566 = vector.broadcast %broadcast_in_dim3A_565 : vector<512x1xi32> to vector<512x16xi32>
      %select_n3A_567 = arith.select %broadcast_in_dim3A_564, %broadcast_in_dim3A_566, %select_n3A_508 : vector<512x16xi1>, vector<512x16xi32>
      %eq3A_568 = vector.broadcast %min3A_532 : vector<512x1xf32> to vector<512x16xf32>
      %eq3A_569 = arith.cmpf oeq, %select_n3A_516, %eq3A_568 : vector<512x16xf32>
      %eq3A_570 = vector.broadcast %min3A_551 : vector<512x1xi32> to vector<512x16xi32>
      %eq3A_571 = arith.cmpi eq, %while3A_133, %eq3A_570 : vector<512x16xi32>
      %and3A_572 = arith.andi %eq3A_569, %eq3A_571 : vector<512x16xi1>
      %jit3A_573 = arith.constant 0x7F800000 : f32
      %broadcast_in_dim3A_574 = vector.broadcast %jit3A_573 : f32 to vector<512x16xf32>
      %select_n3A_575 = arith.select %and3A_572, %broadcast_in_dim3A_574, %select_n3A_516 : vector<512x16xi1>, vector<512x16xf32>
      %eq3A_576 = vector.broadcast %min3A_532 : vector<512x1xf32> to vector<512x2048xf32>
      %eq3A_577 = arith.cmpf oeq, %select_n3A_525, %eq3A_576 : vector<512x2048xf32>
      %eq3A_578 = vector.broadcast %add3A_157 : vector<1x2048xi32> to vector<512x2048xi32>
      %eq3A_579 = vector.broadcast %min3A_551 : vector<512x1xi32> to vector<512x2048xi32>
      %eq3A_580 = arith.cmpi eq, %eq3A_578, %eq3A_579 : vector<512x2048xi32>
      %and3A_581 = arith.andi %eq3A_577, %eq3A_580 : vector<512x2048xi1>
      %jit3A_582 = arith.constant 0x7F800000 : f32
      %broadcast_in_dim3A_583 = vector.broadcast %jit3A_582 : f32 to vector<512x2048xf32>
      %select_n3A_584 = arith.select %and3A_581, %broadcast_in_dim3A_583, %select_n3A_525 : vector<512x2048xi1>, vector<512x2048xf32>
      %reduce_min3A_585 = arith.constant dense<0x7F800000> : vector<512xf32>
      %reduce_min3A_586 = vector.multi_reduction <minimumf>, %select_n3A_575, %reduce_min3A_585 [1] : vector<512x16xf32> to vector<512xf32>
      %broadcast_in_dim3A_587 = vector.shape_cast %reduce_min3A_586 : vector<512xf32> to vector<512x1xf32>
      %reduce_min3A_588 = arith.constant dense<0x7F800000> : vector<512xf32>
      %reduce_min3A_589 = vector.multi_reduction <minimumf>, %select_n3A_584, %reduce_min3A_588 [1] : vector<512x2048xf32> to vector<512xf32>
      %broadcast_in_dim3A_590 = vector.shape_cast %reduce_min3A_589 : vector<512xf32> to vector<512x1xf32>
      %min3A_591 = arith.minimumf %broadcast_in_dim3A_587, %broadcast_in_dim3A_590 : vector<512x1xf32>
      %eq3A_592 = vector.broadcast %min3A_591 : vector<512x1xf32> to vector<512x16xf32>
      %eq3A_593 = arith.cmpf oeq, %select_n3A_575, %eq3A_592 : vector<512x16xf32>
      %jit3A_594 = arith.constant 2147483647 : i32
      %broadcast_in_dim3A_595 = vector.broadcast %jit3A_594 : i32 to vector<512x16xi32>
      %select_n3A_596 = arith.select %eq3A_593, %while3A_133, %broadcast_in_dim3A_595 : vector<512x16xi1>, vector<512x16xi32>
      %reduce_min3A_597 = arith.constant dense<2147483647> : vector<512xi32>
      %reduce_min3A_598 = vector.multi_reduction <minsi>, %select_n3A_596, %reduce_min3A_597 [1] : vector<512x16xi32> to vector<512xi32>
      %broadcast_in_dim3A_599 = vector.shape_cast %reduce_min3A_598 : vector<512xi32> to vector<512x1xi32>
      %eq3A_600 = vector.broadcast %min3A_591 : vector<512x1xf32> to vector<512x2048xf32>
      %eq3A_601 = arith.cmpf oeq, %select_n3A_584, %eq3A_600 : vector<512x2048xf32>
      %jit3A_602 = arith.constant 2147483647 : i32
      %broadcast_in_dim3A_603 = vector.shape_cast %add3A_157 : vector<1x2048xi32> to vector<1x2048xi32>
      %broadcast_in_dim3A_604 = vector.broadcast %broadcast_in_dim3A_603 : vector<1x2048xi32> to vector<512x2048xi32>
      %broadcast_in_dim3A_605 = vector.broadcast %jit3A_602 : i32 to vector<512x2048xi32>
      %select_n3A_606 = arith.select %eq3A_601, %broadcast_in_dim3A_604, %broadcast_in_dim3A_605 : vector<512x2048xi1>, vector<512x2048xi32>
      %reduce_min3A_607 = arith.constant dense<2147483647> : vector<512xi32>
      %reduce_min3A_608 = vector.multi_reduction <minsi>, %select_n3A_606, %reduce_min3A_607 [1] : vector<512x2048xi32> to vector<512xi32>
      %broadcast_in_dim3A_609 = vector.shape_cast %reduce_min3A_608 : vector<512xi32> to vector<512x1xi32>
      %min3A_610 = arith.minsi %broadcast_in_dim3A_599, %broadcast_in_dim3A_609 : vector<512x1xi32>
      %eq3A_611 = arith.constant 7 : i32
      %eq3A_612 = vector.broadcast %eq3A_611 : i32 to vector<1x16xi32>
      %eq3A_613 = arith.cmpi eq, %iota3A_111, %eq3A_612 : vector<1x16xi32>
      %broadcast_in_dim3A_614 = vector.shape_cast %eq3A_613 : vector<1x16xi1> to vector<1x16xi1>
      %broadcast_in_dim3A_615 = vector.broadcast %broadcast_in_dim3A_614 : vector<1x16xi1> to vector<512x16xi1>
      %broadcast_in_dim3A_616 = vector.shape_cast %min3A_591 : vector<512x1xf32> to vector<512x1xf32>
      %broadcast_in_dim3A_617 = vector.broadcast %broadcast_in_dim3A_616 : vector<512x1xf32> to vector<512x16xf32>
      %select_n3A_618 = arith.select %broadcast_in_dim3A_615, %broadcast_in_dim3A_617, %select_n3A_559 : vector<512x16xi1>, vector<512x16xf32>
      %eq3A_619 = arith.constant 7 : i32
      %eq3A_620 = vector.broadcast %eq3A_619 : i32 to vector<1x16xi32>
      %eq3A_621 = arith.cmpi eq, %iota3A_111, %eq3A_620 : vector<1x16xi32>
      %broadcast_in_dim3A_622 = vector.shape_cast %eq3A_621 : vector<1x16xi1> to vector<1x16xi1>
      %broadcast_in_dim3A_623 = vector.broadcast %broadcast_in_dim3A_622 : vector<1x16xi1> to vector<512x16xi1>
      %broadcast_in_dim3A_624 = vector.shape_cast %min3A_610 : vector<512x1xi32> to vector<512x1xi32>
      %broadcast_in_dim3A_625 = vector.broadcast %broadcast_in_dim3A_624 : vector<512x1xi32> to vector<512x16xi32>
      %select_n3A_626 = arith.select %broadcast_in_dim3A_623, %broadcast_in_dim3A_625, %select_n3A_567 : vector<512x16xi1>, vector<512x16xi32>
      %eq3A_627 = vector.broadcast %min3A_591 : vector<512x1xf32> to vector<512x16xf32>
      %eq3A_628 = arith.cmpf oeq, %select_n3A_575, %eq3A_627 : vector<512x16xf32>
      %eq3A_629 = vector.broadcast %min3A_610 : vector<512x1xi32> to vector<512x16xi32>
      %eq3A_630 = arith.cmpi eq, %while3A_133, %eq3A_629 : vector<512x16xi32>
      %and3A_631 = arith.andi %eq3A_628, %eq3A_630 : vector<512x16xi1>
      %jit3A_632 = arith.constant 0x7F800000 : f32
      %broadcast_in_dim3A_633 = vector.broadcast %jit3A_632 : f32 to vector<512x16xf32>
      %select_n3A_634 = arith.select %and3A_631, %broadcast_in_dim3A_633, %select_n3A_575 : vector<512x16xi1>, vector<512x16xf32>
      %eq3A_635 = vector.broadcast %min3A_591 : vector<512x1xf32> to vector<512x2048xf32>
      %eq3A_636 = arith.cmpf oeq, %select_n3A_584, %eq3A_635 : vector<512x2048xf32>
      %eq3A_637 = vector.broadcast %add3A_157 : vector<1x2048xi32> to vector<512x2048xi32>
      %eq3A_638 = vector.broadcast %min3A_610 : vector<512x1xi32> to vector<512x2048xi32>
      %eq3A_639 = arith.cmpi eq, %eq3A_637, %eq3A_638 : vector<512x2048xi32>
      %and3A_640 = arith.andi %eq3A_636, %eq3A_639 : vector<512x2048xi1>
      %jit3A_641 = arith.constant 0x7F800000 : f32
      %broadcast_in_dim3A_642 = vector.broadcast %jit3A_641 : f32 to vector<512x2048xf32>
      %select_n3A_643 = arith.select %and3A_640, %broadcast_in_dim3A_642, %select_n3A_584 : vector<512x2048xi1>, vector<512x2048xf32>
      %reduce_min3A_644 = arith.constant dense<0x7F800000> : vector<512xf32>
      %reduce_min3A_645 = vector.multi_reduction <minimumf>, %select_n3A_634, %reduce_min3A_644 [1] : vector<512x16xf32> to vector<512xf32>
      %broadcast_in_dim3A_646 = vector.shape_cast %reduce_min3A_645 : vector<512xf32> to vector<512x1xf32>
      %reduce_min3A_647 = arith.constant dense<0x7F800000> : vector<512xf32>
      %reduce_min3A_648 = vector.multi_reduction <minimumf>, %select_n3A_643, %reduce_min3A_647 [1] : vector<512x2048xf32> to vector<512xf32>
      %broadcast_in_dim3A_649 = vector.shape_cast %reduce_min3A_648 : vector<512xf32> to vector<512x1xf32>
      %min3A_650 = arith.minimumf %broadcast_in_dim3A_646, %broadcast_in_dim3A_649 : vector<512x1xf32>
      %eq3A_651 = vector.broadcast %min3A_650 : vector<512x1xf32> to vector<512x16xf32>
      %eq3A_652 = arith.cmpf oeq, %select_n3A_634, %eq3A_651 : vector<512x16xf32>
      %jit3A_653 = arith.constant 2147483647 : i32
      %broadcast_in_dim3A_654 = vector.broadcast %jit3A_653 : i32 to vector<512x16xi32>
      %select_n3A_655 = arith.select %eq3A_652, %while3A_133, %broadcast_in_dim3A_654 : vector<512x16xi1>, vector<512x16xi32>
      %reduce_min3A_656 = arith.constant dense<2147483647> : vector<512xi32>
      %reduce_min3A_657 = vector.multi_reduction <minsi>, %select_n3A_655, %reduce_min3A_656 [1] : vector<512x16xi32> to vector<512xi32>
      %broadcast_in_dim3A_658 = vector.shape_cast %reduce_min3A_657 : vector<512xi32> to vector<512x1xi32>
      %eq3A_659 = vector.broadcast %min3A_650 : vector<512x1xf32> to vector<512x2048xf32>
      %eq3A_660 = arith.cmpf oeq, %select_n3A_643, %eq3A_659 : vector<512x2048xf32>
      %jit3A_661 = arith.constant 2147483647 : i32
      %broadcast_in_dim3A_662 = vector.shape_cast %add3A_157 : vector<1x2048xi32> to vector<1x2048xi32>
      %broadcast_in_dim3A_663 = vector.broadcast %broadcast_in_dim3A_662 : vector<1x2048xi32> to vector<512x2048xi32>
      %broadcast_in_dim3A_664 = vector.broadcast %jit3A_661 : i32 to vector<512x2048xi32>
      %select_n3A_665 = arith.select %eq3A_660, %broadcast_in_dim3A_663, %broadcast_in_dim3A_664 : vector<512x2048xi1>, vector<512x2048xi32>
      %reduce_min3A_666 = arith.constant dense<2147483647> : vector<512xi32>
      %reduce_min3A_667 = vector.multi_reduction <minsi>, %select_n3A_665, %reduce_min3A_666 [1] : vector<512x2048xi32> to vector<512xi32>
      %broadcast_in_dim3A_668 = vector.shape_cast %reduce_min3A_667 : vector<512xi32> to vector<512x1xi32>
      %min3A_669 = arith.minsi %broadcast_in_dim3A_658, %broadcast_in_dim3A_668 : vector<512x1xi32>
      %eq3A_670 = arith.constant 8 : i32
      %eq3A_671 = vector.broadcast %eq3A_670 : i32 to vector<1x16xi32>
      %eq3A_672 = arith.cmpi eq, %iota3A_111, %eq3A_671 : vector<1x16xi32>
      %broadcast_in_dim3A_673 = vector.shape_cast %eq3A_672 : vector<1x16xi1> to vector<1x16xi1>
      %broadcast_in_dim3A_674 = vector.broadcast %broadcast_in_dim3A_673 : vector<1x16xi1> to vector<512x16xi1>
      %broadcast_in_dim3A_675 = vector.shape_cast %min3A_650 : vector<512x1xf32> to vector<512x1xf32>
      %broadcast_in_dim3A_676 = vector.broadcast %broadcast_in_dim3A_675 : vector<512x1xf32> to vector<512x16xf32>
      %select_n3A_677 = arith.select %broadcast_in_dim3A_674, %broadcast_in_dim3A_676, %select_n3A_618 : vector<512x16xi1>, vector<512x16xf32>
      %eq3A_678 = arith.constant 8 : i32
      %eq3A_679 = vector.broadcast %eq3A_678 : i32 to vector<1x16xi32>
      %eq3A_680 = arith.cmpi eq, %iota3A_111, %eq3A_679 : vector<1x16xi32>
      %broadcast_in_dim3A_681 = vector.shape_cast %eq3A_680 : vector<1x16xi1> to vector<1x16xi1>
      %broadcast_in_dim3A_682 = vector.broadcast %broadcast_in_dim3A_681 : vector<1x16xi1> to vector<512x16xi1>
      %broadcast_in_dim3A_683 = vector.shape_cast %min3A_669 : vector<512x1xi32> to vector<512x1xi32>
      %broadcast_in_dim3A_684 = vector.broadcast %broadcast_in_dim3A_683 : vector<512x1xi32> to vector<512x16xi32>
      %select_n3A_685 = arith.select %broadcast_in_dim3A_682, %broadcast_in_dim3A_684, %select_n3A_626 : vector<512x16xi1>, vector<512x16xi32>
      %eq3A_686 = vector.broadcast %min3A_650 : vector<512x1xf32> to vector<512x16xf32>
      %eq3A_687 = arith.cmpf oeq, %select_n3A_634, %eq3A_686 : vector<512x16xf32>
      %eq3A_688 = vector.broadcast %min3A_669 : vector<512x1xi32> to vector<512x16xi32>
      %eq3A_689 = arith.cmpi eq, %while3A_133, %eq3A_688 : vector<512x16xi32>
      %and3A_690 = arith.andi %eq3A_687, %eq3A_689 : vector<512x16xi1>
      %jit3A_691 = arith.constant 0x7F800000 : f32
      %broadcast_in_dim3A_692 = vector.broadcast %jit3A_691 : f32 to vector<512x16xf32>
      %select_n3A_693 = arith.select %and3A_690, %broadcast_in_dim3A_692, %select_n3A_634 : vector<512x16xi1>, vector<512x16xf32>
      %eq3A_694 = vector.broadcast %min3A_650 : vector<512x1xf32> to vector<512x2048xf32>
      %eq3A_695 = arith.cmpf oeq, %select_n3A_643, %eq3A_694 : vector<512x2048xf32>
      %eq3A_696 = vector.broadcast %add3A_157 : vector<1x2048xi32> to vector<512x2048xi32>
      %eq3A_697 = vector.broadcast %min3A_669 : vector<512x1xi32> to vector<512x2048xi32>
      %eq3A_698 = arith.cmpi eq, %eq3A_696, %eq3A_697 : vector<512x2048xi32>
      %and3A_699 = arith.andi %eq3A_695, %eq3A_698 : vector<512x2048xi1>
      %jit3A_700 = arith.constant 0x7F800000 : f32
      %broadcast_in_dim3A_701 = vector.broadcast %jit3A_700 : f32 to vector<512x2048xf32>
      %select_n3A_702 = arith.select %and3A_699, %broadcast_in_dim3A_701, %select_n3A_643 : vector<512x2048xi1>, vector<512x2048xf32>
      %reduce_min3A_703 = arith.constant dense<0x7F800000> : vector<512xf32>
      %reduce_min3A_704 = vector.multi_reduction <minimumf>, %select_n3A_693, %reduce_min3A_703 [1] : vector<512x16xf32> to vector<512xf32>
      %broadcast_in_dim3A_705 = vector.shape_cast %reduce_min3A_704 : vector<512xf32> to vector<512x1xf32>
      %reduce_min3A_706 = arith.constant dense<0x7F800000> : vector<512xf32>
      %reduce_min3A_707 = vector.multi_reduction <minimumf>, %select_n3A_702, %reduce_min3A_706 [1] : vector<512x2048xf32> to vector<512xf32>
      %broadcast_in_dim3A_708 = vector.shape_cast %reduce_min3A_707 : vector<512xf32> to vector<512x1xf32>
      %min3A_709 = arith.minimumf %broadcast_in_dim3A_705, %broadcast_in_dim3A_708 : vector<512x1xf32>
      %eq3A_710 = vector.broadcast %min3A_709 : vector<512x1xf32> to vector<512x16xf32>
      %eq3A_711 = arith.cmpf oeq, %select_n3A_693, %eq3A_710 : vector<512x16xf32>
      %jit3A_712 = arith.constant 2147483647 : i32
      %broadcast_in_dim3A_713 = vector.broadcast %jit3A_712 : i32 to vector<512x16xi32>
      %select_n3A_714 = arith.select %eq3A_711, %while3A_133, %broadcast_in_dim3A_713 : vector<512x16xi1>, vector<512x16xi32>
      %reduce_min3A_715 = arith.constant dense<2147483647> : vector<512xi32>
      %reduce_min3A_716 = vector.multi_reduction <minsi>, %select_n3A_714, %reduce_min3A_715 [1] : vector<512x16xi32> to vector<512xi32>
      %broadcast_in_dim3A_717 = vector.shape_cast %reduce_min3A_716 : vector<512xi32> to vector<512x1xi32>
      %eq3A_718 = vector.broadcast %min3A_709 : vector<512x1xf32> to vector<512x2048xf32>
      %eq3A_719 = arith.cmpf oeq, %select_n3A_702, %eq3A_718 : vector<512x2048xf32>
      %jit3A_720 = arith.constant 2147483647 : i32
      %broadcast_in_dim3A_721 = vector.shape_cast %add3A_157 : vector<1x2048xi32> to vector<1x2048xi32>
      %broadcast_in_dim3A_722 = vector.broadcast %broadcast_in_dim3A_721 : vector<1x2048xi32> to vector<512x2048xi32>
      %broadcast_in_dim3A_723 = vector.broadcast %jit3A_720 : i32 to vector<512x2048xi32>
      %select_n3A_724 = arith.select %eq3A_719, %broadcast_in_dim3A_722, %broadcast_in_dim3A_723 : vector<512x2048xi1>, vector<512x2048xi32>
      %reduce_min3A_725 = arith.constant dense<2147483647> : vector<512xi32>
      %reduce_min3A_726 = vector.multi_reduction <minsi>, %select_n3A_724, %reduce_min3A_725 [1] : vector<512x2048xi32> to vector<512xi32>
      %broadcast_in_dim3A_727 = vector.shape_cast %reduce_min3A_726 : vector<512xi32> to vector<512x1xi32>
      %min3A_728 = arith.minsi %broadcast_in_dim3A_717, %broadcast_in_dim3A_727 : vector<512x1xi32>
      %eq3A_729 = arith.constant 9 : i32
      %eq3A_730 = vector.broadcast %eq3A_729 : i32 to vector<1x16xi32>
      %eq3A_731 = arith.cmpi eq, %iota3A_111, %eq3A_730 : vector<1x16xi32>
      %broadcast_in_dim3A_732 = vector.shape_cast %eq3A_731 : vector<1x16xi1> to vector<1x16xi1>
      %broadcast_in_dim3A_733 = vector.broadcast %broadcast_in_dim3A_732 : vector<1x16xi1> to vector<512x16xi1>
      %broadcast_in_dim3A_734 = vector.shape_cast %min3A_709 : vector<512x1xf32> to vector<512x1xf32>
      %broadcast_in_dim3A_735 = vector.broadcast %broadcast_in_dim3A_734 : vector<512x1xf32> to vector<512x16xf32>
      %select_n3A_736 = arith.select %broadcast_in_dim3A_733, %broadcast_in_dim3A_735, %select_n3A_677 : vector<512x16xi1>, vector<512x16xf32>
      %eq3A_737 = arith.constant 9 : i32
      %eq3A_738 = vector.broadcast %eq3A_737 : i32 to vector<1x16xi32>
      %eq3A_739 = arith.cmpi eq, %iota3A_111, %eq3A_738 : vector<1x16xi32>
      %broadcast_in_dim3A_740 = vector.shape_cast %eq3A_739 : vector<1x16xi1> to vector<1x16xi1>
      %broadcast_in_dim3A_741 = vector.broadcast %broadcast_in_dim3A_740 : vector<1x16xi1> to vector<512x16xi1>
      %broadcast_in_dim3A_742 = vector.shape_cast %min3A_728 : vector<512x1xi32> to vector<512x1xi32>
      %broadcast_in_dim3A_743 = vector.broadcast %broadcast_in_dim3A_742 : vector<512x1xi32> to vector<512x16xi32>
      %select_n3A_744 = arith.select %broadcast_in_dim3A_741, %broadcast_in_dim3A_743, %select_n3A_685 : vector<512x16xi1>, vector<512x16xi32>
      %eq3A_745 = vector.broadcast %min3A_709 : vector<512x1xf32> to vector<512x16xf32>
      %eq3A_746 = arith.cmpf oeq, %select_n3A_693, %eq3A_745 : vector<512x16xf32>
      %eq3A_747 = vector.broadcast %min3A_728 : vector<512x1xi32> to vector<512x16xi32>
      %eq3A_748 = arith.cmpi eq, %while3A_133, %eq3A_747 : vector<512x16xi32>
      %and3A_749 = arith.andi %eq3A_746, %eq3A_748 : vector<512x16xi1>
      %jit3A_750 = arith.constant 0x7F800000 : f32
      %broadcast_in_dim3A_751 = vector.broadcast %jit3A_750 : f32 to vector<512x16xf32>
      %select_n3A_752 = arith.select %and3A_749, %broadcast_in_dim3A_751, %select_n3A_693 : vector<512x16xi1>, vector<512x16xf32>
      %eq3A_753 = vector.broadcast %min3A_709 : vector<512x1xf32> to vector<512x2048xf32>
      %eq3A_754 = arith.cmpf oeq, %select_n3A_702, %eq3A_753 : vector<512x2048xf32>
      %eq3A_755 = vector.broadcast %add3A_157 : vector<1x2048xi32> to vector<512x2048xi32>
      %eq3A_756 = vector.broadcast %min3A_728 : vector<512x1xi32> to vector<512x2048xi32>
      %eq3A_757 = arith.cmpi eq, %eq3A_755, %eq3A_756 : vector<512x2048xi32>
      %and3A_758 = arith.andi %eq3A_754, %eq3A_757 : vector<512x2048xi1>
      %jit3A_759 = arith.constant 0x7F800000 : f32
      %broadcast_in_dim3A_760 = vector.broadcast %jit3A_759 : f32 to vector<512x2048xf32>
      %select_n3A_761 = arith.select %and3A_758, %broadcast_in_dim3A_760, %select_n3A_702 : vector<512x2048xi1>, vector<512x2048xf32>
      %reduce_min3A_762 = arith.constant dense<0x7F800000> : vector<512xf32>
      %reduce_min3A_763 = vector.multi_reduction <minimumf>, %select_n3A_752, %reduce_min3A_762 [1] : vector<512x16xf32> to vector<512xf32>
      %broadcast_in_dim3A_764 = vector.shape_cast %reduce_min3A_763 : vector<512xf32> to vector<512x1xf32>
      %reduce_min3A_765 = arith.constant dense<0x7F800000> : vector<512xf32>
      %reduce_min3A_766 = vector.multi_reduction <minimumf>, %select_n3A_761, %reduce_min3A_765 [1] : vector<512x2048xf32> to vector<512xf32>
      %broadcast_in_dim3A_767 = vector.shape_cast %reduce_min3A_766 : vector<512xf32> to vector<512x1xf32>
      %min3A_768 = arith.minimumf %broadcast_in_dim3A_764, %broadcast_in_dim3A_767 : vector<512x1xf32>
      %eq3A_769 = vector.broadcast %min3A_768 : vector<512x1xf32> to vector<512x16xf32>
      %eq3A_770 = arith.cmpf oeq, %select_n3A_752, %eq3A_769 : vector<512x16xf32>
      %jit3A_771 = arith.constant 2147483647 : i32
      %broadcast_in_dim3A_772 = vector.broadcast %jit3A_771 : i32 to vector<512x16xi32>
      %select_n3A_773 = arith.select %eq3A_770, %while3A_133, %broadcast_in_dim3A_772 : vector<512x16xi1>, vector<512x16xi32>
      %reduce_min3A_774 = arith.constant dense<2147483647> : vector<512xi32>
      %reduce_min3A_775 = vector.multi_reduction <minsi>, %select_n3A_773, %reduce_min3A_774 [1] : vector<512x16xi32> to vector<512xi32>
      %broadcast_in_dim3A_776 = vector.shape_cast %reduce_min3A_775 : vector<512xi32> to vector<512x1xi32>
      %eq3A_777 = vector.broadcast %min3A_768 : vector<512x1xf32> to vector<512x2048xf32>
      %eq3A_778 = arith.cmpf oeq, %select_n3A_761, %eq3A_777 : vector<512x2048xf32>
      %jit3A_779 = arith.constant 2147483647 : i32
      %broadcast_in_dim3A_780 = vector.shape_cast %add3A_157 : vector<1x2048xi32> to vector<1x2048xi32>
      %broadcast_in_dim3A_781 = vector.broadcast %broadcast_in_dim3A_780 : vector<1x2048xi32> to vector<512x2048xi32>
      %broadcast_in_dim3A_782 = vector.broadcast %jit3A_779 : i32 to vector<512x2048xi32>
      %select_n3A_783 = arith.select %eq3A_778, %broadcast_in_dim3A_781, %broadcast_in_dim3A_782 : vector<512x2048xi1>, vector<512x2048xi32>
      %reduce_min3A_784 = arith.constant dense<2147483647> : vector<512xi32>
      %reduce_min3A_785 = vector.multi_reduction <minsi>, %select_n3A_783, %reduce_min3A_784 [1] : vector<512x2048xi32> to vector<512xi32>
      %broadcast_in_dim3A_786 = vector.shape_cast %reduce_min3A_785 : vector<512xi32> to vector<512x1xi32>
      %min3A_787 = arith.minsi %broadcast_in_dim3A_776, %broadcast_in_dim3A_786 : vector<512x1xi32>
      %eq3A_788 = arith.constant 10 : i32
      %eq3A_789 = vector.broadcast %eq3A_788 : i32 to vector<1x16xi32>
      %eq3A_790 = arith.cmpi eq, %iota3A_111, %eq3A_789 : vector<1x16xi32>
      %broadcast_in_dim3A_791 = vector.shape_cast %eq3A_790 : vector<1x16xi1> to vector<1x16xi1>
      %broadcast_in_dim3A_792 = vector.broadcast %broadcast_in_dim3A_791 : vector<1x16xi1> to vector<512x16xi1>
      %broadcast_in_dim3A_793 = vector.shape_cast %min3A_768 : vector<512x1xf32> to vector<512x1xf32>
      %broadcast_in_dim3A_794 = vector.broadcast %broadcast_in_dim3A_793 : vector<512x1xf32> to vector<512x16xf32>
      %select_n3A_795 = arith.select %broadcast_in_dim3A_792, %broadcast_in_dim3A_794, %select_n3A_736 : vector<512x16xi1>, vector<512x16xf32>
      %eq3A_796 = arith.constant 10 : i32
      %eq3A_797 = vector.broadcast %eq3A_796 : i32 to vector<1x16xi32>
      %eq3A_798 = arith.cmpi eq, %iota3A_111, %eq3A_797 : vector<1x16xi32>
      %broadcast_in_dim3A_799 = vector.shape_cast %eq3A_798 : vector<1x16xi1> to vector<1x16xi1>
      %broadcast_in_dim3A_800 = vector.broadcast %broadcast_in_dim3A_799 : vector<1x16xi1> to vector<512x16xi1>
      %broadcast_in_dim3A_801 = vector.shape_cast %min3A_787 : vector<512x1xi32> to vector<512x1xi32>
      %broadcast_in_dim3A_802 = vector.broadcast %broadcast_in_dim3A_801 : vector<512x1xi32> to vector<512x16xi32>
      %select_n3A_803 = arith.select %broadcast_in_dim3A_800, %broadcast_in_dim3A_802, %select_n3A_744 : vector<512x16xi1>, vector<512x16xi32>
      %eq3A_804 = vector.broadcast %min3A_768 : vector<512x1xf32> to vector<512x16xf32>
      %eq3A_805 = arith.cmpf oeq, %select_n3A_752, %eq3A_804 : vector<512x16xf32>
      %eq3A_806 = vector.broadcast %min3A_787 : vector<512x1xi32> to vector<512x16xi32>
      %eq3A_807 = arith.cmpi eq, %while3A_133, %eq3A_806 : vector<512x16xi32>
      %and3A_808 = arith.andi %eq3A_805, %eq3A_807 : vector<512x16xi1>
      %jit3A_809 = arith.constant 0x7F800000 : f32
      %broadcast_in_dim3A_810 = vector.broadcast %jit3A_809 : f32 to vector<512x16xf32>
      %select_n3A_811 = arith.select %and3A_808, %broadcast_in_dim3A_810, %select_n3A_752 : vector<512x16xi1>, vector<512x16xf32>
      %eq3A_812 = vector.broadcast %min3A_768 : vector<512x1xf32> to vector<512x2048xf32>
      %eq3A_813 = arith.cmpf oeq, %select_n3A_761, %eq3A_812 : vector<512x2048xf32>
      %eq3A_814 = vector.broadcast %add3A_157 : vector<1x2048xi32> to vector<512x2048xi32>
      %eq3A_815 = vector.broadcast %min3A_787 : vector<512x1xi32> to vector<512x2048xi32>
      %eq3A_816 = arith.cmpi eq, %eq3A_814, %eq3A_815 : vector<512x2048xi32>
      %and3A_817 = arith.andi %eq3A_813, %eq3A_816 : vector<512x2048xi1>
      %jit3A_818 = arith.constant 0x7F800000 : f32
      %broadcast_in_dim3A_819 = vector.broadcast %jit3A_818 : f32 to vector<512x2048xf32>
      %select_n3A_820 = arith.select %and3A_817, %broadcast_in_dim3A_819, %select_n3A_761 : vector<512x2048xi1>, vector<512x2048xf32>
      %reduce_min3A_821 = arith.constant dense<0x7F800000> : vector<512xf32>
      %reduce_min3A_822 = vector.multi_reduction <minimumf>, %select_n3A_811, %reduce_min3A_821 [1] : vector<512x16xf32> to vector<512xf32>
      %broadcast_in_dim3A_823 = vector.shape_cast %reduce_min3A_822 : vector<512xf32> to vector<512x1xf32>
      %reduce_min3A_824 = arith.constant dense<0x7F800000> : vector<512xf32>
      %reduce_min3A_825 = vector.multi_reduction <minimumf>, %select_n3A_820, %reduce_min3A_824 [1] : vector<512x2048xf32> to vector<512xf32>
      %broadcast_in_dim3A_826 = vector.shape_cast %reduce_min3A_825 : vector<512xf32> to vector<512x1xf32>
      %min3A_827 = arith.minimumf %broadcast_in_dim3A_823, %broadcast_in_dim3A_826 : vector<512x1xf32>
      %eq3A_828 = vector.broadcast %min3A_827 : vector<512x1xf32> to vector<512x16xf32>
      %eq3A_829 = arith.cmpf oeq, %select_n3A_811, %eq3A_828 : vector<512x16xf32>
      %jit3A_830 = arith.constant 2147483647 : i32
      %broadcast_in_dim3A_831 = vector.broadcast %jit3A_830 : i32 to vector<512x16xi32>
      %select_n3A_832 = arith.select %eq3A_829, %while3A_133, %broadcast_in_dim3A_831 : vector<512x16xi1>, vector<512x16xi32>
      %reduce_min3A_833 = arith.constant dense<2147483647> : vector<512xi32>
      %reduce_min3A_834 = vector.multi_reduction <minsi>, %select_n3A_832, %reduce_min3A_833 [1] : vector<512x16xi32> to vector<512xi32>
      %broadcast_in_dim3A_835 = vector.shape_cast %reduce_min3A_834 : vector<512xi32> to vector<512x1xi32>
      %eq3A_836 = vector.broadcast %min3A_827 : vector<512x1xf32> to vector<512x2048xf32>
      %eq3A_837 = arith.cmpf oeq, %select_n3A_820, %eq3A_836 : vector<512x2048xf32>
      %jit3A_838 = arith.constant 2147483647 : i32
      %broadcast_in_dim3A_839 = vector.shape_cast %add3A_157 : vector<1x2048xi32> to vector<1x2048xi32>
      %broadcast_in_dim3A_840 = vector.broadcast %broadcast_in_dim3A_839 : vector<1x2048xi32> to vector<512x2048xi32>
      %broadcast_in_dim3A_841 = vector.broadcast %jit3A_838 : i32 to vector<512x2048xi32>
      %select_n3A_842 = arith.select %eq3A_837, %broadcast_in_dim3A_840, %broadcast_in_dim3A_841 : vector<512x2048xi1>, vector<512x2048xi32>
      %reduce_min3A_843 = arith.constant dense<2147483647> : vector<512xi32>
      %reduce_min3A_844 = vector.multi_reduction <minsi>, %select_n3A_842, %reduce_min3A_843 [1] : vector<512x2048xi32> to vector<512xi32>
      %broadcast_in_dim3A_845 = vector.shape_cast %reduce_min3A_844 : vector<512xi32> to vector<512x1xi32>
      %min3A_846 = arith.minsi %broadcast_in_dim3A_835, %broadcast_in_dim3A_845 : vector<512x1xi32>
      %eq3A_847 = arith.constant 11 : i32
      %eq3A_848 = vector.broadcast %eq3A_847 : i32 to vector<1x16xi32>
      %eq3A_849 = arith.cmpi eq, %iota3A_111, %eq3A_848 : vector<1x16xi32>
      %broadcast_in_dim3A_850 = vector.shape_cast %eq3A_849 : vector<1x16xi1> to vector<1x16xi1>
      %broadcast_in_dim3A_851 = vector.broadcast %broadcast_in_dim3A_850 : vector<1x16xi1> to vector<512x16xi1>
      %broadcast_in_dim3A_852 = vector.shape_cast %min3A_827 : vector<512x1xf32> to vector<512x1xf32>
      %broadcast_in_dim3A_853 = vector.broadcast %broadcast_in_dim3A_852 : vector<512x1xf32> to vector<512x16xf32>
      %select_n3A_854 = arith.select %broadcast_in_dim3A_851, %broadcast_in_dim3A_853, %select_n3A_795 : vector<512x16xi1>, vector<512x16xf32>
      %eq3A_855 = arith.constant 11 : i32
      %eq3A_856 = vector.broadcast %eq3A_855 : i32 to vector<1x16xi32>
      %eq3A_857 = arith.cmpi eq, %iota3A_111, %eq3A_856 : vector<1x16xi32>
      %broadcast_in_dim3A_858 = vector.shape_cast %eq3A_857 : vector<1x16xi1> to vector<1x16xi1>
      %broadcast_in_dim3A_859 = vector.broadcast %broadcast_in_dim3A_858 : vector<1x16xi1> to vector<512x16xi1>
      %broadcast_in_dim3A_860 = vector.shape_cast %min3A_846 : vector<512x1xi32> to vector<512x1xi32>
      %broadcast_in_dim3A_861 = vector.broadcast %broadcast_in_dim3A_860 : vector<512x1xi32> to vector<512x16xi32>
      %select_n3A_862 = arith.select %broadcast_in_dim3A_859, %broadcast_in_dim3A_861, %select_n3A_803 : vector<512x16xi1>, vector<512x16xi32>
      %eq3A_863 = vector.broadcast %min3A_827 : vector<512x1xf32> to vector<512x16xf32>
      %eq3A_864 = arith.cmpf oeq, %select_n3A_811, %eq3A_863 : vector<512x16xf32>
      %eq3A_865 = vector.broadcast %min3A_846 : vector<512x1xi32> to vector<512x16xi32>
      %eq3A_866 = arith.cmpi eq, %while3A_133, %eq3A_865 : vector<512x16xi32>
      %and3A_867 = arith.andi %eq3A_864, %eq3A_866 : vector<512x16xi1>
      %jit3A_868 = arith.constant 0x7F800000 : f32
      %broadcast_in_dim3A_869 = vector.broadcast %jit3A_868 : f32 to vector<512x16xf32>
      %select_n3A_870 = arith.select %and3A_867, %broadcast_in_dim3A_869, %select_n3A_811 : vector<512x16xi1>, vector<512x16xf32>
      %eq3A_871 = vector.broadcast %min3A_827 : vector<512x1xf32> to vector<512x2048xf32>
      %eq3A_872 = arith.cmpf oeq, %select_n3A_820, %eq3A_871 : vector<512x2048xf32>
      %eq3A_873 = vector.broadcast %add3A_157 : vector<1x2048xi32> to vector<512x2048xi32>
      %eq3A_874 = vector.broadcast %min3A_846 : vector<512x1xi32> to vector<512x2048xi32>
      %eq3A_875 = arith.cmpi eq, %eq3A_873, %eq3A_874 : vector<512x2048xi32>
      %and3A_876 = arith.andi %eq3A_872, %eq3A_875 : vector<512x2048xi1>
      %jit3A_877 = arith.constant 0x7F800000 : f32
      %broadcast_in_dim3A_878 = vector.broadcast %jit3A_877 : f32 to vector<512x2048xf32>
      %select_n3A_879 = arith.select %and3A_876, %broadcast_in_dim3A_878, %select_n3A_820 : vector<512x2048xi1>, vector<512x2048xf32>
      %reduce_min3A_880 = arith.constant dense<0x7F800000> : vector<512xf32>
      %reduce_min3A_881 = vector.multi_reduction <minimumf>, %select_n3A_870, %reduce_min3A_880 [1] : vector<512x16xf32> to vector<512xf32>
      %broadcast_in_dim3A_882 = vector.shape_cast %reduce_min3A_881 : vector<512xf32> to vector<512x1xf32>
      %reduce_min3A_883 = arith.constant dense<0x7F800000> : vector<512xf32>
      %reduce_min3A_884 = vector.multi_reduction <minimumf>, %select_n3A_879, %reduce_min3A_883 [1] : vector<512x2048xf32> to vector<512xf32>
      %broadcast_in_dim3A_885 = vector.shape_cast %reduce_min3A_884 : vector<512xf32> to vector<512x1xf32>
      %min3A_886 = arith.minimumf %broadcast_in_dim3A_882, %broadcast_in_dim3A_885 : vector<512x1xf32>
      %eq3A_887 = vector.broadcast %min3A_886 : vector<512x1xf32> to vector<512x16xf32>
      %eq3A_888 = arith.cmpf oeq, %select_n3A_870, %eq3A_887 : vector<512x16xf32>
      %jit3A_889 = arith.constant 2147483647 : i32
      %broadcast_in_dim3A_890 = vector.broadcast %jit3A_889 : i32 to vector<512x16xi32>
      %select_n3A_891 = arith.select %eq3A_888, %while3A_133, %broadcast_in_dim3A_890 : vector<512x16xi1>, vector<512x16xi32>
      %reduce_min3A_892 = arith.constant dense<2147483647> : vector<512xi32>
      %reduce_min3A_893 = vector.multi_reduction <minsi>, %select_n3A_891, %reduce_min3A_892 [1] : vector<512x16xi32> to vector<512xi32>
      %broadcast_in_dim3A_894 = vector.shape_cast %reduce_min3A_893 : vector<512xi32> to vector<512x1xi32>
      %eq3A_895 = vector.broadcast %min3A_886 : vector<512x1xf32> to vector<512x2048xf32>
      %eq3A_896 = arith.cmpf oeq, %select_n3A_879, %eq3A_895 : vector<512x2048xf32>
      %jit3A_897 = arith.constant 2147483647 : i32
      %broadcast_in_dim3A_898 = vector.shape_cast %add3A_157 : vector<1x2048xi32> to vector<1x2048xi32>
      %broadcast_in_dim3A_899 = vector.broadcast %broadcast_in_dim3A_898 : vector<1x2048xi32> to vector<512x2048xi32>
      %broadcast_in_dim3A_900 = vector.broadcast %jit3A_897 : i32 to vector<512x2048xi32>
      %select_n3A_901 = arith.select %eq3A_896, %broadcast_in_dim3A_899, %broadcast_in_dim3A_900 : vector<512x2048xi1>, vector<512x2048xi32>
      %reduce_min3A_902 = arith.constant dense<2147483647> : vector<512xi32>
      %reduce_min3A_903 = vector.multi_reduction <minsi>, %select_n3A_901, %reduce_min3A_902 [1] : vector<512x2048xi32> to vector<512xi32>
      %broadcast_in_dim3A_904 = vector.shape_cast %reduce_min3A_903 : vector<512xi32> to vector<512x1xi32>
      %min3A_905 = arith.minsi %broadcast_in_dim3A_894, %broadcast_in_dim3A_904 : vector<512x1xi32>
      %eq3A_906 = arith.constant 12 : i32
      %eq3A_907 = vector.broadcast %eq3A_906 : i32 to vector<1x16xi32>
      %eq3A_908 = arith.cmpi eq, %iota3A_111, %eq3A_907 : vector<1x16xi32>
      %broadcast_in_dim3A_909 = vector.shape_cast %eq3A_908 : vector<1x16xi1> to vector<1x16xi1>
      %broadcast_in_dim3A_910 = vector.broadcast %broadcast_in_dim3A_909 : vector<1x16xi1> to vector<512x16xi1>
      %broadcast_in_dim3A_911 = vector.shape_cast %min3A_886 : vector<512x1xf32> to vector<512x1xf32>
      %broadcast_in_dim3A_912 = vector.broadcast %broadcast_in_dim3A_911 : vector<512x1xf32> to vector<512x16xf32>
      %select_n3A_913 = arith.select %broadcast_in_dim3A_910, %broadcast_in_dim3A_912, %select_n3A_854 : vector<512x16xi1>, vector<512x16xf32>
      %eq3A_914 = arith.constant 12 : i32
      %eq3A_915 = vector.broadcast %eq3A_914 : i32 to vector<1x16xi32>
      %eq3A_916 = arith.cmpi eq, %iota3A_111, %eq3A_915 : vector<1x16xi32>
      %broadcast_in_dim3A_917 = vector.shape_cast %eq3A_916 : vector<1x16xi1> to vector<1x16xi1>
      %broadcast_in_dim3A_918 = vector.broadcast %broadcast_in_dim3A_917 : vector<1x16xi1> to vector<512x16xi1>
      %broadcast_in_dim3A_919 = vector.shape_cast %min3A_905 : vector<512x1xi32> to vector<512x1xi32>
      %broadcast_in_dim3A_920 = vector.broadcast %broadcast_in_dim3A_919 : vector<512x1xi32> to vector<512x16xi32>
      %select_n3A_921 = arith.select %broadcast_in_dim3A_918, %broadcast_in_dim3A_920, %select_n3A_862 : vector<512x16xi1>, vector<512x16xi32>
      %eq3A_922 = vector.broadcast %min3A_886 : vector<512x1xf32> to vector<512x16xf32>
      %eq3A_923 = arith.cmpf oeq, %select_n3A_870, %eq3A_922 : vector<512x16xf32>
      %eq3A_924 = vector.broadcast %min3A_905 : vector<512x1xi32> to vector<512x16xi32>
      %eq3A_925 = arith.cmpi eq, %while3A_133, %eq3A_924 : vector<512x16xi32>
      %and3A_926 = arith.andi %eq3A_923, %eq3A_925 : vector<512x16xi1>
      %jit3A_927 = arith.constant 0x7F800000 : f32
      %broadcast_in_dim3A_928 = vector.broadcast %jit3A_927 : f32 to vector<512x16xf32>
      %select_n3A_929 = arith.select %and3A_926, %broadcast_in_dim3A_928, %select_n3A_870 : vector<512x16xi1>, vector<512x16xf32>
      %eq3A_930 = vector.broadcast %min3A_886 : vector<512x1xf32> to vector<512x2048xf32>
      %eq3A_931 = arith.cmpf oeq, %select_n3A_879, %eq3A_930 : vector<512x2048xf32>
      %eq3A_932 = vector.broadcast %add3A_157 : vector<1x2048xi32> to vector<512x2048xi32>
      %eq3A_933 = vector.broadcast %min3A_905 : vector<512x1xi32> to vector<512x2048xi32>
      %eq3A_934 = arith.cmpi eq, %eq3A_932, %eq3A_933 : vector<512x2048xi32>
      %and3A_935 = arith.andi %eq3A_931, %eq3A_934 : vector<512x2048xi1>
      %jit3A_936 = arith.constant 0x7F800000 : f32
      %broadcast_in_dim3A_937 = vector.broadcast %jit3A_936 : f32 to vector<512x2048xf32>
      %select_n3A_938 = arith.select %and3A_935, %broadcast_in_dim3A_937, %select_n3A_879 : vector<512x2048xi1>, vector<512x2048xf32>
      %reduce_min3A_939 = arith.constant dense<0x7F800000> : vector<512xf32>
      %reduce_min3A_940 = vector.multi_reduction <minimumf>, %select_n3A_929, %reduce_min3A_939 [1] : vector<512x16xf32> to vector<512xf32>
      %broadcast_in_dim3A_941 = vector.shape_cast %reduce_min3A_940 : vector<512xf32> to vector<512x1xf32>
      %reduce_min3A_942 = arith.constant dense<0x7F800000> : vector<512xf32>
      %reduce_min3A_943 = vector.multi_reduction <minimumf>, %select_n3A_938, %reduce_min3A_942 [1] : vector<512x2048xf32> to vector<512xf32>
      %broadcast_in_dim3A_944 = vector.shape_cast %reduce_min3A_943 : vector<512xf32> to vector<512x1xf32>
      %min3A_945 = arith.minimumf %broadcast_in_dim3A_941, %broadcast_in_dim3A_944 : vector<512x1xf32>
      %eq3A_946 = vector.broadcast %min3A_945 : vector<512x1xf32> to vector<512x16xf32>
      %eq3A_947 = arith.cmpf oeq, %select_n3A_929, %eq3A_946 : vector<512x16xf32>
      %jit3A_948 = arith.constant 2147483647 : i32
      %broadcast_in_dim3A_949 = vector.broadcast %jit3A_948 : i32 to vector<512x16xi32>
      %select_n3A_950 = arith.select %eq3A_947, %while3A_133, %broadcast_in_dim3A_949 : vector<512x16xi1>, vector<512x16xi32>
      %reduce_min3A_951 = arith.constant dense<2147483647> : vector<512xi32>
      %reduce_min3A_952 = vector.multi_reduction <minsi>, %select_n3A_950, %reduce_min3A_951 [1] : vector<512x16xi32> to vector<512xi32>
      %broadcast_in_dim3A_953 = vector.shape_cast %reduce_min3A_952 : vector<512xi32> to vector<512x1xi32>
      %eq3A_954 = vector.broadcast %min3A_945 : vector<512x1xf32> to vector<512x2048xf32>
      %eq3A_955 = arith.cmpf oeq, %select_n3A_938, %eq3A_954 : vector<512x2048xf32>
      %jit3A_956 = arith.constant 2147483647 : i32
      %broadcast_in_dim3A_957 = vector.shape_cast %add3A_157 : vector<1x2048xi32> to vector<1x2048xi32>
      %broadcast_in_dim3A_958 = vector.broadcast %broadcast_in_dim3A_957 : vector<1x2048xi32> to vector<512x2048xi32>
      %broadcast_in_dim3A_959 = vector.broadcast %jit3A_956 : i32 to vector<512x2048xi32>
      %select_n3A_960 = arith.select %eq3A_955, %broadcast_in_dim3A_958, %broadcast_in_dim3A_959 : vector<512x2048xi1>, vector<512x2048xi32>
      %reduce_min3A_961 = arith.constant dense<2147483647> : vector<512xi32>
      %reduce_min3A_962 = vector.multi_reduction <minsi>, %select_n3A_960, %reduce_min3A_961 [1] : vector<512x2048xi32> to vector<512xi32>
      %broadcast_in_dim3A_963 = vector.shape_cast %reduce_min3A_962 : vector<512xi32> to vector<512x1xi32>
      %min3A_964 = arith.minsi %broadcast_in_dim3A_953, %broadcast_in_dim3A_963 : vector<512x1xi32>
      %eq3A_965 = arith.constant 13 : i32
      %eq3A_966 = vector.broadcast %eq3A_965 : i32 to vector<1x16xi32>
      %eq3A_967 = arith.cmpi eq, %iota3A_111, %eq3A_966 : vector<1x16xi32>
      %broadcast_in_dim3A_968 = vector.shape_cast %eq3A_967 : vector<1x16xi1> to vector<1x16xi1>
      %broadcast_in_dim3A_969 = vector.broadcast %broadcast_in_dim3A_968 : vector<1x16xi1> to vector<512x16xi1>
      %broadcast_in_dim3A_970 = vector.shape_cast %min3A_945 : vector<512x1xf32> to vector<512x1xf32>
      %broadcast_in_dim3A_971 = vector.broadcast %broadcast_in_dim3A_970 : vector<512x1xf32> to vector<512x16xf32>
      %select_n3A_972 = arith.select %broadcast_in_dim3A_969, %broadcast_in_dim3A_971, %select_n3A_913 : vector<512x16xi1>, vector<512x16xf32>
      %eq3A_973 = arith.constant 13 : i32
      %eq3A_974 = vector.broadcast %eq3A_973 : i32 to vector<1x16xi32>
      %eq3A_975 = arith.cmpi eq, %iota3A_111, %eq3A_974 : vector<1x16xi32>
      %broadcast_in_dim3A_976 = vector.shape_cast %eq3A_975 : vector<1x16xi1> to vector<1x16xi1>
      %broadcast_in_dim3A_977 = vector.broadcast %broadcast_in_dim3A_976 : vector<1x16xi1> to vector<512x16xi1>
      %broadcast_in_dim3A_978 = vector.shape_cast %min3A_964 : vector<512x1xi32> to vector<512x1xi32>
      %broadcast_in_dim3A_979 = vector.broadcast %broadcast_in_dim3A_978 : vector<512x1xi32> to vector<512x16xi32>
      %select_n3A_980 = arith.select %broadcast_in_dim3A_977, %broadcast_in_dim3A_979, %select_n3A_921 : vector<512x16xi1>, vector<512x16xi32>
      %eq3A_981 = vector.broadcast %min3A_945 : vector<512x1xf32> to vector<512x16xf32>
      %eq3A_982 = arith.cmpf oeq, %select_n3A_929, %eq3A_981 : vector<512x16xf32>
      %eq3A_983 = vector.broadcast %min3A_964 : vector<512x1xi32> to vector<512x16xi32>
      %eq3A_984 = arith.cmpi eq, %while3A_133, %eq3A_983 : vector<512x16xi32>
      %and3A_985 = arith.andi %eq3A_982, %eq3A_984 : vector<512x16xi1>
      %jit3A_986 = arith.constant 0x7F800000 : f32
      %broadcast_in_dim3A_987 = vector.broadcast %jit3A_986 : f32 to vector<512x16xf32>
      %select_n3A_988 = arith.select %and3A_985, %broadcast_in_dim3A_987, %select_n3A_929 : vector<512x16xi1>, vector<512x16xf32>
      %eq3A_989 = vector.broadcast %min3A_945 : vector<512x1xf32> to vector<512x2048xf32>
      %eq3A_990 = arith.cmpf oeq, %select_n3A_938, %eq3A_989 : vector<512x2048xf32>
      %eq3A_991 = vector.broadcast %add3A_157 : vector<1x2048xi32> to vector<512x2048xi32>
      %eq3A_992 = vector.broadcast %min3A_964 : vector<512x1xi32> to vector<512x2048xi32>
      %eq3A_993 = arith.cmpi eq, %eq3A_991, %eq3A_992 : vector<512x2048xi32>
      %and3A_994 = arith.andi %eq3A_990, %eq3A_993 : vector<512x2048xi1>
      %jit3A_995 = arith.constant 0x7F800000 : f32
      %broadcast_in_dim3A_996 = vector.broadcast %jit3A_995 : f32 to vector<512x2048xf32>
      %select_n3A_997 = arith.select %and3A_994, %broadcast_in_dim3A_996, %select_n3A_938 : vector<512x2048xi1>, vector<512x2048xf32>
      %reduce_min3A_998 = arith.constant dense<0x7F800000> : vector<512xf32>
      %reduce_min3A_999 = vector.multi_reduction <minimumf>, %select_n3A_988, %reduce_min3A_998 [1] : vector<512x16xf32> to vector<512xf32>
      %broadcast_in_dim3A_1000 = vector.shape_cast %reduce_min3A_999 : vector<512xf32> to vector<512x1xf32>
      %reduce_min3A_1001 = arith.constant dense<0x7F800000> : vector<512xf32>
      %reduce_min3A_1002 = vector.multi_reduction <minimumf>, %select_n3A_997, %reduce_min3A_1001 [1] : vector<512x2048xf32> to vector<512xf32>
      %broadcast_in_dim3A_1003 = vector.shape_cast %reduce_min3A_1002 : vector<512xf32> to vector<512x1xf32>
      %min3A_1004 = arith.minimumf %broadcast_in_dim3A_1000, %broadcast_in_dim3A_1003 : vector<512x1xf32>
      %eq3A_1005 = vector.broadcast %min3A_1004 : vector<512x1xf32> to vector<512x16xf32>
      %eq3A_1006 = arith.cmpf oeq, %select_n3A_988, %eq3A_1005 : vector<512x16xf32>
      %jit3A_1007 = arith.constant 2147483647 : i32
      %broadcast_in_dim3A_1008 = vector.broadcast %jit3A_1007 : i32 to vector<512x16xi32>
      %select_n3A_1009 = arith.select %eq3A_1006, %while3A_133, %broadcast_in_dim3A_1008 : vector<512x16xi1>, vector<512x16xi32>
      %reduce_min3A_1010 = arith.constant dense<2147483647> : vector<512xi32>
      %reduce_min3A_1011 = vector.multi_reduction <minsi>, %select_n3A_1009, %reduce_min3A_1010 [1] : vector<512x16xi32> to vector<512xi32>
      %broadcast_in_dim3A_1012 = vector.shape_cast %reduce_min3A_1011 : vector<512xi32> to vector<512x1xi32>
      %eq3A_1013 = vector.broadcast %min3A_1004 : vector<512x1xf32> to vector<512x2048xf32>
      %eq3A_1014 = arith.cmpf oeq, %select_n3A_997, %eq3A_1013 : vector<512x2048xf32>
      %jit3A_1015 = arith.constant 2147483647 : i32
      %broadcast_in_dim3A_1016 = vector.shape_cast %add3A_157 : vector<1x2048xi32> to vector<1x2048xi32>
      %broadcast_in_dim3A_1017 = vector.broadcast %broadcast_in_dim3A_1016 : vector<1x2048xi32> to vector<512x2048xi32>
      %broadcast_in_dim3A_1018 = vector.broadcast %jit3A_1015 : i32 to vector<512x2048xi32>
      %select_n3A_1019 = arith.select %eq3A_1014, %broadcast_in_dim3A_1017, %broadcast_in_dim3A_1018 : vector<512x2048xi1>, vector<512x2048xi32>
      %reduce_min3A_1020 = arith.constant dense<2147483647> : vector<512xi32>
      %reduce_min3A_1021 = vector.multi_reduction <minsi>, %select_n3A_1019, %reduce_min3A_1020 [1] : vector<512x2048xi32> to vector<512xi32>
      %broadcast_in_dim3A_1022 = vector.shape_cast %reduce_min3A_1021 : vector<512xi32> to vector<512x1xi32>
      %min3A_1023 = arith.minsi %broadcast_in_dim3A_1012, %broadcast_in_dim3A_1022 : vector<512x1xi32>
      %eq3A_1024 = arith.constant 14 : i32
      %eq3A_1025 = vector.broadcast %eq3A_1024 : i32 to vector<1x16xi32>
      %eq3A_1026 = arith.cmpi eq, %iota3A_111, %eq3A_1025 : vector<1x16xi32>
      %broadcast_in_dim3A_1027 = vector.shape_cast %eq3A_1026 : vector<1x16xi1> to vector<1x16xi1>
      %broadcast_in_dim3A_1028 = vector.broadcast %broadcast_in_dim3A_1027 : vector<1x16xi1> to vector<512x16xi1>
      %broadcast_in_dim3A_1029 = vector.shape_cast %min3A_1004 : vector<512x1xf32> to vector<512x1xf32>
      %broadcast_in_dim3A_1030 = vector.broadcast %broadcast_in_dim3A_1029 : vector<512x1xf32> to vector<512x16xf32>
      %select_n3A_1031 = arith.select %broadcast_in_dim3A_1028, %broadcast_in_dim3A_1030, %select_n3A_972 : vector<512x16xi1>, vector<512x16xf32>
      %eq3A_1032 = arith.constant 14 : i32
      %eq3A_1033 = vector.broadcast %eq3A_1032 : i32 to vector<1x16xi32>
      %eq3A_1034 = arith.cmpi eq, %iota3A_111, %eq3A_1033 : vector<1x16xi32>
      %broadcast_in_dim3A_1035 = vector.shape_cast %eq3A_1034 : vector<1x16xi1> to vector<1x16xi1>
      %broadcast_in_dim3A_1036 = vector.broadcast %broadcast_in_dim3A_1035 : vector<1x16xi1> to vector<512x16xi1>
      %broadcast_in_dim3A_1037 = vector.shape_cast %min3A_1023 : vector<512x1xi32> to vector<512x1xi32>
      %broadcast_in_dim3A_1038 = vector.broadcast %broadcast_in_dim3A_1037 : vector<512x1xi32> to vector<512x16xi32>
      %select_n3A_1039 = arith.select %broadcast_in_dim3A_1036, %broadcast_in_dim3A_1038, %select_n3A_980 : vector<512x16xi1>, vector<512x16xi32>
      %eq3A_1040 = vector.broadcast %min3A_1004 : vector<512x1xf32> to vector<512x16xf32>
      %eq3A_1041 = arith.cmpf oeq, %select_n3A_988, %eq3A_1040 : vector<512x16xf32>
      %eq3A_1042 = vector.broadcast %min3A_1023 : vector<512x1xi32> to vector<512x16xi32>
      %eq3A_1043 = arith.cmpi eq, %while3A_133, %eq3A_1042 : vector<512x16xi32>
      %and3A_1044 = arith.andi %eq3A_1041, %eq3A_1043 : vector<512x16xi1>
      %jit3A_1045 = arith.constant 0x7F800000 : f32
      %broadcast_in_dim3A_1046 = vector.broadcast %jit3A_1045 : f32 to vector<512x16xf32>
      %select_n3A_1047 = arith.select %and3A_1044, %broadcast_in_dim3A_1046, %select_n3A_988 : vector<512x16xi1>, vector<512x16xf32>
      %eq3A_1048 = vector.broadcast %min3A_1004 : vector<512x1xf32> to vector<512x2048xf32>
      %eq3A_1049 = arith.cmpf oeq, %select_n3A_997, %eq3A_1048 : vector<512x2048xf32>
      %eq3A_1050 = vector.broadcast %add3A_157 : vector<1x2048xi32> to vector<512x2048xi32>
      %eq3A_1051 = vector.broadcast %min3A_1023 : vector<512x1xi32> to vector<512x2048xi32>
      %eq3A_1052 = arith.cmpi eq, %eq3A_1050, %eq3A_1051 : vector<512x2048xi32>
      %and3A_1053 = arith.andi %eq3A_1049, %eq3A_1052 : vector<512x2048xi1>
      %jit3A_1054 = arith.constant 0x7F800000 : f32
      %broadcast_in_dim3A_1055 = vector.broadcast %jit3A_1054 : f32 to vector<512x2048xf32>
      %select_n3A_1056 = arith.select %and3A_1053, %broadcast_in_dim3A_1055, %select_n3A_997 : vector<512x2048xi1>, vector<512x2048xf32>
      %reduce_min3A_1057 = arith.constant dense<0x7F800000> : vector<512xf32>
      %reduce_min3A_1058 = vector.multi_reduction <minimumf>, %select_n3A_1047, %reduce_min3A_1057 [1] : vector<512x16xf32> to vector<512xf32>
      %broadcast_in_dim3A_1059 = vector.shape_cast %reduce_min3A_1058 : vector<512xf32> to vector<512x1xf32>
      %reduce_min3A_1060 = arith.constant dense<0x7F800000> : vector<512xf32>
      %reduce_min3A_1061 = vector.multi_reduction <minimumf>, %select_n3A_1056, %reduce_min3A_1060 [1] : vector<512x2048xf32> to vector<512xf32>
      %broadcast_in_dim3A_1062 = vector.shape_cast %reduce_min3A_1061 : vector<512xf32> to vector<512x1xf32>
      %min3A_1063 = arith.minimumf %broadcast_in_dim3A_1059, %broadcast_in_dim3A_1062 : vector<512x1xf32>
      %eq3A_1064 = vector.broadcast %min3A_1063 : vector<512x1xf32> to vector<512x16xf32>
      %eq3A_1065 = arith.cmpf oeq, %select_n3A_1047, %eq3A_1064 : vector<512x16xf32>
      %jit3A_1066 = arith.constant 2147483647 : i32
      %broadcast_in_dim3A_1067 = vector.broadcast %jit3A_1066 : i32 to vector<512x16xi32>
      %select_n3A_1068 = arith.select %eq3A_1065, %while3A_133, %broadcast_in_dim3A_1067 : vector<512x16xi1>, vector<512x16xi32>
      %reduce_min3A_1069 = arith.constant dense<2147483647> : vector<512xi32>
      %reduce_min3A_1070 = vector.multi_reduction <minsi>, %select_n3A_1068, %reduce_min3A_1069 [1] : vector<512x16xi32> to vector<512xi32>
      %broadcast_in_dim3A_1071 = vector.shape_cast %reduce_min3A_1070 : vector<512xi32> to vector<512x1xi32>
      %eq3A_1072 = vector.broadcast %min3A_1063 : vector<512x1xf32> to vector<512x2048xf32>
      %eq3A_1073 = arith.cmpf oeq, %select_n3A_1056, %eq3A_1072 : vector<512x2048xf32>
      %jit3A_1074 = arith.constant 2147483647 : i32
      %broadcast_in_dim3A_1075 = vector.shape_cast %add3A_157 : vector<1x2048xi32> to vector<1x2048xi32>
      %broadcast_in_dim3A_1076 = vector.broadcast %broadcast_in_dim3A_1075 : vector<1x2048xi32> to vector<512x2048xi32>
      %broadcast_in_dim3A_1077 = vector.broadcast %jit3A_1074 : i32 to vector<512x2048xi32>
      %select_n3A_1078 = arith.select %eq3A_1073, %broadcast_in_dim3A_1076, %broadcast_in_dim3A_1077 : vector<512x2048xi1>, vector<512x2048xi32>
      %reduce_min3A_1079 = arith.constant dense<2147483647> : vector<512xi32>
      %reduce_min3A_1080 = vector.multi_reduction <minsi>, %select_n3A_1078, %reduce_min3A_1079 [1] : vector<512x2048xi32> to vector<512xi32>
      %broadcast_in_dim3A_1081 = vector.shape_cast %reduce_min3A_1080 : vector<512xi32> to vector<512x1xi32>
      %min3A_1082 = arith.minsi %broadcast_in_dim3A_1071, %broadcast_in_dim3A_1081 : vector<512x1xi32>
      %eq3A_1083 = arith.constant 15 : i32
      %eq3A_1084 = vector.broadcast %eq3A_1083 : i32 to vector<1x16xi32>
      %eq3A_1085 = arith.cmpi eq, %iota3A_111, %eq3A_1084 : vector<1x16xi32>
      %broadcast_in_dim3A_1086 = vector.shape_cast %eq3A_1085 : vector<1x16xi1> to vector<1x16xi1>
      %broadcast_in_dim3A_1087 = vector.broadcast %broadcast_in_dim3A_1086 : vector<1x16xi1> to vector<512x16xi1>
      %broadcast_in_dim3A_1088 = vector.shape_cast %min3A_1063 : vector<512x1xf32> to vector<512x1xf32>
      %broadcast_in_dim3A_1089 = vector.broadcast %broadcast_in_dim3A_1088 : vector<512x1xf32> to vector<512x16xf32>
      %select_n3A_1090 = arith.select %broadcast_in_dim3A_1087, %broadcast_in_dim3A_1089, %select_n3A_1031 : vector<512x16xi1>, vector<512x16xf32>
      %eq3A_1091 = arith.constant 15 : i32
      %eq3A_1092 = vector.broadcast %eq3A_1091 : i32 to vector<1x16xi32>
      %eq3A_1093 = arith.cmpi eq, %iota3A_111, %eq3A_1092 : vector<1x16xi32>
      %broadcast_in_dim3A_1094 = vector.shape_cast %eq3A_1093 : vector<1x16xi1> to vector<1x16xi1>
      %broadcast_in_dim3A_1095 = vector.broadcast %broadcast_in_dim3A_1094 : vector<1x16xi1> to vector<512x16xi1>
      %broadcast_in_dim3A_1096 = vector.shape_cast %min3A_1082 : vector<512x1xi32> to vector<512x1xi32>
      %broadcast_in_dim3A_1097 = vector.broadcast %broadcast_in_dim3A_1096 : vector<512x1xi32> to vector<512x16xi32>
      %select_n3A_1098 = arith.select %broadcast_in_dim3A_1095, %broadcast_in_dim3A_1097, %select_n3A_1039 : vector<512x16xi1>, vector<512x16xi32>
      %eq3A_1099 = vector.broadcast %min3A_1063 : vector<512x1xf32> to vector<512x16xf32>
      %eq3A_1100 = arith.cmpf oeq, %select_n3A_1047, %eq3A_1099 : vector<512x16xf32>
      %eq3A_1101 = vector.broadcast %min3A_1082 : vector<512x1xi32> to vector<512x16xi32>
      %eq3A_1102 = arith.cmpi eq, %while3A_133, %eq3A_1101 : vector<512x16xi32>
      %and3A_1103 = arith.andi %eq3A_1100, %eq3A_1102 : vector<512x16xi1>
      %jit3A_1104 = arith.constant 0x7F800000 : f32
      %broadcast_in_dim3A_1105 = vector.broadcast %jit3A_1104 : f32 to vector<512x16xf32>
      %select_n3A_1106 = arith.select %and3A_1103, %broadcast_in_dim3A_1105, %select_n3A_1047 : vector<512x16xi1>, vector<512x16xf32>
      %eq3A_1107 = vector.broadcast %min3A_1063 : vector<512x1xf32> to vector<512x2048xf32>
      %eq3A_1108 = arith.cmpf oeq, %select_n3A_1056, %eq3A_1107 : vector<512x2048xf32>
      %eq3A_1109 = vector.broadcast %add3A_157 : vector<1x2048xi32> to vector<512x2048xi32>
      %eq3A_1110 = vector.broadcast %min3A_1082 : vector<512x1xi32> to vector<512x2048xi32>
      %eq3A_1111 = arith.cmpi eq, %eq3A_1109, %eq3A_1110 : vector<512x2048xi32>
      %and3A_1112 = arith.andi %eq3A_1108, %eq3A_1111 : vector<512x2048xi1>
      %jit3A_1113 = arith.constant 0x7F800000 : f32
      %broadcast_in_dim3A_1114 = vector.broadcast %jit3A_1113 : f32 to vector<512x2048xf32>
      %select_n3A_1115 = arith.select %and3A_1112, %broadcast_in_dim3A_1114, %select_n3A_1056 : vector<512x2048xi1>, vector<512x2048xf32>
      scf.yield %select_n3A_1090, %select_n3A_1098 : vector<512x16xf32>, vector<512x16xi32>
    }
    %sqrt3A = math.sqrt %while3A_124#0 : vector<512x16xf32>
    %swap3A_125 = arith.constant 0 : index
    %swap3A_126 = arith.constant 0 : index
    %swap3A_127 = vector.load %arg10[%swap3A_125, %swap3A_126] : memref<512x16xf32, #tpu.memory_space<vmem>>, vector<512x16xf32>
    tpu.vector_store %arg10[%swap3A_125, %swap3A_126], %sqrt3A {strides = array<i32>} : memref<512x16xf32, #tpu.memory_space<vmem>>, vector<512x16xf32>,
    %swap3A_128 = arith.constant 0 : index
    %swap3A_129 = arith.constant 0 : index
    %swap3A_130 = vector.load %arg11[%swap3A_128, %swap3A_129] : memref<512x16xi32, #tpu.memory_space<vmem>>, vector<512x16xi32>
    tpu.vector_store %arg11[%swap3A_128, %swap3A_129], %while3A_124#1 {strides = array<i32>} : memref<512x16xi32, #tpu.memory_space<vmem>>, vector<512x16xi32>,
    return
  }
  func.func @transform_0(%arg0: i32) -> i32 {
    %c0_i32 = arith.constant 0 : i32
    %c0_i32_0 = arith.constant 0 : i32
    return %c0_i32 : i32
  }
  func.func @transform_1(%arg0: i32) -> i32 {
    %c0_i32 = arith.constant 0 : i32
    %c0_i32_0 = arith.constant 0 : i32
    return %c0_i32 : i32
  }
  func.func @transform_2(%arg0: i32) -> (i32, i32) {
    %c0_i32 = arith.constant 0 : i32
    %c0_i32_0 = arith.constant 0 : i32
    %c0_i32_1 = arith.constant 0 : i32
    return %c0_i32, %c0_i32_0 : i32, i32
  }
  func.func @transform_3(%arg0: i32) -> (i32, i32) {
    %c0_i32 = arith.constant 0 : i32
    %c0_i32_0 = arith.constant 0 : i32
    %c0_i32_1 = arith.constant 0 : i32
    return %c0_i32, %c0_i32_0 : i32, i32
  }
  func.func @transform_4(%arg0: i32) -> (i32, i32) {
    %c0_i32 = arith.constant 0 : i32
    %c0_i32_0 = arith.constant 0 : i32
    return %arg0, %c0_i32 : i32, i32
  }
  func.func @transform_5(%arg0: i32) -> (i32, i32) {
    %c0_i32 = arith.constant 0 : i32
    %c0_i32_0 = arith.constant 0 : i32
    return %arg0, %c0_i32 : i32, i32
  }
  func.func @transform_6(%arg0: i32) -> (i32, i32) {
    %c0_i32 = arith.constant 0 : i32
    %c0_i32_0 = arith.constant 0 : i32
    return %arg0, %c0_i32 : i32, i32
  }
  func.func @transform_7(%arg0: i32) -> (i32, i32) {
    %c0_i32 = arith.constant 0 : i32
    %c0_i32_0 = arith.constant 0 : i32
    %c0_i32_1 = arith.constant 0 : i32
    return %c0_i32, %c0_i32_0 : i32, i32
  }
  func.func @transform_8(%arg0: i32) -> (i32, i32) {
    %c0_i32 = arith.constant 0 : i32
    %c0_i32_0 = arith.constant 0 : i32
    %c0_i32_1 = arith.constant 0 : i32
    return %c0_i32, %c0_i32_0 : i32, i32
  }
  func.func @transform_9(%arg0: i32) -> (i32, i32) {
    %c0_i32 = arith.constant 0 : i32
    %c0_i32_0 = arith.constant 0 : i32
    return %arg0, %c0_i32 : i32, i32
  }
  func.func @transform_10(%arg0: i32) -> (i32, i32) {
    %c0_i32 = arith.constant 0 : i32
    %c0_i32_0 = arith.constant 0 : i32
    return %arg0, %c0_i32 : i32, i32
  }
  func.func @transform_11(%arg0: i32) -> (i32, i32) {
    %c0_i32 = arith.constant 0 : i32
    %c0_i32_0 = arith.constant 0 : i32
    return %arg0, %c0_i32 : i32, i32
  }
  func.func @transform_12(%arg0: i32) -> (i32, i32) {
    %c0_i32 = arith.constant 0 : i32
    %c0_i32_0 = arith.constant 0 : i32
    %c0_i32_1 = arith.constant 0 : i32
    return %c0_i32, %c0_i32_0 : i32, i32
  }
}

module attributes {stable_mosaic.version = 14 : i64} {
  func.func @_phase_c_body(%arg0: i32, %arg1: memref<512x16xf32, #tpu.memory_space<vmem>>, %arg2: memref<512x16xf32, #tpu.memory_space<vmem>>, %arg3: memref<512x16xf32, #tpu.memory_space<vmem>>, %arg4: memref<512x16xf32, #tpu.memory_space<vmem>>, %arg5: memref<512x32xf32, #tpu.memory_space<vmem>>, %arg6: memref<512x1xi32, #tpu.memory_space<vmem>>, %arg7: memref<16x128xf32, #tpu.memory_space<vmem>>, %arg8: memref<1x32xf32, #tpu.memory_space<vmem>>, %arg9: memref<1x32xf32, #tpu.memory_space<vmem>>, %arg10: memref<32x3xf32, #tpu.memory_space<vmem>>, %arg11: memref<1x3xf32, #tpu.memory_space<vmem>>, %arg12: memref<512x3xf32, #tpu.memory_space<vmem>>) attributes {dimension_semantics = [#tpu.dimension_semantics<arbitrary>], iteration_bounds = array<i64: 32>, scalar_prefetch = 0 : i64, scratch_operands = 0 : i64, tpu.core_type = #tpu.core_type<tc>, window_params = [{transform_indices = @transform_0, window_bounds = array<i64: 512, 16>}, {transform_indices = @transform_1, window_bounds = array<i64: 512, 16>}, {transform_indices = @transform_2, window_bounds = array<i64: 512, 16>}, {transform_indices = @transform_3, window_bounds = array<i64: 512, 16>}, {transform_indices = @transform_4, window_bounds = array<i64: 512, 32>}, {transform_indices = @transform_5, window_bounds = array<i64: 512, 1>}, {pipeline_mode = #tpu.pipeline_mode<synchronous>, transform_indices = @transform_6, window_bounds = array<i64: 16, 128>}, {pipeline_mode = #tpu.pipeline_mode<synchronous>, transform_indices = @transform_7, window_bounds = array<i64: 1, 32>}, {pipeline_mode = #tpu.pipeline_mode<synchronous>, transform_indices = @transform_8, window_bounds = array<i64: 1, 32>}, {pipeline_mode = #tpu.pipeline_mode<synchronous>, transform_indices = @transform_9, window_bounds = array<i64: 32, 3>}, {pipeline_mode = #tpu.pipeline_mode<synchronous>, transform_indices = @transform_10, window_bounds = array<i64: 1, 3>}, {transform_indices = @transform_11, window_bounds = array<i64: 512, 3>}]} {
    %get3A = arith.constant 0 : index
    %get3A_0 = arith.constant 0 : index
    %get3A_1 = vector.load %arg1[%get3A, %get3A_0] : memref<512x16xf32, #tpu.memory_space<vmem>>, vector<512x16xf32>
    %get3A_2 = arith.constant 0 : index
    %get3A_3 = arith.constant 0 : index
    %get3A_4 = vector.load %arg2[%get3A_2, %get3A_3] : memref<512x16xf32, #tpu.memory_space<vmem>>, vector<512x16xf32>
    %get3A_5 = arith.constant 0 : index
    %get3A_6 = arith.constant 0 : index
    %get3A_7 = vector.load %arg3[%get3A_5, %get3A_6] : memref<512x16xf32, #tpu.memory_space<vmem>>, vector<512x16xf32>
    %reduce_sum3A = arith.constant dense<0.000000e+00> : vector<512xf32>
    %reduce_sum3A_8 = vector.multi_reduction <add>, %get3A_1, %reduce_sum3A [1] : vector<512x16xf32> to vector<512xf32>
    %broadcast_in_dim3A = vector.shape_cast %reduce_sum3A_8 : vector<512xf32> to vector<512x1xf32>
    %div3A = arith.constant 1.600000e+01 : f32
    %div3A_9 = vector.broadcast %div3A : f32 to vector<512x1xf32>
    %div3A_10 = arith.divf %broadcast_in_dim3A, %div3A_9 : vector<512x1xf32>
    %reduce_sum3A_11 = arith.constant dense<0.000000e+00> : vector<512xf32>
    %reduce_sum3A_12 = vector.multi_reduction <add>, %get3A_4, %reduce_sum3A_11 [1] : vector<512x16xf32> to vector<512xf32>
    %broadcast_in_dim3A_13 = vector.shape_cast %reduce_sum3A_12 : vector<512xf32> to vector<512x1xf32>
    %div3A_14 = arith.constant 1.600000e+01 : f32
    %div3A_15 = vector.broadcast %div3A_14 : f32 to vector<512x1xf32>
    %div3A_16 = arith.divf %broadcast_in_dim3A_13, %div3A_15 : vector<512x1xf32>
    %reduce_sum3A_17 = arith.constant dense<0.000000e+00> : vector<512xf32>
    %reduce_sum3A_18 = vector.multi_reduction <add>, %get3A_7, %reduce_sum3A_17 [1] : vector<512x16xf32> to vector<512xf32>
    %broadcast_in_dim3A_19 = vector.shape_cast %reduce_sum3A_18 : vector<512xf32> to vector<512x1xf32>
    %div3A_20 = arith.constant 1.600000e+01 : f32
    %div3A_21 = vector.broadcast %div3A_20 : f32 to vector<512x1xf32>
    %div3A_22 = arith.divf %broadcast_in_dim3A_19, %div3A_21 : vector<512x1xf32>
    %mul3A = arith.mulf %get3A_1, %get3A_1 : vector<512x16xf32>
    %reduce_sum3A_23 = arith.constant dense<0.000000e+00> : vector<512xf32>
    %reduce_sum3A_24 = vector.multi_reduction <add>, %mul3A, %reduce_sum3A_23 [1] : vector<512x16xf32> to vector<512xf32>
    %broadcast_in_dim3A_25 = vector.shape_cast %reduce_sum3A_24 : vector<512xf32> to vector<512x1xf32>
    %mul3A_26 = arith.constant 1.600000e+01 : f32
    %mul3A_27 = vector.broadcast %mul3A_26 : f32 to vector<512x1xf32>
    %mul3A_28 = arith.mulf %mul3A_27, %div3A_10 : vector<512x1xf32>
    %mul3A_29 = arith.mulf %mul3A_28, %div3A_10 : vector<512x1xf32>
    %sub3A = arith.subf %broadcast_in_dim3A_25, %mul3A_29 : vector<512x1xf32>
    %mul3A_30 = arith.constant 0.0666666701 : f32
    %mul3A_31 = vector.broadcast %mul3A_30 : f32 to vector<512x1xf32>
    %mul3A_32 = arith.mulf %sub3A, %mul3A_31 : vector<512x1xf32>
    %mul3A_33 = arith.mulf %get3A_4, %get3A_4 : vector<512x16xf32>
    %reduce_sum3A_34 = arith.constant dense<0.000000e+00> : vector<512xf32>
    %reduce_sum3A_35 = vector.multi_reduction <add>, %mul3A_33, %reduce_sum3A_34 [1] : vector<512x16xf32> to vector<512xf32>
    %broadcast_in_dim3A_36 = vector.shape_cast %reduce_sum3A_35 : vector<512xf32> to vector<512x1xf32>
    %mul3A_37 = arith.constant 1.600000e+01 : f32
    %mul3A_38 = vector.broadcast %mul3A_37 : f32 to vector<512x1xf32>
    %mul3A_39 = arith.mulf %mul3A_38, %div3A_16 : vector<512x1xf32>
    %mul3A_40 = arith.mulf %mul3A_39, %div3A_16 : vector<512x1xf32>
    %sub3A_41 = arith.subf %broadcast_in_dim3A_36, %mul3A_40 : vector<512x1xf32>
    %mul3A_42 = arith.constant 0.0666666701 : f32
    %mul3A_43 = vector.broadcast %mul3A_42 : f32 to vector<512x1xf32>
    %mul3A_44 = arith.mulf %sub3A_41, %mul3A_43 : vector<512x1xf32>
    %mul3A_45 = arith.mulf %get3A_7, %get3A_7 : vector<512x16xf32>
    %reduce_sum3A_46 = arith.constant dense<0.000000e+00> : vector<512xf32>
    %reduce_sum3A_47 = vector.multi_reduction <add>, %mul3A_45, %reduce_sum3A_46 [1] : vector<512x16xf32> to vector<512xf32>
    %broadcast_in_dim3A_48 = vector.shape_cast %reduce_sum3A_47 : vector<512xf32> to vector<512x1xf32>
    %mul3A_49 = arith.constant 1.600000e+01 : f32
    %mul3A_50 = vector.broadcast %mul3A_49 : f32 to vector<512x1xf32>
    %mul3A_51 = arith.mulf %mul3A_50, %div3A_22 : vector<512x1xf32>
    %mul3A_52 = arith.mulf %mul3A_51, %div3A_22 : vector<512x1xf32>
    %sub3A_53 = arith.subf %broadcast_in_dim3A_48, %mul3A_52 : vector<512x1xf32>
    %mul3A_54 = arith.constant 0.0666666701 : f32
    %mul3A_55 = vector.broadcast %mul3A_54 : f32 to vector<512x1xf32>
    %mul3A_56 = arith.mulf %sub3A_53, %mul3A_55 : vector<512x1xf32>
    %mul3A_57 = arith.mulf %get3A_1, %get3A_4 : vector<512x16xf32>
    %reduce_sum3A_58 = arith.constant dense<0.000000e+00> : vector<512xf32>
    %reduce_sum3A_59 = vector.multi_reduction <add>, %mul3A_57, %reduce_sum3A_58 [1] : vector<512x16xf32> to vector<512xf32>
    %broadcast_in_dim3A_60 = vector.shape_cast %reduce_sum3A_59 : vector<512xf32> to vector<512x1xf32>
    %mul3A_61 = arith.constant 1.600000e+01 : f32
    %mul3A_62 = vector.broadcast %mul3A_61 : f32 to vector<512x1xf32>
    %mul3A_63 = arith.mulf %mul3A_62, %div3A_10 : vector<512x1xf32>
    %mul3A_64 = arith.mulf %mul3A_63, %div3A_16 : vector<512x1xf32>
    %sub3A_65 = arith.subf %broadcast_in_dim3A_60, %mul3A_64 : vector<512x1xf32>
    %mul3A_66 = arith.constant 0.0666666701 : f32
    %mul3A_67 = vector.broadcast %mul3A_66 : f32 to vector<512x1xf32>
    %mul3A_68 = arith.mulf %sub3A_65, %mul3A_67 : vector<512x1xf32>
    %mul3A_69 = arith.mulf %get3A_1, %get3A_7 : vector<512x16xf32>
    %reduce_sum3A_70 = arith.constant dense<0.000000e+00> : vector<512xf32>
    %reduce_sum3A_71 = vector.multi_reduction <add>, %mul3A_69, %reduce_sum3A_70 [1] : vector<512x16xf32> to vector<512xf32>
    %broadcast_in_dim3A_72 = vector.shape_cast %reduce_sum3A_71 : vector<512xf32> to vector<512x1xf32>
    %mul3A_73 = arith.constant 1.600000e+01 : f32
    %mul3A_74 = vector.broadcast %mul3A_73 : f32 to vector<512x1xf32>
    %mul3A_75 = arith.mulf %mul3A_74, %div3A_10 : vector<512x1xf32>
    %mul3A_76 = arith.mulf %mul3A_75, %div3A_22 : vector<512x1xf32>
    %sub3A_77 = arith.subf %broadcast_in_dim3A_72, %mul3A_76 : vector<512x1xf32>
    %mul3A_78 = arith.constant 0.0666666701 : f32
    %mul3A_79 = vector.broadcast %mul3A_78 : f32 to vector<512x1xf32>
    %mul3A_80 = arith.mulf %sub3A_77, %mul3A_79 : vector<512x1xf32>
    %mul3A_81 = arith.mulf %get3A_4, %get3A_7 : vector<512x16xf32>
    %reduce_sum3A_82 = arith.constant dense<0.000000e+00> : vector<512xf32>
    %reduce_sum3A_83 = vector.multi_reduction <add>, %mul3A_81, %reduce_sum3A_82 [1] : vector<512x16xf32> to vector<512xf32>
    %broadcast_in_dim3A_84 = vector.shape_cast %reduce_sum3A_83 : vector<512xf32> to vector<512x1xf32>
    %mul3A_85 = arith.constant 1.600000e+01 : f32
    %mul3A_86 = vector.broadcast %mul3A_85 : f32 to vector<512x1xf32>
    %mul3A_87 = arith.mulf %mul3A_86, %div3A_16 : vector<512x1xf32>
    %mul3A_88 = arith.mulf %mul3A_87, %div3A_22 : vector<512x1xf32>
    %sub3A_89 = arith.subf %broadcast_in_dim3A_84, %mul3A_88 : vector<512x1xf32>
    %mul3A_90 = arith.constant 0.0666666701 : f32
    %mul3A_91 = vector.broadcast %mul3A_90 : f32 to vector<512x1xf32>
    %mul3A_92 = arith.mulf %sub3A_89, %mul3A_91 : vector<512x1xf32>
    %add3A = arith.addf %mul3A_32, %mul3A_44 : vector<512x1xf32>
    %add3A_93 = arith.addf %add3A, %mul3A_56 : vector<512x1xf32>
    %mul3A_94 = arith.constant 0.333333343 : f32
    %mul3A_95 = vector.broadcast %mul3A_94 : f32 to vector<512x1xf32>
    %mul3A_96 = arith.mulf %add3A_93, %mul3A_95 : vector<512x1xf32>
    %mul3A_97 = arith.mulf %mul3A_68, %mul3A_68 : vector<512x1xf32>
    %mul3A_98 = arith.mulf %mul3A_80, %mul3A_80 : vector<512x1xf32>
    %add3A_99 = arith.addf %mul3A_97, %mul3A_98 : vector<512x1xf32>
    %mul3A_100 = arith.mulf %mul3A_92, %mul3A_92 : vector<512x1xf32>
    %add3A_101 = arith.addf %add3A_99, %mul3A_100 : vector<512x1xf32>
    %sub3A_102 = arith.subf %mul3A_32, %mul3A_96 : vector<512x1xf32>
    %sub3A_103 = arith.subf %mul3A_44, %mul3A_96 : vector<512x1xf32>
    %sub3A_104 = arith.subf %mul3A_56, %mul3A_96 : vector<512x1xf32>
    %mul3A_105 = arith.mulf %sub3A_102, %sub3A_102 : vector<512x1xf32>
    %mul3A_106 = arith.mulf %sub3A_103, %sub3A_103 : vector<512x1xf32>
    %add3A_107 = arith.addf %mul3A_105, %mul3A_106 : vector<512x1xf32>
    %mul3A_108 = arith.mulf %sub3A_104, %sub3A_104 : vector<512x1xf32>
    %add3A_109 = arith.addf %add3A_107, %mul3A_108 : vector<512x1xf32>
    %mul3A_110 = arith.constant 2.000000e+00 : f32
    %mul3A_111 = vector.broadcast %mul3A_110 : f32 to vector<512x1xf32>
    %mul3A_112 = arith.mulf %mul3A_111, %add3A_101 : vector<512x1xf32>
    %add3A_113 = arith.addf %add3A_109, %mul3A_112 : vector<512x1xf32>
    %mul3A_114 = arith.constant 0.166666672 : f32
    %mul3A_115 = vector.broadcast %mul3A_114 : f32 to vector<512x1xf32>
    %mul3A_116 = arith.mulf %add3A_113, %mul3A_115 : vector<512x1xf32>
    %max3A = arith.constant 0.000000e+00 : f32
    %max3A_117 = vector.broadcast %max3A : f32 to vector<512x1xf32>
    %max3A_118 = arith.maximumf %mul3A_116, %max3A_117 : vector<512x1xf32>
    %sqrt3A = math.sqrt %max3A_118 : vector<512x1xf32>
    %max3A_119 = arith.constant 1.000000e-30 : f32
    %max3A_120 = vector.broadcast %max3A_119 : f32 to vector<512x1xf32>
    %max3A_121 = arith.maximumf %sqrt3A, %max3A_120 : vector<512x1xf32>
    %div3A_122 = arith.divf %sub3A_102, %max3A_121 : vector<512x1xf32>
    %div3A_123 = arith.divf %sub3A_103, %max3A_121 : vector<512x1xf32>
    %div3A_124 = arith.divf %sub3A_104, %max3A_121 : vector<512x1xf32>
    %div3A_125 = arith.divf %mul3A_68, %max3A_121 : vector<512x1xf32>
    %div3A_126 = arith.divf %mul3A_80, %max3A_121 : vector<512x1xf32>
    %div3A_127 = arith.divf %mul3A_92, %max3A_121 : vector<512x1xf32>
    %mul3A_128 = arith.mulf %div3A_123, %div3A_124 : vector<512x1xf32>
    %mul3A_129 = arith.mulf %div3A_127, %div3A_127 : vector<512x1xf32>
    %sub3A_130 = arith.subf %mul3A_128, %mul3A_129 : vector<512x1xf32>
    %mul3A_131 = arith.mulf %div3A_122, %sub3A_130 : vector<512x1xf32>
    %mul3A_132 = arith.mulf %div3A_125, %div3A_124 : vector<512x1xf32>
    %mul3A_133 = arith.mulf %div3A_127, %div3A_126 : vector<512x1xf32>
    %sub3A_134 = arith.subf %mul3A_132, %mul3A_133 : vector<512x1xf32>
    %mul3A_135 = arith.mulf %div3A_125, %sub3A_134 : vector<512x1xf32>
    %sub3A_136 = arith.subf %mul3A_131, %mul3A_135 : vector<512x1xf32>
    %mul3A_137 = arith.mulf %div3A_125, %div3A_127 : vector<512x1xf32>
    %mul3A_138 = arith.mulf %div3A_123, %div3A_126 : vector<512x1xf32>
    %sub3A_139 = arith.subf %mul3A_137, %mul3A_138 : vector<512x1xf32>
    %mul3A_140 = arith.mulf %div3A_126, %sub3A_139 : vector<512x1xf32>
    %add3A_141 = arith.addf %sub3A_136, %mul3A_140 : vector<512x1xf32>
    %mul3A_142 = arith.constant 5.000000e-01 : f32
    %mul3A_143 = vector.broadcast %mul3A_142 : f32 to vector<512x1xf32>
    %mul3A_144 = arith.mulf %add3A_141, %mul3A_143 : vector<512x1xf32>
    %jit3A = arith.constant -1.000000e+00 : f32
    %jit3A_145 = arith.constant 1.000000e+00 : f32
    %max3A_146 = vector.broadcast %jit3A : f32 to vector<512x1xf32>
    %max3A_147 = arith.maximumf %max3A_146, %mul3A_144 : vector<512x1xf32>
    %min3A = vector.broadcast %jit3A_145 : f32 to vector<512x1xf32>
    %min3A_148 = arith.minimumf %min3A, %max3A_147 : vector<512x1xf32>
    %abs3A = math.absf %min3A_148 : vector<512x1xf32>
    %mul3A_149 = arith.constant -0.0012624911 : f32
    %mul3A_150 = vector.broadcast %mul3A_149 : f32 to vector<512x1xf32>
    %mul3A_151 = arith.mulf %mul3A_150, %abs3A : vector<512x1xf32>
    %add3A_152 = arith.constant 6.670090e-03 : f32
    %add3A_153 = vector.broadcast %add3A_152 : f32 to vector<512x1xf32>
    %add3A_154 = arith.addf %mul3A_151, %add3A_153 : vector<512x1xf32>
    %mul3A_155 = arith.mulf %add3A_154, %abs3A : vector<512x1xf32>
    %add3A_156 = arith.constant -0.0170881264 : f32
    %add3A_157 = vector.broadcast %add3A_156 : f32 to vector<512x1xf32>
    %add3A_158 = arith.addf %mul3A_155, %add3A_157 : vector<512x1xf32>
    %mul3A_159 = arith.mulf %add3A_158, %abs3A : vector<512x1xf32>
    %add3A_160 = arith.constant 0.0308918804 : f32
    %add3A_161 = vector.broadcast %add3A_160 : f32 to vector<512x1xf32>
    %add3A_162 = arith.addf %mul3A_159, %add3A_161 : vector<512x1xf32>
    %mul3A_163 = arith.mulf %add3A_162, %abs3A : vector<512x1xf32>
    %add3A_164 = arith.constant -0.0501743034 : f32
    %add3A_165 = vector.broadcast %add3A_164 : f32 to vector<512x1xf32>
    %add3A_166 = arith.addf %mul3A_163, %add3A_165 : vector<512x1xf32>
    %mul3A_167 = arith.mulf %add3A_166, %abs3A : vector<512x1xf32>
    %add3A_168 = arith.constant 0.0889789909 : f32
    %add3A_169 = vector.broadcast %add3A_168 : f32 to vector<512x1xf32>
    %add3A_170 = arith.addf %mul3A_167, %add3A_169 : vector<512x1xf32>
    %mul3A_171 = arith.mulf %add3A_170, %abs3A : vector<512x1xf32>
    %add3A_172 = arith.constant -0.214598805 : f32
    %add3A_173 = vector.broadcast %add3A_172 : f32 to vector<512x1xf32>
    %add3A_174 = arith.addf %mul3A_171, %add3A_173 : vector<512x1xf32>
    %mul3A_175 = arith.mulf %add3A_174, %abs3A : vector<512x1xf32>
    %add3A_176 = arith.constant 1.57079625 : f32
    %add3A_177 = vector.broadcast %add3A_176 : f32 to vector<512x1xf32>
    %add3A_178 = arith.addf %mul3A_175, %add3A_177 : vector<512x1xf32>
    %sub3A_179 = arith.constant 1.000000e+00 : f32
    %sub3A_180 = vector.broadcast %sub3A_179 : f32 to vector<512x1xf32>
    %sub3A_181 = arith.subf %sub3A_180, %abs3A : vector<512x1xf32>
    %max3A_182 = arith.constant 0.000000e+00 : f32
    %max3A_183 = vector.broadcast %max3A_182 : f32 to vector<512x1xf32>
    %max3A_184 = arith.maximumf %sub3A_181, %max3A_183 : vector<512x1xf32>
    %sqrt3A_185 = math.sqrt %max3A_184 : vector<512x1xf32>
    %mul3A_186 = arith.mulf %sqrt3A_185, %add3A_178 : vector<512x1xf32>
    %ge3A = arith.constant 0.000000e+00 : f32
    %ge3A_187 = vector.broadcast %ge3A : f32 to vector<512x1xf32>
    %ge3A_188 = arith.cmpf oge, %min3A_148, %ge3A_187 : vector<512x1xf32>
    %sub3A_189 = arith.constant 3.14159274 : f32
    %sub3A_190 = vector.broadcast %sub3A_189 : f32 to vector<512x1xf32>
    %sub3A_191 = arith.subf %sub3A_190, %mul3A_186 : vector<512x1xf32>
    %select_n3A = arith.select %ge3A_188, %mul3A_186, %sub3A_191 : vector<512x1xi1>, vector<512x1xf32>
    %mul3A_192 = arith.constant 0.333333343 : f32
    %mul3A_193 = vector.broadcast %mul3A_192 : f32 to vector<512x1xf32>
    %mul3A_194 = arith.mulf %select_n3A, %mul3A_193 : vector<512x1xf32>
    %mul3A_195 = arith.constant 2.000000e+00 : f32
    %mul3A_196 = vector.broadcast %mul3A_195 : f32 to vector<512x1xf32>
    %mul3A_197 = arith.mulf %mul3A_196, %sqrt3A : vector<512x1xf32>
    %mul3A_198 = arith.mulf %mul3A_194, %mul3A_194 : vector<512x1xf32>
    %mul3A_199 = arith.constant 2.48015876E-5 : f32
    %mul3A_200 = vector.broadcast %mul3A_199 : f32 to vector<512x1xf32>
    %mul3A_201 = arith.mulf %mul3A_200, %mul3A_198 : vector<512x1xf32>
    %sub3A_202 = arith.constant 0.00138888892 : f32
    %sub3A_203 = vector.broadcast %sub3A_202 : f32 to vector<512x1xf32>
    %sub3A_204 = arith.subf %mul3A_201, %sub3A_203 : vector<512x1xf32>
    %mul3A_205 = arith.mulf %sub3A_204, %mul3A_198 : vector<512x1xf32>
    %add3A_206 = arith.constant 0.0416666679 : f32
    %add3A_207 = vector.broadcast %add3A_206 : f32 to vector<512x1xf32>
    %add3A_208 = arith.addf %mul3A_205, %add3A_207 : vector<512x1xf32>
    %mul3A_209 = arith.mulf %add3A_208, %mul3A_198 : vector<512x1xf32>
    %sub3A_210 = arith.constant 5.000000e-01 : f32
    %sub3A_211 = vector.broadcast %sub3A_210 : f32 to vector<512x1xf32>
    %sub3A_212 = arith.subf %mul3A_209, %sub3A_211 : vector<512x1xf32>
    %mul3A_213 = arith.mulf %sub3A_212, %mul3A_198 : vector<512x1xf32>
    %add3A_214 = arith.constant 1.000000e+00 : f32
    %add3A_215 = vector.broadcast %add3A_214 : f32 to vector<512x1xf32>
    %add3A_216 = arith.addf %mul3A_213, %add3A_215 : vector<512x1xf32>
    %mul3A_217 = arith.mulf %mul3A_197, %add3A_216 : vector<512x1xf32>
    %add3A_218 = arith.addf %mul3A_96, %mul3A_217 : vector<512x1xf32>
    %mul3A_219 = arith.constant 2.000000e+00 : f32
    %mul3A_220 = vector.broadcast %mul3A_219 : f32 to vector<512x1xf32>
    %mul3A_221 = arith.mulf %mul3A_220, %add3A_218 : vector<512x1xf32>
    %sub3A_222 = arith.subf %mul3A_221, %add3A_93 : vector<512x1xf32>
    %add3A_223 = arith.constant 9.99999997E-7 : f32
    %add3A_224 = vector.broadcast %add3A_223 : f32 to vector<512x1xf32>
    %add3A_225 = arith.addf %add3A_93, %add3A_224 : vector<512x1xf32>
    %div3A_226 = arith.divf %sub3A_222, %add3A_225 : vector<512x1xf32>
    %get3A_227 = arith.constant 0 : index
    %get3A_228 = arith.constant 0 : index
    %get3A_229 = vector.load %arg4[%get3A_227, %get3A_228] : memref<512x16xf32, #tpu.memory_space<vmem>>, vector<512x16xf32>
    %reduce_sum3A_230 = arith.constant dense<0.000000e+00> : vector<512xf32>
    %reduce_sum3A_231 = vector.multi_reduction <add>, %get3A_229, %reduce_sum3A_230 [1] : vector<512x16xf32> to vector<512xf32>
    %broadcast_in_dim3A_232 = vector.shape_cast %reduce_sum3A_231 : vector<512xf32> to vector<512x1xf32>
    %div3A_233 = arith.constant 1.600000e+01 : f32
    %div3A_234 = vector.broadcast %div3A_233 : f32 to vector<512x1xf32>
    %div3A_235 = arith.divf %broadcast_in_dim3A_232, %div3A_234 : vector<512x1xf32>
    %add3A_236 = arith.constant 9.99999997E-7 : f32
    %add3A_237 = vector.broadcast %add3A_236 : f32 to vector<512x1xf32>
    %add3A_238 = arith.addf %div3A_235, %add3A_237 : vector<512x1xf32>
    %div3A_239 = arith.constant 1.000000e+00 : f32
    %div3A_240 = vector.broadcast %div3A_239 : f32 to vector<512x1xf32>
    %div3A_241 = arith.divf %div3A_240, %add3A_238 : vector<512x1xf32>
    %get3A_242 = arith.constant 8 : index
    %get3A_243 = arith.constant 0 : index
    %get3A_244 = vector.load %arg7[%get3A_242, %get3A_243] : memref<16x128xf32, #tpu.memory_space<vmem>>, vector<4x1xf32>
    %max3A_245 = arith.constant 1.000000e+00 : f32
    %max3A_246 = vector.broadcast %max3A_245 : f32 to vector<4x1xf32>
    %max3A_247 = arith.maximumf %get3A_244, %max3A_246 : vector<4x1xf32>
    %get3A_248 = arith.constant 0 : index
    %get3A_249 = arith.constant 0 : index
    %get3A_250 = vector.load %arg7[%get3A_248, %get3A_249] : memref<16x128xf32, #tpu.memory_space<vmem>>, vector<4x32xf32>
    %div3A_251 = vector.broadcast %max3A_247 : vector<4x1xf32> to vector<4x32xf32>
    %div3A_252 = arith.divf %get3A_250, %div3A_251 : vector<4x32xf32>
    %get3A_253 = arith.constant 4 : index
    %get3A_254 = arith.constant 0 : index
    %get3A_255 = vector.load %arg7[%get3A_253, %get3A_254] : memref<16x128xf32, #tpu.memory_space<vmem>>, vector<4x32xf32>
    %div3A_256 = vector.broadcast %max3A_247 : vector<4x1xf32> to vector<4x32xf32>
    %div3A_257 = arith.divf %get3A_255, %div3A_256 : vector<4x32xf32>
    %mul3A_258 = arith.mulf %div3A_252, %div3A_252 : vector<4x32xf32>
    %sub3A_259 = arith.subf %div3A_257, %mul3A_258 : vector<4x32xf32>
    %get3A_260 = arith.constant 0 : index
    %get3A_261 = arith.constant 0 : index
    %get3A_262 = vector.load %arg6[%get3A_260, %get3A_261] : memref<512x1xi32, #tpu.memory_space<vmem>>, vector<512x1xi32>
    %iota3A = tpu.iota {dimensions = array<i32: 1>} : vector<1x4xi32>
    %eq3A = vector.broadcast %get3A_262 : vector<512x1xi32> to vector<512x4xi32>
    %eq3A_263 = vector.broadcast %iota3A : vector<1x4xi32> to vector<512x4xi32>
    %eq3A_264 = arith.cmpi eq, %eq3A, %eq3A_263 : vector<512x4xi32>
    %convert_element_type3A = arith.extui %eq3A_264 : vector<512x4xi1> to vector<512x4xi32>
    %convert_element_type3A_265 = arith.sitofp %convert_element_type3A : vector<512x4xi32> to vector<512x4xf32>
    %dot_general3A = arith.constant dense<0.000000e+00> : vector<512x32xf32>
    %dot_general3A_266 = tpu.matmul %convert_element_type3A_265, %div3A_252, %dot_general3A {dimension_numbers = #tpu.dot_dimension_numbers<[1], [0], [0], [1], [0, 0, 1, 1], [], []>, transpose_lhs_hint = false} : vector<512x4xf32>, vector<4x32xf32>, vector<512x32xf32> -> vector<512x32xf32>
    %dot_general3A_267 = arith.constant dense<0.000000e+00> : vector<512x32xf32>
    %dot_general3A_268 = tpu.matmul %convert_element_type3A_265, %sub3A_259, %dot_general3A_267 {dimension_numbers = #tpu.dot_dimension_numbers<[1], [0], [0], [1], [0, 0, 1, 1], [], []>, transpose_lhs_hint = false} : vector<512x4xf32>, vector<4x32xf32>, vector<512x32xf32> -> vector<512x32xf32>
    %dot_general3A_269 = arith.constant dense<0.000000e+00> : vector<512x1xf32>
    %dot_general3A_270 = tpu.matmul %convert_element_type3A_265, %get3A_244, %dot_general3A_269 {dimension_numbers = #tpu.dot_dimension_numbers<[1], [0], [0], [1], [0, 0, 1, 1], [], []>, transpose_lhs_hint = false} : vector<512x4xf32>, vector<4x1xf32>, vector<512x1xf32> -> vector<512x1xf32>
    %get3A_271 = arith.constant 0 : index
    %get3A_272 = arith.constant 0 : index
    %get3A_273 = vector.load %arg5[%get3A_271, %get3A_272] : memref<512x32xf32, #tpu.memory_space<vmem>>, vector<512x32xf32>
    %sub3A_274 = arith.subf %get3A_273, %dot_general3A_266 : vector<512x32xf32>
    %add3A_275 = arith.constant 9.99999974E-6 : f32
    %add3A_276 = vector.broadcast %add3A_275 : f32 to vector<512x32xf32>
    %add3A_277 = arith.addf %dot_general3A_268, %add3A_276 : vector<512x32xf32>
    %sqrt3A_278 = math.sqrt %add3A_277 : vector<512x32xf32>
    %div3A_279 = arith.divf %sub3A_274, %sqrt3A_278 : vector<512x32xf32>
    %get3A_280 = arith.constant 0 : index
    %get3A_281 = arith.constant 0 : index
    %get3A_282 = vector.load %arg8[%get3A_280, %get3A_281] : memref<1x32xf32, #tpu.memory_space<vmem>>, vector<1x32xf32>
    %mul3A_283 = vector.broadcast %get3A_282 : vector<1x32xf32> to vector<512x32xf32>
    %mul3A_284 = arith.mulf %div3A_279, %mul3A_283 : vector<512x32xf32>
    %get3A_285 = arith.constant 0 : index
    %get3A_286 = arith.constant 0 : index
    %get3A_287 = vector.load %arg9[%get3A_285, %get3A_286] : memref<1x32xf32, #tpu.memory_space<vmem>>, vector<1x32xf32>
    %add3A_288 = vector.broadcast %get3A_287 : vector<1x32xf32> to vector<512x32xf32>
    %add3A_289 = arith.addf %mul3A_284, %add3A_288 : vector<512x32xf32>
    %max3A_290 = arith.constant 0.000000e+00 : f32
    %max3A_291 = vector.broadcast %max3A_290 : f32 to vector<512x32xf32>
    %max3A_292 = arith.maximumf %add3A_289, %max3A_291 : vector<512x32xf32>
    %get3A_293 = arith.constant 0 : index
    %get3A_294 = arith.constant 0 : index
    %get3A_295 = vector.load %arg10[%get3A_293, %get3A_294] : memref<32x3xf32, #tpu.memory_space<vmem>>, vector<32x3xf32>
    %dot_general3A_296 = arith.constant dense<0.000000e+00> : vector<512x3xf32>
    %dot_general3A_297 = tpu.matmul %max3A_292, %get3A_295, %dot_general3A_296 {dimension_numbers = #tpu.dot_dimension_numbers<[1], [0], [0], [1], [0, 0, 1, 1], [], []>, transpose_lhs_hint = false} : vector<512x32xf32>, vector<32x3xf32>, vector<512x3xf32> -> vector<512x3xf32>
    %get3A_298 = arith.constant 0 : index
    %get3A_299 = arith.constant 0 : index
    %get3A_300 = vector.load %arg11[%get3A_298, %get3A_299] : memref<1x3xf32, #tpu.memory_space<vmem>>, vector<1x3xf32>
    %add3A_301 = vector.broadcast %get3A_300 : vector<1x3xf32> to vector<512x3xf32>
    %add3A_302 = arith.addf %dot_general3A_297, %add3A_301 : vector<512x3xf32>
    %reduce_max3A = arith.constant dense<0xFF800000> : vector<512xf32>
    %reduce_max3A_303 = vector.multi_reduction <maximumf>, %add3A_302, %reduce_max3A [1] : vector<512x3xf32> to vector<512xf32>
    %broadcast_in_dim3A_304 = vector.shape_cast %reduce_max3A_303 : vector<512xf32> to vector<512x1xf32>
    %sub3A_305 = vector.broadcast %broadcast_in_dim3A_304 : vector<512x1xf32> to vector<512x3xf32>
    %sub3A_306 = arith.subf %add3A_302, %sub3A_305 : vector<512x3xf32>
    %exp3A = math.exp %sub3A_306 : vector<512x3xf32>
    %reduce_sum3A_307 = arith.constant dense<0.000000e+00> : vector<512xf32>
    %reduce_sum3A_308 = vector.multi_reduction <add>, %exp3A, %reduce_sum3A_307 [1] : vector<512x3xf32> to vector<512xf32>
    %broadcast_in_dim3A_309 = vector.shape_cast %reduce_sum3A_308 : vector<512xf32> to vector<512x1xf32>
    %div3A_310 = vector.broadcast %broadcast_in_dim3A_309 : vector<512x1xf32> to vector<512x3xf32>
    %div3A_311 = arith.divf %exp3A, %div3A_310 : vector<512x3xf32>
    %slice3A = vector.extract_strided_slice %div3A_311 {offsets = [0, 0], sizes = [512, 1], strides = [1, 1]} : vector<512x3xf32> to vector<512x1xf32>
    %slice3A_312 = vector.extract_strided_slice %div3A_311 {offsets = [0, 1], sizes = [512, 1], strides = [1, 1]} : vector<512x3xf32> to vector<512x1xf32>
    %slice3A_313 = vector.extract_strided_slice %div3A_311 {offsets = [0, 2], sizes = [512, 1], strides = [1, 1]} : vector<512x3xf32> to vector<512x1xf32>
    %mul3A_314 = arith.constant 2.000000e+00 : f32
    %mul3A_315 = vector.broadcast %mul3A_314 : f32 to vector<512x1xf32>
    %mul3A_316 = arith.mulf %div3A_241, %mul3A_315 : vector<512x1xf32>
    %add3A_317 = arith.addf %mul3A_316, %slice3A : vector<512x1xf32>
    %mul3A_318 = arith.constant 0.333333343 : f32
    %mul3A_319 = vector.broadcast %mul3A_318 : f32 to vector<512x1xf32>
    %mul3A_320 = arith.mulf %add3A_317, %mul3A_319 : vector<512x1xf32>
    %sub3A_321 = arith.constant 1.000000e+00 : f32
    %sub3A_322 = vector.broadcast %sub3A_321 : f32 to vector<512x1xf32>
    %sub3A_323 = arith.subf %sub3A_322, %div3A_226 : vector<512x1xf32>
    %sub3A_324 = arith.constant 1.000000e+00 : f32
    %sub3A_325 = vector.broadcast %sub3A_324 : f32 to vector<512x1xf32>
    %sub3A_326 = arith.subf %sub3A_325, %div3A_241 : vector<512x1xf32>
    %max3A_327 = arith.maximumf %sub3A_323, %sub3A_326 : vector<512x1xf32>
    %add3A_328 = arith.addf %max3A_327, %slice3A_312 : vector<512x1xf32>
    %mul3A_329 = arith.constant 0.333333343 : f32
    %mul3A_330 = vector.broadcast %mul3A_329 : f32 to vector<512x1xf32>
    %mul3A_331 = arith.mulf %add3A_328, %mul3A_330 : vector<512x1xf32>
    %mul3A_332 = arith.constant 2.000000e+00 : f32
    %mul3A_333 = vector.broadcast %mul3A_332 : f32 to vector<512x1xf32>
    %mul3A_334 = arith.mulf %div3A_226, %mul3A_333 : vector<512x1xf32>
    %add3A_335 = arith.addf %mul3A_334, %slice3A_313 : vector<512x1xf32>
    %mul3A_336 = arith.constant 0.333333343 : f32
    %mul3A_337 = vector.broadcast %mul3A_336 : f32 to vector<512x1xf32>
    %mul3A_338 = arith.mulf %add3A_335, %mul3A_337 : vector<512x1xf32>
    %mul3A_339 = arith.constant 5.000000e-02 : f32
    %mul3A_340 = vector.broadcast %mul3A_339 : f32 to vector<512x1xf32>
    %mul3A_341 = arith.mulf %mul3A_320, %mul3A_340 : vector<512x1xf32>
    %mul3A_342 = arith.constant 2.000000e-01 : f32
    %mul3A_343 = vector.broadcast %mul3A_342 : f32 to vector<512x1xf32>
    %mul3A_344 = arith.mulf %mul3A_331, %mul3A_343 : vector<512x1xf32>
    %add3A_345 = arith.addf %mul3A_341, %mul3A_344 : vector<512x1xf32>
    %mul3A_346 = arith.constant 1.000000e-01 : f32
    %mul3A_347 = vector.broadcast %mul3A_346 : f32 to vector<512x1xf32>
    %mul3A_348 = arith.mulf %mul3A_338, %mul3A_347 : vector<512x1xf32>
    %add3A_349 = arith.addf %add3A_345, %mul3A_348 : vector<512x1xf32>
    %add3A_350 = arith.constant 9.99999997E-7 : f32
    %add3A_351 = vector.broadcast %add3A_350 : f32 to vector<512x1xf32>
    %add3A_352 = arith.addf %add3A_349, %add3A_351 : vector<512x1xf32>
    %mul3A_353 = arith.constant 5.000000e-02 : f32
    %mul3A_354 = vector.broadcast %mul3A_353 : f32 to vector<512x1xf32>
    %mul3A_355 = arith.mulf %mul3A_320, %mul3A_354 : vector<512x1xf32>
    %mul3A_356 = arith.constant 2.000000e-01 : f32
    %mul3A_357 = vector.broadcast %mul3A_356 : f32 to vector<512x1xf32>
    %mul3A_358 = arith.mulf %mul3A_331, %mul3A_357 : vector<512x1xf32>
    %add3A_359 = arith.addf %mul3A_355, %mul3A_358 : vector<512x1xf32>
    %mul3A_360 = arith.constant 2.000000e+00 : f32
    %mul3A_361 = vector.broadcast %mul3A_360 : f32 to vector<512x1xf32>
    %mul3A_362 = arith.mulf %mul3A_338, %mul3A_361 : vector<512x1xf32>
    %add3A_363 = arith.addf %add3A_359, %mul3A_362 : vector<512x1xf32>
    %add3A_364 = arith.constant 9.99999997E-7 : f32
    %add3A_365 = vector.broadcast %add3A_364 : f32 to vector<512x1xf32>
    %add3A_366 = arith.addf %add3A_363, %add3A_365 : vector<512x1xf32>
    %concatenate3A = tpu.concatenate %add3A_352, %add3A_352, %add3A_366 in 1 : vector<512x1xf32>, vector<512x1xf32>, vector<512x1xf32> -> vector<512x3xf32>
    %ge3A_367 = arith.constant 1.600000e+01 : f32
    %ge3A_368 = vector.broadcast %ge3A_367 : f32 to vector<512x1xf32>
    %ge3A_369 = arith.cmpf oge, %dot_general3A_270, %ge3A_368 : vector<512x1xf32>
    %jit3A_370 = arith.constant 2.000000e-01 : f32
    %broadcast_in_dim3A_371 = vector.shape_cast %ge3A_369 : vector<512x1xi1> to vector<512x1xi1>
    %broadcast_in_dim3A_372 = vector.broadcast %broadcast_in_dim3A_371 : vector<512x1xi1> to vector<512x3xi1>
    %broadcast_in_dim3A_373 = vector.broadcast %jit3A_370 : f32 to vector<512x3xf32>
    %select_n3A_374 = arith.select %broadcast_in_dim3A_372, %concatenate3A, %broadcast_in_dim3A_373 : vector<512x3xi1>, vector<512x3xf32>
    %swap3A = arith.constant 0 : index
    %swap3A_375 = arith.constant 0 : index
    %swap3A_376 = vector.load %arg12[%swap3A, %swap3A_375] : memref<512x3xf32, #tpu.memory_space<vmem>>, vector<512x3xf32>
    tpu.vector_store %arg12[%swap3A, %swap3A_375], %select_n3A_374 {strides = array<i32>} : memref<512x3xf32, #tpu.memory_space<vmem>>, vector<512x3xf32>,
    return
  }
  func.func @transform_0(%arg0: i32) -> (i32, i32) {
    %c0_i32 = arith.constant 0 : i32
    %c0_i32_0 = arith.constant 0 : i32
    return %arg0, %c0_i32 : i32, i32
  }
  func.func @transform_1(%arg0: i32) -> (i32, i32) {
    %c0_i32 = arith.constant 0 : i32
    %c0_i32_0 = arith.constant 0 : i32
    return %arg0, %c0_i32 : i32, i32
  }
  func.func @transform_2(%arg0: i32) -> (i32, i32) {
    %c0_i32 = arith.constant 0 : i32
    %c0_i32_0 = arith.constant 0 : i32
    return %arg0, %c0_i32 : i32, i32
  }
  func.func @transform_3(%arg0: i32) -> (i32, i32) {
    %c0_i32 = arith.constant 0 : i32
    %c0_i32_0 = arith.constant 0 : i32
    return %arg0, %c0_i32 : i32, i32
  }
  func.func @transform_4(%arg0: i32) -> (i32, i32) {
    %c0_i32 = arith.constant 0 : i32
    %c0_i32_0 = arith.constant 0 : i32
    return %arg0, %c0_i32 : i32, i32
  }
  func.func @transform_5(%arg0: i32) -> (i32, i32) {
    %c0_i32 = arith.constant 0 : i32
    %c0_i32_0 = arith.constant 0 : i32
    return %arg0, %c0_i32 : i32, i32
  }
  func.func @transform_6(%arg0: i32) -> (i32, i32) {
    %c0_i32 = arith.constant 0 : i32
    %c0_i32_0 = arith.constant 0 : i32
    %c0_i32_1 = arith.constant 0 : i32
    return %c0_i32, %c0_i32_0 : i32, i32
  }
  func.func @transform_7(%arg0: i32) -> (i32, i32) {
    %c0_i32 = arith.constant 0 : i32
    %c0_i32_0 = arith.constant 0 : i32
    %c0_i32_1 = arith.constant 0 : i32
    return %c0_i32, %c0_i32_0 : i32, i32
  }
  func.func @transform_8(%arg0: i32) -> (i32, i32) {
    %c0_i32 = arith.constant 0 : i32
    %c0_i32_0 = arith.constant 0 : i32
    %c0_i32_1 = arith.constant 0 : i32
    return %c0_i32, %c0_i32_0 : i32, i32
  }
  func.func @transform_9(%arg0: i32) -> (i32, i32) {
    %c0_i32 = arith.constant 0 : i32
    %c0_i32_0 = arith.constant 0 : i32
    %c0_i32_1 = arith.constant 0 : i32
    return %c0_i32, %c0_i32_0 : i32, i32
  }
  func.func @transform_10(%arg0: i32) -> (i32, i32) {
    %c0_i32 = arith.constant 0 : i32
    %c0_i32_0 = arith.constant 0 : i32
    %c0_i32_1 = arith.constant 0 : i32
    return %c0_i32, %c0_i32_0 : i32, i32
  }
  func.func @transform_11(%arg0: i32) -> (i32, i32) {
    %c0_i32 = arith.constant 0 : i32
    %c0_i32_0 = arith.constant 0 : i32
    return %arg0, %c0_i32 : i32, i32
  }
}

</mosaic_0001>

<sc_bundles>
// kernel: kernel.5.cloned.1.call-start
scs
__scs_entry_jumppad:
0x0: {  	(pc) =	sbr.rel $0x88, $3  }
0x1: {  	(tag) =	ssettag $0x0;
	lr =	simm.s32 $0x1  }
0x2: {  	[smem:$0x3F98] =	sst lr;
	_ =	strace $0xD0000000  }
0x3: {  	_ = 	snop  }
0x4: {  	_ = 	snop  }
0x5: {  	_ = 	snop  }
0x6: {  	_ = 	snop  }
0x7: {  	_ = 	snop  }
__scs_overlays_trampoline_lowered:
0x8: {  	[smem:$0x3FA7] =	sst s0  }
0x9: {  	[smem:$0x3FA8] =	sst s1  }
0xa: {  	[smem:$0x3FA9] =	sst s2  }
0xb: {  	[smem:$0x3FAA] =	sst s3  }
0xc: {  	[smem:$0x3FAB] =	sst s4  }
0xd: {  	[smem:$0x3FAC] =	sst s5  }
0xe: {  	[smem:$0x3FAD] =	sst s6  }
0xf: {  	[smem:$0x3FAE] =	sst s7  }
0x10: {  	[smem:$0x3FAF] =	sst s8  }
0x11: {  	[smem:$0x3FB0] =	sst s9;
	s0 =	simm.s32 @!p0 $0x0  }
0x12: {  	s1 =	sld [smem:$0x3F96];
	s0 =	simm.s32 @p0 $0x1  }
0x13: {  	[smem:$0x3FB1] =	sst s0;
	s0 =	simm.s32 @!p1 $0x0  }
0x14: {  	s2 =	sld [smem:$0x3F95];
	s0 =	simm.s32 @p1 $0x1  }
0x15: {  	[smem:$0x3FB2] =	sst s0;
	s0 =	simm.s32 @!p2 $0x0  }
0x16: {  	s3 =	sld [smem:$0x3FDB];
	s0 =	simm.s32 @p2 $0x1  }
0x17: {  	s4 =	simm.s32 $0x1BF5;
	[smem:$0x3FB4] =	sst s0  }
0x18: {  	s0 =	sld [smem:$0x3F97];
	_ =	swait.ge [sflag:s4], $0x0  }
0x19: {  	s7 =	sld [smem:$0x3F98]  }
0x1a: {  	s8 =	sadd.s32 $0xFFFFE003, lr  }
0x1b: {  	s9 =	sadd.s32 $0xFFFFFEF7, lr;
	s5 =	simm.s32 $0xFFFFFFFF;
	p2 =	slt.u32 s8, $0xFFFFF086  }
0x1c: {  	p1 =	slt.u32 s9, $0xF7A;
	s5 =	simm.s32 @!p2 $0x0  }
0x1d: {  	s5 =	simm.s32 @p1 $0x1;
	p0 =	seq.s32 s7, s2  }
0x1e: {  	s7 =	smul.u32 @!p0 $0xF7A, s2;
	p2 =	seq.s32 @!p0 s5, $0x0  }
0x1f: {  	s9 =	smul.u32 $0xF7A, s1;
	s8 =	simm.s32 @!p0 $0x1BF5;
	p2 =	por !p2, p0  }
0x20: {  	[sflag:s8] =	ssyncset.s32 @!p0 $0xFFFFF086;
	s6 =	sadd.s32 @!p0 s3, s7;
	s7 =	simm.s32 @!p0 $0x108  }
0x21: {  	s3 =	sadd.s32 s3, s9;
	s6 =	sadd.s32 @!p0 $0x88, s6;
	s7 =	simm.s32 @p2 $0x1082  }
0x22: {  	[simem:s7], [sflag:s8] =	dma.local @!p0 [hbm:s6], $0xF7A  }
0x23: {  	s9 =	sor.u32 $0xD0000000, s2;
	s6 =	simm.s32 $0x108;
	_ =	swait.ge @!p0 [sflag:s8], $0x0  }
0x24: {  	s3 =	sadd.s32 $0x88, s3;
	s6 =	simm.s32 @!p1 $0x1082;
	[sflag:s4] =	ssyncset.s32 $0xFFFFF086  }
0x25: {  	[simem:s6], [sflag:s4] =	dma.local [hbm:s3], $0xF7A  }
0x26: {  	[smem:$0x3F98] =	sst s1;
	(tag) =	ssettag s2;
	_ =	strace s9  }
0x27: {  	s1 =	sld [smem:$0x3FA8]  }
0x28: {  	s2 =	sld [smem:$0x3FA9]  }
0x29: {  	s4 =	sld [smem:$0x3FAB]  }
0x2a: {  	p0 =	seq.s32 s5, $0x0;
	s5 =	sld [smem:$0x3FAC]  }
0x2b: {  	s6 =	sld [smem:$0x3FAD]  }
0x2c: {  	s7 =	sld [smem:$0x3FAE]  }
0x2d: {  	s3 =	simm.s32 $0x108;
	s8 =	sld [smem:$0x3FAF]  }
0x2e: {  	s3 =	simm.s32 @!p0 $0x1082;
	s9 =	sld [smem:$0x3FB0]  }
0x2f: {  	lr =	sadd.s32 s0, s3;
	s0 =	sld [smem:$0x3FA7]  }
0x30: {  	s3 =	sld [smem:$0x3FAA]  }
0x31: {  	[smem:$0x3FB3] =	sst s10  }
0x32: {  	s10 =	sld [smem:$0x3FB1];
	_ =	sdelay $0x3  }
0x33: {  	p0 =	seq.s32 s10, $0x1;
	s10 =	sld [smem:$0x3FB3];
	_ =	sdelay $0x3  }
0x34: {  	[smem:$0x3FB3] =	sst s10  }
0x35: {  	s10 =	sld [smem:$0x3FB2];
	_ =	sdelay $0x3  }
0x36: {  	p1 =	seq.s32 s10, $0x1;
	s10 =	sld [smem:$0x3FB3];
	_ =	sdelay $0x3  }
0x37: {  	[smem:$0x3FB3] =	sst s10  }
0x38: {  	s10 =	sld [smem:$0x3FB4]  }
0x39: {  	_ = 	snop;
	(pc) =	sbr.ind lr, $3  }
0x3a: {  	_ = 	snop  }
0x3b: {  	_ = 	snop  }
0x3c: {  	p2 =	seq.s32 s10, $0x1;
	s10 =	sld [smem:$0x3FB3]  }
0x3d: {  	_ =	shalt  }
0x3e: {  	_ =	shalt  }
0x3f: {  	_ =	shalt  }
0x40: {  	_ =	shalt  }
0x41: {  	_ =	shalt  }
0x42: {  	_ =	shalt  }
0x43: {  	_ =	shalt  }
0x44: {  	_ =	shalt  }
0x45: {  	_ =	shalt  }
0x46: {  	_ =	shalt  }
0x47: {  	_ =	shalt  }
0x48: {  	_ =	shalt  }
0x49: {  	_ =	shalt  }
0x4a: {  	_ =	shalt  }
0x4b: {  	_ =	shalt  }
0x4c: {  	_ =	shalt  }
0x4d: {  	_ =	shalt  }
0x4e: {  	_ =	shalt  }
0x4f: {  	_ =	shalt  }
0x50: {  	_ =	shalt  }
0x51: {  	_ =	shalt  }
0x52: {  	_ =	shalt  }
0x53: {  	_ =	shalt  }
0x54: {  	_ =	shalt  }
0x55: {  	_ =	shalt  }
0x56: {  	_ =	shalt  }
0x57: {  	_ =	shalt  }
0x58: {  	_ =	shalt  }
0x59: {  	_ =	shalt  }
0x5a: {  	_ =	shalt  }
0x5b: {  	_ =	shalt  }
0x5c: {  	_ =	shalt  }
0x5d: {  	_ =	shalt  }
0x5e: {  	_ =	shalt  }
0x5f: {  	_ =	shalt  }
0x60: {  	_ =	shalt  }
0x61: {  	_ =	shalt  }
0x62: {  	_ =	shalt  }
0x63: {  	_ =	shalt  }
0x64: {  	_ =	shalt  }
0x65: {  	_ =	shalt  }
0x66: {  	_ =	shalt  }
0x67: {  	_ =	shalt  }
0x68: {  	_ =	shalt  }
0x69: {  	_ =	shalt  }
0x6a: {  	_ =	shalt  }
0x6b: {  	_ =	shalt  }
0x6c: {  	_ =	shalt  }
0x6d: {  	_ =	shalt  }
0x6e: {  	_ =	shalt  }
0x6f: {  	_ =	shalt  }
0x70: {  	_ =	shalt  }
0x71: {  	_ =	shalt  }
0x72: {  	_ =	shalt  }
0x73: {  	_ =	shalt  }
0x74: {  	_ =	shalt  }
0x75: {  	_ =	shalt  }
0x76: {  	_ =	shalt  }
0x77: {  	_ =	shalt  }
0x78: {  	_ =	shalt  }
0x79: {  	_ =	shalt  }
0x7a: {  	_ =	shalt  }
0x7b: {  	_ =	shalt  }
0x7c: {  	_ =	shalt  }
0x7d: {  	_ =	shalt  }
0x7e: {  	_ =	shalt  }
0x7f: {  	_ =	shalt  }
0x80: {  	_ =	shalt  }
0x81: {  	_ =	shalt  }
0x82: {  	_ =	shalt  }
0x83: {  	_ =	shalt  }
0x84: {  	_ =	shalt  }
0x85: {  	_ =	shalt  }
0x86: {  	_ =	shalt  }
0x87: {  	_ =	shalt  }
.Lfunc_end0:
.L_simem_size_0:
called_computation_lowered:
.L_overlay_start_0:
0x88: {  	s2 =	sld [smem:$0x3FD9]  }
0x89: {  	s3 =	sld [smem:$0x3FFE];
	_ =	sdelay $0x1  }
0x8a: {  	s1 =	srdreg.scid  }
0x8b: {  	s0 =	sand.u32 $0x1, s1  }
0x8c: {  	s17 =	sshll.u32 s0, $0xA;
	s2 =	sadd.s32 s3, s2  }
0x8d: {  	s2 =	sadd.s32 s2, s17  }
0x8e: {  	[smem:$0x3FBF] =	sst s2  }
0x8f: {  	_ = 	snop  }
0x90: {  	s2 =	sld [smem:$0x3FD0];
	(tm) =	ssettm $0x1  }
0x91: {  	s18 =	sld [smem:$0x3FFB];
	_ =	sdelay $0x3  }
0x92: {  	_ =	strace s18  }
0x93: {  	s3 =	sld [smem:$0x3FFC];
	_ =	sdelay $0x3  }
0x94: {  	_ =	strace s3  }
0x95: {  	s3 =	sld [smem:$0x3FFD];
	_ =	sdelay $0x3  }
0x96: {  	_ =	strace s3  }
0x97: {  	_ =	strace $0x8FFFFFFF  }
0x98: {  	s19 =	sld [smem:$0x3FDB];
	_ =	sdelay $0x1  }
0x99: {  	s4 =	simm.s32 $_scs_section_size  }
0x9a: {  	s5 =	simm.s32 $_size__tile_overlayer_lowered;
	s6 =	simm.s32 $_tile_overlayer_lowered  }
0x9b: {  	s22 =	simm.s32 $0x1BFF;
	s21 =	sshll.u32 s6, $0x1;
	s3 =	sadd.s32 s4, s19  }
0x9c: {  	s7 =	simm.s32 $0x0;
	s20 =	sshll.u32 s5, $0x1;
	s5 =	sadd.s32 s21, s3  }
0x9d: {  	[timem:s7], [sflag:s22] =	dma.local [hbm:s5], s20  }
0x9e: {  	_ =	swait.ge [sflag:s22], s20  }
0x9f: {  	s4 =	ssub.s32 $0x0, s20;
	[sflag:s22] =	ssyncset.done $0x0  }
0xa0: {  	[sflag:s22] =	ssyncadd.s32 s4;
	_ =	sdelay $0x1  }
0xa1: {  	s23 =	simm.s32 $0x1B8B  }
0xa2: {  	_ =	swait.ge [sflag:s23], $0x1  }
0xa3: {  	[sflag:s23] =	ssyncset.done $0x0  }
0xa4: {  	s25 =	simm.s32 $0x1B8E;
	s24 =	sld [smem:$0x3FFE];
	[sflag:s23] =	ssyncadd.s32 $0xFFFFFFFF  }
0xa5: {  	s26 =	simm.s32 $execute0_lowered;
	[smem:$0x3FD2] =	sst s25  }
0xa6: {  	s5 =	sshll.u32 s26, $0x1;
	_ =	strace $0x80000046;
	[dreg:$0x1] =	wrdreg $0xFFFFFFFF  }
0xa7: {  	s28 =	simm.s32 $_size_execute0_lowered;
	s3 =	sadd.s32 s3, s5;
	[dreg:$0x0] =	wrdreg $0x0  }
0xa8: {  	s5 =	sshll.u32 s28, $0x1;
	[dreg:$0x2] =	wrdreg s3  }
0xa9: {  	[dreg:$0x3] =	wrdreg s5  }
0xaa: {  	[dreg:$0x4] =	wrdreg $0xC0  }
0xab: {  	_ =	task [dreg:s7], $0x5FFFF  }
0xac: {  	[dreg:$0x1] =	wrdreg $0xFFFFFFFF  }
0xad: {  	[dreg:$0x0] =	wrdreg $0x60  }
0xae: {  	[dreg:$0x2] =	wrdreg s24  }
0xaf: {  	[dreg:$0x3] =	wrdreg s2  }
0xb0: {  	[dreg:$0x4] =	wrdreg $0x9  }
0xb1: {  	_ =	task.clear_ibuf [dreg:s7], $0x5FFFF;
	_ =	strace $0x90000046  }
0xb2: {  	s29 =	simm.s32 $0x9;
	_ =	strace $0x80000048  }
0xb3: {  	_ =	swait.ge [sflag:s29], $0x1  }
0xb4: {  	[sflag:s29] =	ssyncadd.s32 $0xFFFFFFFF  }
0xb5: {  	_ =	strace $0x90000048  }
0xb6: {  	_ =	sfence  }
0xb7: {  	s30 =	sld [smem:$0x0];
	_ =	sdelay $0x2  }
0xb8: {  	s31 =	sshll.u32 s1, $0xD;
	s1 =	sshrl.u32 s1, $0x2  }
0xb9: {  	s3 =	sand.u32 $0x4000, s31;
	s1 =	sadd.s32 s1, s30  }
0xba: {  	s0 =	sor.u32 s3, s0;
	s1 =	sshll.u32 s1, $0x11  }
0xbb: {  	s0 =	sor.u32 s1, s0  }
0xbc: {  	s0 =	sadd.s32 $0x8F2B, s0  }
0xbd: {  	[sflag:s0] =	ssyncadd.remote.s32 $0x1  }
0xbe: {  	_ =	sfence.sel $0xFFFF  }
0xbf: {  	[dreg:$0x0] =	wrdreg $0xFFFFFFFF;
	(pc) =	sbr.abs _section_cstart, $3  }
0xc0: {  	[dreg:$0x1] =	wrdreg $0xFFFFFFFF  }
0xc1: {  	_ =	task.clear_ibuf [dreg:s7], $0x2FFFF;
	_ =	strace $0x9FFFFFFF  }
0xc2: {  	(tm) =	ssettm $0x7FFFFFFF  }
0xc3: {  	_ =	shalt  }
tec
execute0_lowered:
.L_overlay_start_1:
0x0: {  	(tag) =	ssettag $0x1  }
0x1: {  	s1 =	srdreg.scid  }
0x2: {  	s8 =	rddreg [dreg:$0x0];
	s0 =	stileid.u32;
	s15 =	sand.u32 $0x1, s1  }
0x3: {  	s2 =	rddreg [dreg:$0x1];
	s4 =	sshll.u32 s0, $0xB;
	s5 =	sshll.u32 s15, $0xA  }
0x4: {  	s3 =	simm.s32 $0x0;
	s1 =	rddreg [dreg:$0x2];
	s4 =	sor.u32 s5, s4  }
0x5: {  	[smem:$0x7FF] =	sst s3;
	s16 =	sadd.s32 s4, s8  }
0x6: {  	_ =	strace $0x80000047;
	s4 =	simm.s32 $0x4;
	s5 =	sadd.s32 $0x3C00, s16  }
0x7: {  	[tilespmem:s3], [sflag:$0x4] =	stream.linear.gather [hbm4b:s5+s3], $0x2000, $0x38;
	[tilespmem:$0x8000] =	vst v63  }
0x8: {  	_ =	swait.ge [sflag:s4], $0x2000  }
0x9: {  	[sflag:s4] =	ssyncset.done $0x0  }
0xa: {  	s7 =	simm.s32 $0x2000;
	s6 =	sadd.s32 $0x3400, s8;
	[sflag:s4] =	ssyncadd.s32 $0xFFFFE000  }
0xb: {  	[tilespmem:s7], [sflag:$0x1] =	stream.indirect.gather [hbm4b:s6+s7], $0x1, s3, s7, $0xb8;
	[tilespmem:$0x8000] =	vst v63  }
0xc: {  	s9 =	simm.s32 $0x4000;
	s8 =	sadd.s32 $0x2C00, s8  }
0xd: {  	[tilespmem:s9], [sflag:$0x2] =	stream.indirect.gather [hbm4b:s8+s7], $0x1, s3, s7, $0xb8;
	[tilespmem:$0x8000] =	vst v63  }
0xe: {  	s10 =	simm.s32 $0x6000;
	s11 =	simm.s32 $0x1  }
0xf: {  	[tilespmem:s10], [sflag:$0x3] =	stream.indirect.gather [hbm4b:s2+s7], $0x1, s3, s7, $0xb8;
	[tilespmem:$0x8000] =	vst v63  }
0x10: {  	_ =	swait.ge [sflag:s11], $0x2000  }
0x11: {  	[sflag:s11] =	ssyncset.done $0x0  }
0x12: {  	s12 =	simm.s32 $0x2;
	[sflag:s11] =	ssyncadd.s32 $0xFFFFE000  }
0x13: {  	_ =	swait.ge [sflag:s12], $0x2000  }
0x14: {  	[sflag:s12] =	ssyncset.done $0x0  }
0x15: {  	s13 =	simm.s32 $0x3;
	[sflag:s12] =	ssyncadd.s32 $0xFFFFE000  }
0x16: {  	_ =	swait.ge [sflag:s13], $0x2000  }
0x17: {  	[sflag:s13] =	ssyncset.done $0x0  }
0x18: {  	s17 =	ssub.s32 $0x2, s15;
	s14 =	sadd.s32 $0xBC00, s16;
	[sflag:s13] =	ssyncadd.s32 $0xFFFFE000  }
0x19: {  	[hbm4b:s14+s3] =	stream.linear.scatter [tilespmem:s7], [sflag:$0x4], $0x2000, $0x38;
	[tilespmem:$0x8000] =	vst v63  }
0x1a: {  	s18 =	sshrl.u32 s17, $0x1;
	_ =	swait.ge [sflag:s4], $0x2000  }
0x1b: {  	s17 =	ssub.s32 s17, s18;
	[sflag:s4] =	ssyncset.done $0x0  }
0x1c: {  	s15 =	sadd.s32 $0x13C00, s16;
	s17 =	smax.u32 s17, $0x1;
	[sflag:s4] =	ssyncadd.s32 $0xFFFFE000  }
0x1d: {  	[hbm4b:s15+s3] =	stream.linear.scatter [tilespmem:s9], [sflag:$0x4], $0x2000, $0x38;
	[tilespmem:$0x8000] =	vst v63  }
0x1e: {  	p0 =	sne.s32 s17, $0x1;
	_ =	swait.ge [sflag:s4], $0x2000  }
.Ltmp0:
0x1f: {  	[sflag:s4] =	ssyncset.done $0x0;
	(pc) =	sbr.rel @!p0 .LBB2_2-.Ltmp0, $4  }
0x20: {  	s16 =	sadd.s32 $0x1BC00, s16;
	[sflag:s4] =	ssyncadd.s32 $0xFFFFE000  }
0x21: {  	[hbm4b:s16+s3] =	stream.linear.scatter [tilespmem:s10], [sflag:$0x4], $0x2000, $0x38;
	[tilespmem:$0x8000] =	vst v63  }
0x22: {  	_ =	swait.ge [sflag:s4], $0x2000  }
0x23: {  	s17 =	sadd.s32 $0xFFFFFFFF, s17;
	[sflag:s4] =	ssyncset.done $0x0  }
.LBB2_1:
0x24: {  	p0 =	sne.s32 s17, $0x1;
	s17 =	sadd.s32 $0xFFFFFFFF, s17;
	[sflag:s4] =	ssyncadd.s32 $0xFFFFE000  }
0x25: {  	[tilespmem:s3], [sflag:$0x4] =	stream.linear.gather [hbm4b:s5+s3], $0x2000, $0x38;
	[tilespmem:$0x8000] =	vst v63  }
0x26: {  	_ =	swait.ge [sflag:s4], $0x2000  }
0x27: {  	[sflag:s4] =	ssyncset.done $0x0  }
0x28: {  	[sflag:s4] =	ssyncadd.s32 $0xFFFFE000  }
0x29: {  	[tilespmem:s7], [sflag:$0x1] =	stream.indirect.gather [hbm4b:s6+s7], $0x1, s3, s7, $0xb8;
	[tilespmem:$0x8000] =	vst v63  }
0x2a: {  	_ = 	snop  }
0x2b: {  	[tilespmem:s9], [sflag:$0x2] =	stream.indirect.gather [hbm4b:s8+s7], $0x1, s3, s7, $0xb8;
	[tilespmem:$0x8000] =	vst v63  }
0x2c: {  	_ = 	snop  }
0x2d: {  	[tilespmem:s10], [sflag:$0x3] =	stream.indirect.gather [hbm4b:s2+s7], $0x1, s3, s7, $0xb8;
	[tilespmem:$0x8000] =	vst v63  }
0x2e: {  	_ =	swait.ge [sflag:s11], $0x2000  }
0x2f: {  	[sflag:s11] =	ssyncset.done $0x0  }
0x30: {  	[sflag:s11] =	ssyncadd.s32 $0xFFFFE000  }
0x31: {  	_ =	swait.ge [sflag:s12], $0x2000  }
0x32: {  	[sflag:s12] =	ssyncset.done $0x0  }
0x33: {  	[sflag:s12] =	ssyncadd.s32 $0xFFFFE000  }
0x34: {  	_ =	swait.ge [sflag:s13], $0x2000  }
0x35: {  	[sflag:s13] =	ssyncset.done $0x0  }
0x36: {  	[sflag:s13] =	ssyncadd.s32 $0xFFFFE000  }
0x37: {  	[hbm4b:s14+s3] =	stream.linear.scatter [tilespmem:s7], [sflag:$0x4], $0x2000, $0x38;
	[tilespmem:$0x8000] =	vst v63  }
0x38: {  	_ =	swait.ge [sflag:s4], $0x2000  }
0x39: {  	[sflag:s4] =	ssyncset.done $0x0  }
0x3a: {  	[sflag:s4] =	ssyncadd.s32 $0xFFFFE000  }
0x3b: {  	[hbm4b:s15+s3] =	stream.linear.scatter [tilespmem:s9], [sflag:$0x4], $0x2000, $0x38;
	[tilespmem:$0x8000] =	vst v63  }
0x3c: {  	_ =	swait.ge [sflag:s4], $0x2000  }
.Ltmp1:
0x3d: {  	[sflag:s4] =	ssyncset.done $0x0;
	(pc) =	sbr.rel @p0 .LBB2_1-.Ltmp1, $4  }
0x3e: {  	[sflag:s4] =	ssyncadd.s32 $0xFFFFE000  }
0x3f: {  	[hbm4b:s16+s3] =	stream.linear.scatter [tilespmem:s10], [sflag:$0x4], $0x2000, $0x38;
	[tilespmem:$0x8000] =	vst v63  }
0x40: {  	_ =	swait.ge [sflag:s4], $0x2000  }
0x41: {  	[sflag:s4] =	ssyncset.done $0x0  }
.LBB2_2:
0x42: {  	[sflag:s4] =	ssyncadd.s32 $0xFFFFE000  }
0x43: {  	_ =	sfence.sel $0x180000  }
0x44: {  	[bflag:$0x0] =	sbarrier.arrive $0xFFFF  }
0x45: {  	p0 =	sne.s32 s0, $0x0;
	_ =	strace $0x90000047  }
0x46: {  	s0 =	sadd.s32 @!p0 $0x100000, s1;
	[bflag:$0x2] =	sbarrier.arrive $0xFFFF  }
0x47: {  	[sflag:s0] =	ssyncadd.tile.s32 @!p0 $0x1;
	_ =	shalt  }
.Lfunc_end2:
_tile_overlayer_lowered:
.L_overlay_start_2:
0x48: {  	(tag) =	ssettag $0x2  }
0x49: {  	s0 =	rddreg [dreg:$0x0];
	s2 =	stileid.u32  }
0x4a: {  	s1 =	rddreg [dreg:$0x1];
	p0 =	sne.s32 s2, $0x0  }
0x4b: {  	s3 =	rddreg [dreg:$0x2];
	[bflag:$0x3] =	sbarrier.arrive $0xFFFF;
	s2 =	simm.s32 @!p0 $0x1C04  }
0x4c: {  	[timem:s3], [sflag:s2] =	dma.local @!p0 [hbm:s0], s1  }
0x4d: {  	s0 =	simm.s32 @!p0 $0x4  }
0x4e: {  	_ =	swait.ge @!p0 [sflag:s0], s1  }
0x4f: {  	s1 =	ssub.s32 @!p0 $0x0, s1;
	[sflag:s0] =	ssyncset.done @!p0 $0x0  }
0x50: {  	[sflag:s0] =	ssyncadd.s32 @!p0 s1  }
0x51: {  	[bflag:$0x3] =	sbarrier.arrive $0xFFFF  }
0x52: {  	_ =	shalt  }

</sc_bundles>
